<compile_context>
chip_gen: v7x
topology: tpu7x:2x2x1
jax: 0.10.2.dev20260603
libtpu: 0.0.44.dev20260713+nightly
codegen_flags: <defaults>
</compile_context>

<pallas_src>
import jax
import jax.numpy as jnp
from jax import lax
from jax.experimental import pallas as pl
from jax.experimental.pallas import tpu as pltpu
from jax.experimental.pallas import tpu_sc as plsc

_N = 10000
_E = 320000
_D = 128
_R = 8
_DH = _D // 2

_NC = 2
_NS = 16
_CHUNK = 128
_CPT = 160
_EPAD = _NS * _CPT * _CHUNK
_NACC = 10240
_ZROWS = _NACC // _NS
_BATCH = 16


def _h_body(feat_ref, w_ref, h_ref):
    h_ref[0, 0] = lax.dot_general(
        feat_ref[...], w_ref[0],
        (((1,), (1,)), ((), ())),
        preferred_element_type=jnp.float32,
    )


_h_call = pl.pallas_call(
    _h_body,
    grid=(_NC, _R),
    in_specs=[
        pl.BlockSpec((_N, _D), lambda c, r: (0, 0)),
        pl.BlockSpec((1, _DH, _D), lambda c, r: (r, c, 0)),
    ],
    out_specs=pl.BlockSpec((1, 1, _N, _DH), lambda c, r: (c, r, 0, 0)),
    out_shape=jax.ShapeDtypeStruct((_NC, _R, _N, _DH), jnp.float32),
)


def _sc_body(h_hbm, src_hbm, et_hbm, dst_hbm, out_hbm,
             src_b, et_b, dst_v, g_v, rows_v, stage_v, y_sh, sem):
    c = lax.axis_index("c")
    s = lax.axis_index("s")
    base = s * _CPT

    pltpu.sync_copy(dst_hbm.at[pl.ds(base, _CPT)], dst_v)

    zvec = jnp.zeros((16,), jnp.float32)

    def _zrow(i, carry):
        for k in range(_DH // 16):
            stage_v[i, pl.ds(k * 16, 16)] = zvec
        return carry

    lax.fori_loop(0, _CHUNK, _zrow, 0)
    for m in range(_ZROWS // _CHUNK):
        pltpu.sync_copy(stage_v, y_sh.at[pl.ds(s * _ZROWS + m * _CHUNK, _CHUNK)])

    goff = c * (_R * _N)

    for b in range(_CPT // _BATCH):
        pltpu.sync_copy(src_hbm.at[pl.ds(base + b * _BATCH, _BATCH)], src_b)
        pltpu.sync_copy(et_hbm.at[pl.ds(base + b * _BATCH, _BATCH)], et_b)

        def _gidx(j, carry, b=b):
            for k in range(_CHUNK // 16):
                sl = pl.ds(k * 16, 16)
                g_v[b * _BATCH + j, sl] = et_b[j, sl] * _N + src_b[j, sl] + goff
            return carry

        lax.fori_loop(0, _BATCH, _gidx, 0)

    plsc.subcore_barrier()

    def _edge_chunk(j, carry):
        pltpu.async_copy(h_hbm.at[g_v.at[j]], rows_v, sem).wait()
        pltpu.sync_copy(rows_v, y_sh.at[dst_v.at[j]], add=True)
        return carry

    lax.fori_loop(0, _CPT, _edge_chunk, 0)

    plsc.subcore_barrier()

    for m in range(_ZROWS // _CHUNK):
        r0 = s * _ZROWS + m * _CHUNK
        pltpu.sync_copy(y_sh.at[pl.ds(r0, _CHUNK)], stage_v)
        pltpu.sync_copy(stage_v, out_hbm.at[c, pl.ds(r0, _CHUNK)])


_sc_call = pl.kernel(
    _sc_body,
    out_type=jax.ShapeDtypeStruct((_NC, _NACC, _DH), jnp.float32),
    mesh=plsc.VectorSubcoreMesh(core_axis_name="c", subcore_axis_name="s"),
    compiler_params=pltpu.CompilerParams(use_tc_tiling_on_sc=False),
    scratch_types=[
        pltpu.VMEM((_BATCH, _CHUNK), jnp.int32),
        pltpu.VMEM((_BATCH, _CHUNK), jnp.int32),
        pltpu.VMEM((_CPT, _CHUNK), jnp.int32),
        pltpu.VMEM((_CPT, _CHUNK), jnp.int32),
        pltpu.VMEM((_CHUNK, _DH), jnp.float32),
        pltpu.VMEM((_CHUNK, _DH), jnp.float32),
        pltpu.VMEM_SHARED((_NACC, _DH), jnp.float32),
        pltpu.SemaphoreType.DMA,
    ],
)


def _cat_body(p_ref, o_ref):
    o_ref[:, 0:_DH] = p_ref[0]
    o_ref[:, _DH:_D] = p_ref[1]


_cat_call = pl.pallas_call(
    _cat_body,
    grid=(10,),
    in_specs=[pl.BlockSpec((_NC, _N // 10, _DH), lambda i: (0, i, 0))],
    out_specs=pl.BlockSpec((_N // 10, _D), lambda i: (i, 0)),
    out_shape=jax.ShapeDtypeStruct((_N, _D), jnp.float32),
)


def kernel(feat, edge_index, edge_type, W):
    src = edge_index[0]
    dst = edge_index[1]
    h = _h_call(feat, W).reshape(_NC * _R * _N, _DH)
    pad = _EPAD - _E
    src_p = jnp.concatenate([src, jnp.zeros((pad,), jnp.int32)])
    et_p = jnp.concatenate([edge_type, jnp.zeros((pad,), jnp.int32)])
    dst_p = jnp.concatenate([dst, jnp.full((pad,), _N, jnp.int32)])
    shape2d = (_NS * _CPT, _CHUNK)
    parts = _sc_call(h,
                     src_p.reshape(shape2d),
                     et_p.reshape(shape2d),
                     dst_p.reshape(shape2d))
    return _cat_call(parts)

# --- scband reference (transcript-rebuilt; emitter-appended) ---
"""Pipeline reference for scband-rel-graph-conv-hetero-52690658787907 (READ-ONLY COPY).

The authoritative reference and input builder live on the scoring server;
editing this copy changes nothing except your own understanding.
"""

import jax, jax.numpy as jnp
import numpy as np

N = 10000
E = 320000
D_IN = 128
D_OUT = 128
R = 8


def setup_inputs(seed: int = 0) -> dict:
    key = jax.random.key(seed)
    k1, k2, k3, k4 = jax.random.split(key, 4)
    feat = jax.random.normal(k1, (N, D_IN), dtype=jnp.float32)
    edge_index = jax.random.randint(k2, (2, E), 0, N, dtype=jnp.int32)
    edge_type = jax.random.randint(k3, (E,), 0, R, dtype=jnp.int32)
    # learned per-relation weight, matches nn.Parameter(num_rels, out_feat, in_feat)
    W = jax.random.normal(k4, (R, D_OUT, D_IN), dtype=jnp.float32) * 0.05
    return {"feat": feat, "edge_index": edge_index, "edge_type": edge_type, "W": W}


def reference(feat, edge_index, edge_type, W):
    # Faithful RGCN-hetero forward: Y[i, fo] = sum_{(j->i) with etype e} W[e, fo, fi] * X[j, fi]
    # Implemented as per-relation node transform (mathematically identical to the
    # per-edge W[etype] @ x[src] in the TIR kernel), then gather by (etype, src)
    # and scatter-add into destination nodes.
    src = edge_index[0]
    dst = edge_index[1]
    # H[r, n, fo] = sum_fi W[r, fo, fi] * feat[n, fi]
    H = jnp.einsum('roi,ni->rno', W, feat)
    # per-edge message = W[etype[e]] @ feat[src[e]]
    msgs = H[edge_type, src]  # [E, D_OUT] gather
    # scatter-add messages into destination nodes
    Y = jax.ops.segment_sum(msgs, dst, num_segments=N)
    return Y

if __name__ == "__main__":
    import jax
    _d = setup_inputs()
    print(jax.jit(kernel)(*tuple(_d.values())))

</pallas_src>

<mosaic_0001>
#map = affine_map<(d0, d1) -> (0, 0)>
#map1 = affine_map<(d0, d1) -> (0, 0, 0)>
module attributes {stable_mosaic.version = 14 : i64} {
  func.func @_sc_body(%arg0: i32, %arg1: i32, %arg2: memref<160000x64xf32, #tpu.memory_space<hbm>>, %arg3: memref<2560x128xi32, #tpu.memory_space<hbm>>, %arg4: memref<2560x128xi32, #tpu.memory_space<hbm>>, %arg5: memref<2560x128xi32, #tpu.memory_space<hbm>>, %arg6: memref<2x10240x64xf32, #tpu.memory_space<hbm>>, %arg7: memref<16x128xi32, #tpu.memory_space<vmem>>, %arg8: memref<16x128xi32, #tpu.memory_space<vmem>>, %arg9: memref<160x128xi32, #tpu.memory_space<vmem>>, %arg10: memref<160x128xi32, #tpu.memory_space<vmem>>, %arg11: memref<128x64xf32, #tpu.memory_space<vmem>>, %arg12: memref<128x64xf32, #tpu.memory_space<vmem>>, %arg13: memref<10240x64xf32, #tpu.memory_space<vmem_shared>>, %arg14: memref<!tpu.dma_semaphore, #tpu.memory_space<semaphore_mem>>) attributes {dimension_semantics = [#tpu.dimension_semantics<core_parallel>, #tpu.dimension_semantics<subcore_parallel>], iteration_bounds = array<i64: 2, 16>, scalar_prefetch = 0 : i64, scratch_operands = 8 : i64, tpu.core_type = #tpu.core_type<sc_vector_subcore>, window_params = [{transform_indices = #map}, {transform_indices = #map}, {transform_indices = #map}, {transform_indices = #map}, {transform_indices = #map1}]} {
    %mul3A = arith.constant 160 : i32
    %mul3A_0 = arith.muli %arg1, %mul3A : i32
    "tpu.region"() ({
      %run_scoped3A = tpu.sem_alloc : memref<!tpu.dma_semaphore, #tpu.memory_space<semaphore_mem>>
      %dma_start3A = arith.constant 0 : i32
      %dma_start3A_155 = tpu.memref_slice %arg5[%mul3A_0, %dma_start3A] : memref<2560x128xi32, #tpu.memory_space<hbm>> -> memref<160x128xi32, #tpu.memory_space<hbm>>
      %dma_start3A_156 = arith.constant 0 : i32
      %dma_start3A_157 = tpu.memref_slice %arg5[%mul3A_0, %dma_start3A_156] : memref<2560x128xi32, #tpu.memory_space<hbm>> -> memref<160x128xi32, #tpu.memory_space<hbm>>
      tpu.enqueue_dma source(%dma_start3A_157 : memref<160x128xi32, #tpu.memory_space<hbm>>) target(%arg9 : memref<160x128xi32, #tpu.memory_space<vmem>>) target_semaphore(%run_scoped3A : memref<!tpu.dma_semaphore, #tpu.memory_space<semaphore_mem>>)
      %dma_wait3A = arith.constant 0 : i32
      %dma_wait3A_158 = tpu.memref_slice %arg5[%mul3A_0, %dma_wait3A] : memref<2560x128xi32, #tpu.memory_space<hbm>> -> memref<160x128xi32, #tpu.memory_space<hbm>>
      %dma_wait3A_159 = arith.constant 0 : i32
      %dma_wait3A_160 = tpu.memref_slice %arg5[%mul3A_0, %dma_wait3A_159] : memref<2560x128xi32, #tpu.memory_space<hbm>> -> memref<160x128xi32, #tpu.memory_space<hbm>>
      tpu.wait_dma2 semaphore(%run_scoped3A : memref<!tpu.dma_semaphore, #tpu.memory_space<semaphore_mem>>) src(%dma_wait3A_160 : memref<160x128xi32, #tpu.memory_space<hbm>>) dst(%arg9 : memref<160x128xi32, #tpu.memory_space<vmem>>)
      tpu.yield
    }) : () -> ()
    %broadcast_in_dim3A = arith.constant 0.000000e+00 : f32
    %broadcast_in_dim3A_1 = vector.broadcast %broadcast_in_dim3A : f32 to vector<16xf32>
    %scan3A = arith.constant 0 : i32
    %scan3A_2 = arith.constant 0 : i32
    %scan3A_3 = arith.constant 128 : i32
    %scan3A_4 = arith.addi %scan3A_2, %scan3A_3 : i32
    %scan3A_5 = arith.constant 1 : i32
    scf.for %scan3A_155 = %scan3A_2 to %scan3A_4 step %scan3A_5  : i32 {
      %swap3A = arith.index_cast %scan3A_155 : i32 to index
      %swap3A_156 = arith.constant 0 : index
      %swap3A_157 = tpu.vector_load %arg12[%swap3A, %swap3A_156] {strides = array<i32>} : memref<128x64xf32, #tpu.memory_space<vmem>>, vector<1x16xf32>,
      %swap3A_158 = vector.shape_cast %swap3A_157 : vector<1x16xf32> to vector<16xf32>
      %swap3A_159 = vector.shape_cast %broadcast_in_dim3A_1 : vector<16xf32> to vector<1x16xf32>
      tpu.vector_store %arg12[%swap3A, %swap3A_156], %swap3A_159 {strides = array<i32>} : memref<128x64xf32, #tpu.memory_space<vmem>>, vector<1x16xf32>,
      %swap3A_160 = arith.index_cast %scan3A_155 : i32 to index
      %swap3A_161 = arith.constant 16 : index
      %swap3A_162 = tpu.vector_load %arg12[%swap3A_160, %swap3A_161] {strides = array<i32>} : memref<128x64xf32, #tpu.memory_space<vmem>>, vector<1x16xf32>,
      %swap3A_163 = vector.shape_cast %swap3A_162 : vector<1x16xf32> to vector<16xf32>
      %swap3A_164 = vector.shape_cast %broadcast_in_dim3A_1 : vector<16xf32> to vector<1x16xf32>
      tpu.vector_store %arg12[%swap3A_160, %swap3A_161], %swap3A_164 {strides = array<i32>} : memref<128x64xf32, #tpu.memory_space<vmem>>, vector<1x16xf32>,
      %swap3A_165 = arith.index_cast %scan3A_155 : i32 to index
      %swap3A_166 = arith.constant 32 : index
      %swap3A_167 = tpu.vector_load %arg12[%swap3A_165, %swap3A_166] {strides = array<i32>} : memref<128x64xf32, #tpu.memory_space<vmem>>, vector<1x16xf32>,
      %swap3A_168 = vector.shape_cast %swap3A_167 : vector<1x16xf32> to vector<16xf32>
      %swap3A_169 = vector.shape_cast %broadcast_in_dim3A_1 : vector<16xf32> to vector<1x16xf32>
      tpu.vector_store %arg12[%swap3A_165, %swap3A_166], %swap3A_169 {strides = array<i32>} : memref<128x64xf32, #tpu.memory_space<vmem>>, vector<1x16xf32>,
      %swap3A_170 = arith.index_cast %scan3A_155 : i32 to index
      %swap3A_171 = arith.constant 48 : index
      %swap3A_172 = tpu.vector_load %arg12[%swap3A_170, %swap3A_171] {strides = array<i32>} : memref<128x64xf32, #tpu.memory_space<vmem>>, vector<1x16xf32>,
      %swap3A_173 = vector.shape_cast %swap3A_172 : vector<1x16xf32> to vector<16xf32>
      %swap3A_174 = vector.shape_cast %broadcast_in_dim3A_1 : vector<16xf32> to vector<1x16xf32>
      tpu.vector_store %arg12[%swap3A_170, %swap3A_171], %swap3A_174 {strides = array<i32>} : memref<128x64xf32, #tpu.memory_space<vmem>>, vector<1x16xf32>,
    }
    %scan3A_6 = arith.constant 128 : i32
    %mul3A_7 = arith.constant 640 : i32
    %mul3A_8 = arith.muli %arg1, %mul3A_7 : i32
    %add3A = arith.constant 0 : i32
    %add3A_9 = arith.addi %mul3A_8, %add3A : i32
    "tpu.region"() ({
      %run_scoped3A = tpu.sem_alloc : memref<!tpu.dma_semaphore, #tpu.memory_space<semaphore_mem>>
      %dma_start3A = arith.constant 0 : i32
      %dma_start3A_155 = tpu.memref_slice %arg13[%add3A_9, %dma_start3A] : memref<10240x64xf32, #tpu.memory_space<vmem_shared>> -> memref<128x64xf32, #tpu.memory_space<vmem_shared>>
      %dma_start3A_156 = arith.constant 0 : i32
      %dma_start3A_157 = tpu.memref_slice %arg13[%add3A_9, %dma_start3A_156] : memref<10240x64xf32, #tpu.memory_space<vmem_shared>> -> memref<128x64xf32, #tpu.memory_space<vmem_shared>>
      tpu.enqueue_dma source(%arg12 : memref<128x64xf32, #tpu.memory_space<vmem>>) target(%dma_start3A_157 : memref<128x64xf32, #tpu.memory_space<vmem_shared>>) target_semaphore(%run_scoped3A : memref<!tpu.dma_semaphore, #tpu.memory_space<semaphore_mem>>)
      %dma_wait3A = arith.constant 0 : i32
      %dma_wait3A_158 = tpu.memref_slice %arg13[%add3A_9, %dma_wait3A] : memref<10240x64xf32, #tpu.memory_space<vmem_shared>> -> memref<128x64xf32, #tpu.memory_space<vmem_shared>>
      %dma_wait3A_159 = arith.constant 0 : i32
      %dma_wait3A_160 = tpu.memref_slice %arg13[%add3A_9, %dma_wait3A_159] : memref<10240x64xf32, #tpu.memory_space<vmem_shared>> -> memref<128x64xf32, #tpu.memory_space<vmem_shared>>
      tpu.wait_dma2 semaphore(%run_scoped3A : memref<!tpu.dma_semaphore, #tpu.memory_space<semaphore_mem>>) src(%arg12 : memref<128x64xf32, #tpu.memory_space<vmem>>) dst(%dma_wait3A_160 : memref<128x64xf32, #tpu.memory_space<vmem_shared>>)
      tpu.yield
    }) : () -> ()
    %mul3A_10 = arith.constant 640 : i32
    %mul3A_11 = arith.muli %arg1, %mul3A_10 : i32
    %add3A_12 = arith.constant 128 : i32
    %add3A_13 = arith.addi %mul3A_11, %add3A_12 : i32
    "tpu.region"() ({
      %run_scoped3A = tpu.sem_alloc : memref<!tpu.dma_semaphore, #tpu.memory_space<semaphore_mem>>
      %dma_start3A = arith.constant 0 : i32
      %dma_start3A_155 = tpu.memref_slice %arg13[%add3A_13, %dma_start3A] : memref<10240x64xf32, #tpu.memory_space<vmem_shared>> -> memref<128x64xf32, #tpu.memory_space<vmem_shared>>
      %dma_start3A_156 = arith.constant 0 : i32
      %dma_start3A_157 = tpu.memref_slice %arg13[%add3A_13, %dma_start3A_156] : memref<10240x64xf32, #tpu.memory_space<vmem_shared>> -> memref<128x64xf32, #tpu.memory_space<vmem_shared>>
      tpu.enqueue_dma source(%arg12 : memref<128x64xf32, #tpu.memory_space<vmem>>) target(%dma_start3A_157 : memref<128x64xf32, #tpu.memory_space<vmem_shared>>) target_semaphore(%run_scoped3A : memref<!tpu.dma_semaphore, #tpu.memory_space<semaphore_mem>>)
      %dma_wait3A = arith.constant 0 : i32
      %dma_wait3A_158 = tpu.memref_slice %arg13[%add3A_13, %dma_wait3A] : memref<10240x64xf32, #tpu.memory_space<vmem_shared>> -> memref<128x64xf32, #tpu.memory_space<vmem_shared>>
      %dma_wait3A_159 = arith.constant 0 : i32
      %dma_wait3A_160 = tpu.memref_slice %arg13[%add3A_13, %dma_wait3A_159] : memref<10240x64xf32, #tpu.memory_space<vmem_shared>> -> memref<128x64xf32, #tpu.memory_space<vmem_shared>>
      tpu.wait_dma2 semaphore(%run_scoped3A : memref<!tpu.dma_semaphore, #tpu.memory_space<semaphore_mem>>) src(%arg12 : memref<128x64xf32, #tpu.memory_space<vmem>>) dst(%dma_wait3A_160 : memref<128x64xf32, #tpu.memory_space<vmem_shared>>)
      tpu.yield
    }) : () -> ()
    %mul3A_14 = arith.constant 640 : i32
    %mul3A_15 = arith.muli %arg1, %mul3A_14 : i32
    %add3A_16 = arith.constant 256 : i32
    %add3A_17 = arith.addi %mul3A_15, %add3A_16 : i32
    "tpu.region"() ({
      %run_scoped3A = tpu.sem_alloc : memref<!tpu.dma_semaphore, #tpu.memory_space<semaphore_mem>>
      %dma_start3A = arith.constant 0 : i32
      %dma_start3A_155 = tpu.memref_slice %arg13[%add3A_17, %dma_start3A] : memref<10240x64xf32, #tpu.memory_space<vmem_shared>> -> memref<128x64xf32, #tpu.memory_space<vmem_shared>>
      %dma_start3A_156 = arith.constant 0 : i32
      %dma_start3A_157 = tpu.memref_slice %arg13[%add3A_17, %dma_start3A_156] : memref<10240x64xf32, #tpu.memory_space<vmem_shared>> -> memref<128x64xf32, #tpu.memory_space<vmem_shared>>
      tpu.enqueue_dma source(%arg12 : memref<128x64xf32, #tpu.memory_space<vmem>>) target(%dma_start3A_157 : memref<128x64xf32, #tpu.memory_space<vmem_shared>>) target_semaphore(%run_scoped3A : memref<!tpu.dma_semaphore, #tpu.memory_space<semaphore_mem>>)
      %dma_wait3A = arith.constant 0 : i32
      %dma_wait3A_158 = tpu.memref_slice %arg13[%add3A_17, %dma_wait3A] : memref<10240x64xf32, #tpu.memory_space<vmem_shared>> -> memref<128x64xf32, #tpu.memory_space<vmem_shared>>
      %dma_wait3A_159 = arith.constant 0 : i32
      %dma_wait3A_160 = tpu.memref_slice %arg13[%add3A_17, %dma_wait3A_159] : memref<10240x64xf32, #tpu.memory_space<vmem_shared>> -> memref<128x64xf32, #tpu.memory_space<vmem_shared>>
      tpu.wait_dma2 semaphore(%run_scoped3A : memref<!tpu.dma_semaphore, #tpu.memory_space<semaphore_mem>>) src(%arg12 : memref<128x64xf32, #tpu.memory_space<vmem>>) dst(%dma_wait3A_160 : memref<128x64xf32, #tpu.memory_space<vmem_shared>>)
      tpu.yield
    }) : () -> ()
    %mul3A_18 = arith.constant 640 : i32
    %mul3A_19 = arith.muli %arg1, %mul3A_18 : i32
    %add3A_20 = arith.constant 384 : i32
    %add3A_21 = arith.addi %mul3A_19, %add3A_20 : i32
    "tpu.region"() ({
      %run_scoped3A = tpu.sem_alloc : memref<!tpu.dma_semaphore, #tpu.memory_space<semaphore_mem>>
      %dma_start3A = arith.constant 0 : i32
      %dma_start3A_155 = tpu.memref_slice %arg13[%add3A_21, %dma_start3A] : memref<10240x64xf32, #tpu.memory_space<vmem_shared>> -> memref<128x64xf32, #tpu.memory_space<vmem_shared>>
      %dma_start3A_156 = arith.constant 0 : i32
      %dma_start3A_157 = tpu.memref_slice %arg13[%add3A_21, %dma_start3A_156] : memref<10240x64xf32, #tpu.memory_space<vmem_shared>> -> memref<128x64xf32, #tpu.memory_space<vmem_shared>>
      tpu.enqueue_dma source(%arg12 : memref<128x64xf32, #tpu.memory_space<vmem>>) target(%dma_start3A_157 : memref<128x64xf32, #tpu.memory_space<vmem_shared>>) target_semaphore(%run_scoped3A : memref<!tpu.dma_semaphore, #tpu.memory_space<semaphore_mem>>)
      %dma_wait3A = arith.constant 0 : i32
      %dma_wait3A_158 = tpu.memref_slice %arg13[%add3A_21, %dma_wait3A] : memref<10240x64xf32, #tpu.memory_space<vmem_shared>> -> memref<128x64xf32, #tpu.memory_space<vmem_shared>>
      %dma_wait3A_159 = arith.constant 0 : i32
      %dma_wait3A_160 = tpu.memref_slice %arg13[%add3A_21, %dma_wait3A_159] : memref<10240x64xf32, #tpu.memory_space<vmem_shared>> -> memref<128x64xf32, #tpu.memory_space<vmem_shared>>
      tpu.wait_dma2 semaphore(%run_scoped3A : memref<!tpu.dma_semaphore, #tpu.memory_space<semaphore_mem>>) src(%arg12 : memref<128x64xf32, #tpu.memory_space<vmem>>) dst(%dma_wait3A_160 : memref<128x64xf32, #tpu.memory_space<vmem_shared>>)
      tpu.yield
    }) : () -> ()
    %mul3A_22 = arith.constant 640 : i32
    %mul3A_23 = arith.muli %arg1, %mul3A_22 : i32
    %add3A_24 = arith.constant 512 : i32
    %add3A_25 = arith.addi %mul3A_23, %add3A_24 : i32
    "tpu.region"() ({
      %run_scoped3A = tpu.sem_alloc : memref<!tpu.dma_semaphore, #tpu.memory_space<semaphore_mem>>
      %dma_start3A = arith.constant 0 : i32
      %dma_start3A_155 = tpu.memref_slice %arg13[%add3A_25, %dma_start3A] : memref<10240x64xf32, #tpu.memory_space<vmem_shared>> -> memref<128x64xf32, #tpu.memory_space<vmem_shared>>
      %dma_start3A_156 = arith.constant 0 : i32
      %dma_start3A_157 = tpu.memref_slice %arg13[%add3A_25, %dma_start3A_156] : memref<10240x64xf32, #tpu.memory_space<vmem_shared>> -> memref<128x64xf32, #tpu.memory_space<vmem_shared>>
      tpu.enqueue_dma source(%arg12 : memref<128x64xf32, #tpu.memory_space<vmem>>) target(%dma_start3A_157 : memref<128x64xf32, #tpu.memory_space<vmem_shared>>) target_semaphore(%run_scoped3A : memref<!tpu.dma_semaphore, #tpu.memory_space<semaphore_mem>>)
      %dma_wait3A = arith.constant 0 : i32
      %dma_wait3A_158 = tpu.memref_slice %arg13[%add3A_25, %dma_wait3A] : memref<10240x64xf32, #tpu.memory_space<vmem_shared>> -> memref<128x64xf32, #tpu.memory_space<vmem_shared>>
      %dma_wait3A_159 = arith.constant 0 : i32
      %dma_wait3A_160 = tpu.memref_slice %arg13[%add3A_25, %dma_wait3A_159] : memref<10240x64xf32, #tpu.memory_space<vmem_shared>> -> memref<128x64xf32, #tpu.memory_space<vmem_shared>>
      tpu.wait_dma2 semaphore(%run_scoped3A : memref<!tpu.dma_semaphore, #tpu.memory_space<semaphore_mem>>) src(%arg12 : memref<128x64xf32, #tpu.memory_space<vmem>>) dst(%dma_wait3A_160 : memref<128x64xf32, #tpu.memory_space<vmem_shared>>)
      tpu.yield
    }) : () -> ()
    %mul3A_26 = arith.constant 80000 : i32
    %mul3A_27 = arith.muli %arg0, %mul3A_26 : i32
    %add3A_28 = arith.constant 0 : i32
    %add3A_29 = arith.addi %mul3A_0, %add3A_28 : i32
    "tpu.region"() ({
      %run_scoped3A = tpu.sem_alloc : memref<!tpu.dma_semaphore, #tpu.memory_space<semaphore_mem>>
      %dma_start3A = arith.constant 0 : i32
      %dma_start3A_155 = tpu.memref_slice %arg3[%add3A_29, %dma_start3A] : memref<2560x128xi32, #tpu.memory_space<hbm>> -> memref<16x128xi32, #tpu.memory_space<hbm>>
      %dma_start3A_156 = arith.constant 0 : i32
      %dma_start3A_157 = tpu.memref_slice %arg3[%add3A_29, %dma_start3A_156] : memref<2560x128xi32, #tpu.memory_space<hbm>> -> memref<16x128xi32, #tpu.memory_space<hbm>>
      tpu.enqueue_dma source(%dma_start3A_157 : memref<16x128xi32, #tpu.memory_space<hbm>>) target(%arg7 : memref<16x128xi32, #tpu.memory_space<vmem>>) target_semaphore(%run_scoped3A : memref<!tpu.dma_semaphore, #tpu.memory_space<semaphore_mem>>)
      %dma_wait3A = arith.constant 0 : i32
      %dma_wait3A_158 = tpu.memref_slice %arg3[%add3A_29, %dma_wait3A] : memref<2560x128xi32, #tpu.memory_space<hbm>> -> memref<16x128xi32, #tpu.memory_space<hbm>>
      %dma_wait3A_159 = arith.constant 0 : i32
      %dma_wait3A_160 = tpu.memref_slice %arg3[%add3A_29, %dma_wait3A_159] : memref<2560x128xi32, #tpu.memory_space<hbm>> -> memref<16x128xi32, #tpu.memory_space<hbm>>
      tpu.wait_dma2 semaphore(%run_scoped3A : memref<!tpu.dma_semaphore, #tpu.memory_space<semaphore_mem>>) src(%dma_wait3A_160 : memref<16x128xi32, #tpu.memory_space<hbm>>) dst(%arg7 : memref<16x128xi32, #tpu.memory_space<vmem>>)
      tpu.yield
    }) : () -> ()
    %add3A_30 = arith.constant 0 : i32
    %add3A_31 = arith.addi %mul3A_0, %add3A_30 : i32
    "tpu.region"() ({
      %run_scoped3A = tpu.sem_alloc : memref<!tpu.dma_semaphore, #tpu.memory_space<semaphore_mem>>
      %dma_start3A = arith.constant 0 : i32
      %dma_start3A_155 = tpu.memref_slice %arg4[%add3A_31, %dma_start3A] : memref<2560x128xi32, #tpu.memory_space<hbm>> -> memref<16x128xi32, #tpu.memory_space<hbm>>
      %dma_start3A_156 = arith.constant 0 : i32
      %dma_start3A_157 = tpu.memref_slice %arg4[%add3A_31, %dma_start3A_156] : memref<2560x128xi32, #tpu.memory_space<hbm>> -> memref<16x128xi32, #tpu.memory_space<hbm>>
      tpu.enqueue_dma source(%dma_start3A_157 : memref<16x128xi32, #tpu.memory_space<hbm>>) target(%arg8 : memref<16x128xi32, #tpu.memory_space<vmem>>) target_semaphore(%run_scoped3A : memref<!tpu.dma_semaphore, #tpu.memory_space<semaphore_mem>>)
      %dma_wait3A = arith.constant 0 : i32
      %dma_wait3A_158 = tpu.memref_slice %arg4[%add3A_31, %dma_wait3A] : memref<2560x128xi32, #tpu.memory_space<hbm>> -> memref<16x128xi32, #tpu.memory_space<hbm>>
      %dma_wait3A_159 = arith.constant 0 : i32
      %dma_wait3A_160 = tpu.memref_slice %arg4[%add3A_31, %dma_wait3A_159] : memref<2560x128xi32, #tpu.memory_space<hbm>> -> memref<16x128xi32, #tpu.memory_space<hbm>>
      tpu.wait_dma2 semaphore(%run_scoped3A : memref<!tpu.dma_semaphore, #tpu.memory_space<semaphore_mem>>) src(%dma_wait3A_160 : memref<16x128xi32, #tpu.memory_space<hbm>>) dst(%arg8 : memref<16x128xi32, #tpu.memory_space<vmem>>)
      tpu.yield
    }) : () -> ()
    %scan3A_32 = arith.constant 0 : i32
    %scan3A_33 = arith.constant 0 : i32
    %scan3A_34 = arith.constant 16 : i32
    %scan3A_35 = arith.addi %scan3A_33, %scan3A_34 : i32
    %scan3A_36 = arith.constant 1 : i32
    scf.for %scan3A_155 = %scan3A_33 to %scan3A_35 step %scan3A_36  : i32 {
      %get3A = arith.index_cast %scan3A_155 : i32 to index
      %get3A_156 = arith.constant 0 : index
      %get3A_157 = tpu.vector_load %arg8[%get3A, %get3A_156] {strides = array<i32>} : memref<16x128xi32, #tpu.memory_space<vmem>>, vector<1x16xi32>,
      %get3A_158 = vector.shape_cast %get3A_157 : vector<1x16xi32> to vector<16xi32>
      %mul3A_159 = arith.constant 10000 : i32
      %mul3A_160 = vector.broadcast %mul3A_159 : i32 to vector<16xi32>
      %mul3A_161 = arith.muli %get3A_158, %mul3A_160 : vector<16xi32>
      %get3A_162 = arith.index_cast %scan3A_155 : i32 to index
      %get3A_163 = arith.constant 0 : index
      %get3A_164 = tpu.vector_load %arg7[%get3A_162, %get3A_163] {strides = array<i32>} : memref<16x128xi32, #tpu.memory_space<vmem>>, vector<1x16xi32>,
      %get3A_165 = vector.shape_cast %get3A_164 : vector<1x16xi32> to vector<16xi32>
      %add3A_166 = arith.addi %mul3A_161, %get3A_165 : vector<16xi32>
      %add3A_167 = vector.broadcast %mul3A_27 : i32 to vector<16xi32>
      %add3A_168 = arith.addi %add3A_166, %add3A_167 : vector<16xi32>
      %add3A_169 = arith.constant 0 : i32
      %add3A_170 = arith.addi %add3A_169, %scan3A_155 : i32
      %swap3A = arith.index_cast %add3A_170 : i32 to index
      %swap3A_171 = arith.constant 0 : index
      %swap3A_172 = tpu.vector_load %arg10[%swap3A, %swap3A_171] {strides = array<i32>} : memref<160x128xi32, #tpu.memory_space<vmem>>, vector<1x16xi32>,
      %swap3A_173 = vector.shape_cast %swap3A_172 : vector<1x16xi32> to vector<16xi32>
      %swap3A_174 = vector.shape_cast %add3A_168 : vector<16xi32> to vector<1x16xi32>
      tpu.vector_store %arg10[%swap3A, %swap3A_171], %swap3A_174 {strides = array<i32>} : memref<160x128xi32, #tpu.memory_space<vmem>>, vector<1x16xi32>,
      %get3A_175 = arith.index_cast %scan3A_155 : i32 to index
      %get3A_176 = arith.constant 16 : index
      %get3A_177 = tpu.vector_load %arg8[%get3A_175, %get3A_176] {strides = array<i32>} : memref<16x128xi32, #tpu.memory_space<vmem>>, vector<1x16xi32>,
      %get3A_178 = vector.shape_cast %get3A_177 : vector<1x16xi32> to vector<16xi32>
      %mul3A_179 = arith.constant 10000 : i32
      %mul3A_180 = vector.broadcast %mul3A_179 : i32 to vector<16xi32>
      %mul3A_181 = arith.muli %get3A_178, %mul3A_180 : vector<16xi32>
      %get3A_182 = arith.index_cast %scan3A_155 : i32 to index
      %get3A_183 = arith.constant 16 : index
      %get3A_184 = tpu.vector_load %arg7[%get3A_182, %get3A_183] {strides = array<i32>} : memref<16x128xi32, #tpu.memory_space<vmem>>, vector<1x16xi32>,
      %get3A_185 = vector.shape_cast %get3A_184 : vector<1x16xi32> to vector<16xi32>
      %add3A_186 = arith.addi %mul3A_181, %get3A_185 : vector<16xi32>
      %add3A_187 = vector.broadcast %mul3A_27 : i32 to vector<16xi32>
      %add3A_188 = arith.addi %add3A_186, %add3A_187 : vector<16xi32>
      %add3A_189 = arith.constant 0 : i32
      %add3A_190 = arith.addi %add3A_189, %scan3A_155 : i32
      %swap3A_191 = arith.index_cast %add3A_190 : i32 to index
      %swap3A_192 = arith.constant 16 : index
      %swap3A_193 = tpu.vector_load %arg10[%swap3A_191, %swap3A_192] {strides = array<i32>} : memref<160x128xi32, #tpu.memory_space<vmem>>, vector<1x16xi32>,
      %swap3A_194 = vector.shape_cast %swap3A_193 : vector<1x16xi32> to vector<16xi32>
      %swap3A_195 = vector.shape_cast %add3A_188 : vector<16xi32> to vector<1x16xi32>
      tpu.vector_store %arg10[%swap3A_191, %swap3A_192], %swap3A_195 {strides = array<i32>} : memref<160x128xi32, #tpu.memory_space<vmem>>, vector<1x16xi32>,
      %get3A_196 = arith.index_cast %scan3A_155 : i32 to index
      %get3A_197 = arith.constant 32 : index
      %get3A_198 = tpu.vector_load %arg8[%get3A_196, %get3A_197] {strides = array<i32>} : memref<16x128xi32, #tpu.memory_space<vmem>>, vector<1x16xi32>,
      %get3A_199 = vector.shape_cast %get3A_198 : vector<1x16xi32> to vector<16xi32>
      %mul3A_200 = arith.constant 10000 : i32
      %mul3A_201 = vector.broadcast %mul3A_200 : i32 to vector<16xi32>
      %mul3A_202 = arith.muli %get3A_199, %mul3A_201 : vector<16xi32>
      %get3A_203 = arith.index_cast %scan3A_155 : i32 to index
      %get3A_204 = arith.constant 32 : index
      %get3A_205 = tpu.vector_load %arg7[%get3A_203, %get3A_204] {strides = array<i32>} : memref<16x128xi32, #tpu.memory_space<vmem>>, vector<1x16xi32>,
      %get3A_206 = vector.shape_cast %get3A_205 : vector<1x16xi32> to vector<16xi32>
      %add3A_207 = arith.addi %mul3A_202, %get3A_206 : vector<16xi32>
      %add3A_208 = vector.broadcast %mul3A_27 : i32 to vector<16xi32>
      %add3A_209 = arith.addi %add3A_207, %add3A_208 : vector<16xi32>
      %add3A_210 = arith.constant 0 : i32
      %add3A_211 = arith.addi %add3A_210, %scan3A_155 : i32
      %swap3A_212 = arith.index_cast %add3A_211 : i32 to index
      %swap3A_213 = arith.constant 32 : index
      %swap3A_214 = tpu.vector_load %arg10[%swap3A_212, %swap3A_213] {strides = array<i32>} : memref<160x128xi32, #tpu.memory_space<vmem>>, vector<1x16xi32>,
      %swap3A_215 = vector.shape_cast %swap3A_214 : vector<1x16xi32> to vector<16xi32>
      %swap3A_216 = vector.shape_cast %add3A_209 : vector<16xi32> to vector<1x16xi32>
      tpu.vector_store %arg10[%swap3A_212, %swap3A_213], %swap3A_216 {strides = array<i32>} : memref<160x128xi32, #tpu.memory_space<vmem>>, vector<1x16xi32>,
      %get3A_217 = arith.index_cast %scan3A_155 : i32 to index
      %get3A_218 = arith.constant 48 : index
      %get3A_219 = tpu.vector_load %arg8[%get3A_217, %get3A_218] {strides = array<i32>} : memref<16x128xi32, #tpu.memory_space<vmem>>, vector<1x16xi32>,
      %get3A_220 = vector.shape_cast %get3A_219 : vector<1x16xi32> to vector<16xi32>
      %mul3A_221 = arith.constant 10000 : i32
      %mul3A_222 = vector.broadcast %mul3A_221 : i32 to vector<16xi32>
      %mul3A_223 = arith.muli %get3A_220, %mul3A_222 : vector<16xi32>
      %get3A_224 = arith.index_cast %scan3A_155 : i32 to index
      %get3A_225 = arith.constant 48 : index
      %get3A_226 = tpu.vector_load %arg7[%get3A_224, %get3A_225] {strides = array<i32>} : memref<16x128xi32, #tpu.memory_space<vmem>>, vector<1x16xi32>,
      %get3A_227 = vector.shape_cast %get3A_226 : vector<1x16xi32> to vector<16xi32>
      %add3A_228 = arith.addi %mul3A_223, %get3A_227 : vector<16xi32>
      %add3A_229 = vector.broadcast %mul3A_27 : i32 to vector<16xi32>
      %add3A_230 = arith.addi %add3A_228, %add3A_229 : vector<16xi32>
      %add3A_231 = arith.constant 0 : i32
      %add3A_232 = arith.addi %add3A_231, %scan3A_155 : i32
      %swap3A_233 = arith.index_cast %add3A_232 : i32 to index
      %swap3A_234 = arith.constant 48 : index
      %swap3A_235 = tpu.vector_load %arg10[%swap3A_233, %swap3A_234] {strides = array<i32>} : memref<160x128xi32, #tpu.memory_space<vmem>>, vector<1x16xi32>,
      %swap3A_236 = vector.shape_cast %swap3A_235 : vector<1x16xi32> to vector<16xi32>
      %swap3A_237 = vector.shape_cast %add3A_230 : vector<16xi32> to vector<1x16xi32>
      tpu.vector_store %arg10[%swap3A_233, %swap3A_234], %swap3A_237 {strides = array<i32>} : memref<160x128xi32, #tpu.memory_space<vmem>>, vector<1x16xi32>,
      %get3A_238 = arith.index_cast %scan3A_155 : i32 to index
      %get3A_239 = arith.constant 64 : index
      %get3A_240 = tpu.vector_load %arg8[%get3A_238, %get3A_239] {strides = array<i32>} : memref<16x128xi32, #tpu.memory_space<vmem>>, vector<1x16xi32>,
      %get3A_241 = vector.shape_cast %get3A_240 : vector<1x16xi32> to vector<16xi32>
      %mul3A_242 = arith.constant 10000 : i32
      %mul3A_243 = vector.broadcast %mul3A_242 : i32 to vector<16xi32>
      %mul3A_244 = arith.muli %get3A_241, %mul3A_243 : vector<16xi32>
      %get3A_245 = arith.index_cast %scan3A_155 : i32 to index
      %get3A_246 = arith.constant 64 : index
      %get3A_247 = tpu.vector_load %arg7[%get3A_245, %get3A_246] {strides = array<i32>} : memref<16x128xi32, #tpu.memory_space<vmem>>, vector<1x16xi32>,
      %get3A_248 = vector.shape_cast %get3A_247 : vector<1x16xi32> to vector<16xi32>
      %add3A_249 = arith.addi %mul3A_244, %get3A_248 : vector<16xi32>
      %add3A_250 = vector.broadcast %mul3A_27 : i32 to vector<16xi32>
      %add3A_251 = arith.addi %add3A_249, %add3A_250 : vector<16xi32>
      %add3A_252 = arith.constant 0 : i32
      %add3A_253 = arith.addi %add3A_252, %scan3A_155 : i32
      %swap3A_254 = arith.index_cast %add3A_253 : i32 to index
      %swap3A_255 = arith.constant 64 : index
      %swap3A_256 = tpu.vector_load %arg10[%swap3A_254, %swap3A_255] {strides = array<i32>} : memref<160x128xi32, #tpu.memory_space<vmem>>, vector<1x16xi32>,
      %swap3A_257 = vector.shape_cast %swap3A_256 : vector<1x16xi32> to vector<16xi32>
      %swap3A_258 = vector.shape_cast %add3A_251 : vector<16xi32> to vector<1x16xi32>
      tpu.vector_store %arg10[%swap3A_254, %swap3A_255], %swap3A_258 {strides = array<i32>} : memref<160x128xi32, #tpu.memory_space<vmem>>, vector<1x16xi32>,
      %get3A_259 = arith.index_cast %scan3A_155 : i32 to index
      %get3A_260 = arith.constant 80 : index
      %get3A_261 = tpu.vector_load %arg8[%get3A_259, %get3A_260] {strides = array<i32>} : memref<16x128xi32, #tpu.memory_space<vmem>>, vector<1x16xi32>,
      %get3A_262 = vector.shape_cast %get3A_261 : vector<1x16xi32> to vector<16xi32>
      %mul3A_263 = arith.constant 10000 : i32
      %mul3A_264 = vector.broadcast %mul3A_263 : i32 to vector<16xi32>
      %mul3A_265 = arith.muli %get3A_262, %mul3A_264 : vector<16xi32>
      %get3A_266 = arith.index_cast %scan3A_155 : i32 to index
      %get3A_267 = arith.constant 80 : index
      %get3A_268 = tpu.vector_load %arg7[%get3A_266, %get3A_267] {strides = array<i32>} : memref<16x128xi32, #tpu.memory_space<vmem>>, vector<1x16xi32>,
      %get3A_269 = vector.shape_cast %get3A_268 : vector<1x16xi32> to vector<16xi32>
      %add3A_270 = arith.addi %mul3A_265, %get3A_269 : vector<16xi32>
      %add3A_271 = vector.broadcast %mul3A_27 : i32 to vector<16xi32>
      %add3A_272 = arith.addi %add3A_270, %add3A_271 : vector<16xi32>
      %add3A_273 = arith.constant 0 : i32
      %add3A_274 = arith.addi %add3A_273, %scan3A_155 : i32
      %swap3A_275 = arith.index_cast %add3A_274 : i32 to index
      %swap3A_276 = arith.constant 80 : index
      %swap3A_277 = tpu.vector_load %arg10[%swap3A_275, %swap3A_276] {strides = array<i32>} : memref<160x128xi32, #tpu.memory_space<vmem>>, vector<1x16xi32>,
      %swap3A_278 = vector.shape_cast %swap3A_277 : vector<1x16xi32> to vector<16xi32>
      %swap3A_279 = vector.shape_cast %add3A_272 : vector<16xi32> to vector<1x16xi32>
      tpu.vector_store %arg10[%swap3A_275, %swap3A_276], %swap3A_279 {strides = array<i32>} : memref<160x128xi32, #tpu.memory_space<vmem>>, vector<1x16xi32>,
      %get3A_280 = arith.index_cast %scan3A_155 : i32 to index
      %get3A_281 = arith.constant 96 : index
      %get3A_282 = tpu.vector_load %arg8[%get3A_280, %get3A_281] {strides = array<i32>} : memref<16x128xi32, #tpu.memory_space<vmem>>, vector<1x16xi32>,
      %get3A_283 = vector.shape_cast %get3A_282 : vector<1x16xi32> to vector<16xi32>
      %mul3A_284 = arith.constant 10000 : i32
      %mul3A_285 = vector.broadcast %mul3A_284 : i32 to vector<16xi32>
      %mul3A_286 = arith.muli %get3A_283, %mul3A_285 : vector<16xi32>
      %get3A_287 = arith.index_cast %scan3A_155 : i32 to index
      %get3A_288 = arith.constant 96 : index
      %get3A_289 = tpu.vector_load %arg7[%get3A_287, %get3A_288] {strides = array<i32>} : memref<16x128xi32, #tpu.memory_space<vmem>>, vector<1x16xi32>,
      %get3A_290 = vector.shape_cast %get3A_289 : vector<1x16xi32> to vector<16xi32>
      %add3A_291 = arith.addi %mul3A_286, %get3A_290 : vector<16xi32>
      %add3A_292 = vector.broadcast %mul3A_27 : i32 to vector<16xi32>
      %add3A_293 = arith.addi %add3A_291, %add3A_292 : vector<16xi32>
      %add3A_294 = arith.constant 0 : i32
      %add3A_295 = arith.addi %add3A_294, %scan3A_155 : i32
      %swap3A_296 = arith.index_cast %add3A_295 : i32 to index
      %swap3A_297 = arith.constant 96 : index
      %swap3A_298 = tpu.vector_load %arg10[%swap3A_296, %swap3A_297] {strides = array<i32>} : memref<160x128xi32, #tpu.memory_space<vmem>>, vector<1x16xi32>,
      %swap3A_299 = vector.shape_cast %swap3A_298 : vector<1x16xi32> to vector<16xi32>
      %swap3A_300 = vector.shape_cast %add3A_293 : vector<16xi32> to vector<1x16xi32>
      tpu.vector_store %arg10[%swap3A_296, %swap3A_297], %swap3A_300 {strides = array<i32>} : memref<160x128xi32, #tpu.memory_space<vmem>>, vector<1x16xi32>,
      %get3A_301 = arith.index_cast %scan3A_155 : i32 to index
      %get3A_302 = arith.constant 112 : index
      %get3A_303 = tpu.vector_load %arg8[%get3A_301, %get3A_302] {strides = array<i32>} : memref<16x128xi32, #tpu.memory_space<vmem>>, vector<1x16xi32>,
      %get3A_304 = vector.shape_cast %get3A_303 : vector<1x16xi32> to vector<16xi32>
      %mul3A_305 = arith.constant 10000 : i32
      %mul3A_306 = vector.broadcast %mul3A_305 : i32 to vector<16xi32>
      %mul3A_307 = arith.muli %get3A_304, %mul3A_306 : vector<16xi32>
      %get3A_308 = arith.index_cast %scan3A_155 : i32 to index
      %get3A_309 = arith.constant 112 : index
      %get3A_310 = tpu.vector_load %arg7[%get3A_308, %get3A_309] {strides = array<i32>} : memref<16x128xi32, #tpu.memory_space<vmem>>, vector<1x16xi32>,
      %get3A_311 = vector.shape_cast %get3A_310 : vector<1x16xi32> to vector<16xi32>
      %add3A_312 = arith.addi %mul3A_307, %get3A_311 : vector<16xi32>
      %add3A_313 = vector.broadcast %mul3A_27 : i32 to vector<16xi32>
      %add3A_314 = arith.addi %add3A_312, %add3A_313 : vector<16xi32>
      %add3A_315 = arith.constant 0 : i32
      %add3A_316 = arith.addi %add3A_315, %scan3A_155 : i32
      %swap3A_317 = arith.index_cast %add3A_316 : i32 to index
      %swap3A_318 = arith.constant 112 : index
      %swap3A_319 = tpu.vector_load %arg10[%swap3A_317, %swap3A_318] {strides = array<i32>} : memref<160x128xi32, #tpu.memory_space<vmem>>, vector<1x16xi32>,
      %swap3A_320 = vector.shape_cast %swap3A_319 : vector<1x16xi32> to vector<16xi32>
      %swap3A_321 = vector.shape_cast %add3A_314 : vector<16xi32> to vector<1x16xi32>
      tpu.vector_store %arg10[%swap3A_317, %swap3A_318], %swap3A_321 {strides = array<i32>} : memref<160x128xi32, #tpu.memory_space<vmem>>, vector<1x16xi32>,
    }
    %scan3A_37 = arith.constant 16 : i32
    %add3A_38 = arith.constant 16 : i32
    %add3A_39 = arith.addi %mul3A_0, %add3A_38 : i32
    "tpu.region"() ({
      %run_scoped3A = tpu.sem_alloc : memref<!tpu.dma_semaphore, #tpu.memory_space<semaphore_mem>>
      %dma_start3A = arith.constant 0 : i32
      %dma_start3A_155 = tpu.memref_slice %arg3[%add3A_39, %dma_start3A] : memref<2560x128xi32, #tpu.memory_space<hbm>> -> memref<16x128xi32, #tpu.memory_space<hbm>>
      %dma_start3A_156 = arith.constant 0 : i32
      %dma_start3A_157 = tpu.memref_slice %arg3[%add3A_39, %dma_start3A_156] : memref<2560x128xi32, #tpu.memory_space<hbm>> -> memref<16x128xi32, #tpu.memory_space<hbm>>
      tpu.enqueue_dma source(%dma_start3A_157 : memref<16x128xi32, #tpu.memory_space<hbm>>) target(%arg7 : memref<16x128xi32, #tpu.memory_space<vmem>>) target_semaphore(%run_scoped3A : memref<!tpu.dma_semaphore, #tpu.memory_space<semaphore_mem>>)
      %dma_wait3A = arith.constant 0 : i32
      %dma_wait3A_158 = tpu.memref_slice %arg3[%add3A_39, %dma_wait3A] : memref<2560x128xi32, #tpu.memory_space<hbm>> -> memref<16x128xi32, #tpu.memory_space<hbm>>
      %dma_wait3A_159 = arith.constant 0 : i32
      %dma_wait3A_160 = tpu.memref_slice %arg3[%add3A_39, %dma_wait3A_159] : memref<2560x128xi32, #tpu.memory_space<hbm>> -> memref<16x128xi32, #tpu.memory_space<hbm>>
      tpu.wait_dma2 semaphore(%run_scoped3A : memref<!tpu.dma_semaphore, #tpu.memory_space<semaphore_mem>>) src(%dma_wait3A_160 : memref<16x128xi32, #tpu.memory_space<hbm>>) dst(%arg7 : memref<16x128xi32, #tpu.memory_space<vmem>>)
      tpu.yield
    }) : () -> ()
    %add3A_40 = arith.constant 16 : i32
    %add3A_41 = arith.addi %mul3A_0, %add3A_40 : i32
    "tpu.region"() ({
      %run_scoped3A = tpu.sem_alloc : memref<!tpu.dma_semaphore, #tpu.memory_space<semaphore_mem>>
      %dma_start3A = arith.constant 0 : i32
      %dma_start3A_155 = tpu.memref_slice %arg4[%add3A_41, %dma_start3A] : memref<2560x128xi32, #tpu.memory_space<hbm>> -> memref<16x128xi32, #tpu.memory_space<hbm>>
      %dma_start3A_156 = arith.constant 0 : i32
      %dma_start3A_157 = tpu.memref_slice %arg4[%add3A_41, %dma_start3A_156] : memref<2560x128xi32, #tpu.memory_space<hbm>> -> memref<16x128xi32, #tpu.memory_space<hbm>>
      tpu.enqueue_dma source(%dma_start3A_157 : memref<16x128xi32, #tpu.memory_space<hbm>>) target(%arg8 : memref<16x128xi32, #tpu.memory_space<vmem>>) target_semaphore(%run_scoped3A : memref<!tpu.dma_semaphore, #tpu.memory_space<semaphore_mem>>)
      %dma_wait3A = arith.constant 0 : i32
      %dma_wait3A_158 = tpu.memref_slice %arg4[%add3A_41, %dma_wait3A] : memref<2560x128xi32, #tpu.memory_space<hbm>> -> memref<16x128xi32, #tpu.memory_space<hbm>>
      %dma_wait3A_159 = arith.constant 0 : i32
      %dma_wait3A_160 = tpu.memref_slice %arg4[%add3A_41, %dma_wait3A_159] : memref<2560x128xi32, #tpu.memory_space<hbm>> -> memref<16x128xi32, #tpu.memory_space<hbm>>
      tpu.wait_dma2 semaphore(%run_scoped3A : memref<!tpu.dma_semaphore, #tpu.memory_space<semaphore_mem>>) src(%dma_wait3A_160 : memref<16x128xi32, #tpu.memory_space<hbm>>) dst(%arg8 : memref<16x128xi32, #tpu.memory_space<vmem>>)
      tpu.yield
    }) : () -> ()
    %scan3A_42 = arith.constant 0 : i32
    %scan3A_43 = arith.constant 0 : i32
    %scan3A_44 = arith.constant 16 : i32
    %scan3A_45 = arith.addi %scan3A_43, %scan3A_44 : i32
    %scan3A_46 = arith.constant 1 : i32
    scf.for %scan3A_155 = %scan3A_43 to %scan3A_45 step %scan3A_46  : i32 {
      %get3A = arith.index_cast %scan3A_155 : i32 to index
      %get3A_156 = arith.constant 0 : index
      %get3A_157 = tpu.vector_load %arg8[%get3A, %get3A_156] {strides = array<i32>} : memref<16x128xi32, #tpu.memory_space<vmem>>, vector<1x16xi32>,
      %get3A_158 = vector.shape_cast %get3A_157 : vector<1x16xi32> to vector<16xi32>
      %mul3A_159 = arith.constant 10000 : i32
      %mul3A_160 = vector.broadcast %mul3A_159 : i32 to vector<16xi32>
      %mul3A_161 = arith.muli %get3A_158, %mul3A_160 : vector<16xi32>
      %get3A_162 = arith.index_cast %scan3A_155 : i32 to index
      %get3A_163 = arith.constant 0 : index
      %get3A_164 = tpu.vector_load %arg7[%get3A_162, %get3A_163] {strides = array<i32>} : memref<16x128xi32, #tpu.memory_space<vmem>>, vector<1x16xi32>,
      %get3A_165 = vector.shape_cast %get3A_164 : vector<1x16xi32> to vector<16xi32>
      %add3A_166 = arith.addi %mul3A_161, %get3A_165 : vector<16xi32>
      %add3A_167 = vector.broadcast %mul3A_27 : i32 to vector<16xi32>
      %add3A_168 = arith.addi %add3A_166, %add3A_167 : vector<16xi32>
      %add3A_169 = arith.constant 16 : i32
      %add3A_170 = arith.addi %add3A_169, %scan3A_155 : i32
      %swap3A = arith.index_cast %add3A_170 : i32 to index
      %swap3A_171 = arith.constant 0 : index
      %swap3A_172 = tpu.vector_load %arg10[%swap3A, %swap3A_171] {strides = array<i32>} : memref<160x128xi32, #tpu.memory_space<vmem>>, vector<1x16xi32>,
      %swap3A_173 = vector.shape_cast %swap3A_172 : vector<1x16xi32> to vector<16xi32>
      %swap3A_174 = vector.shape_cast %add3A_168 : vector<16xi32> to vector<1x16xi32>
      tpu.vector_store %arg10[%swap3A, %swap3A_171], %swap3A_174 {strides = array<i32>} : memref<160x128xi32, #tpu.memory_space<vmem>>, vector<1x16xi32>,
      %get3A_175 = arith.index_cast %scan3A_155 : i32 to index
      %get3A_176 = arith.constant 16 : index
      %get3A_177 = tpu.vector_load %arg8[%get3A_175, %get3A_176] {strides = array<i32>} : memref<16x128xi32, #tpu.memory_space<vmem>>, vector<1x16xi32>,
      %get3A_178 = vector.shape_cast %get3A_177 : vector<1x16xi32> to vector<16xi32>
      %mul3A_179 = arith.constant 10000 : i32
      %mul3A_180 = vector.broadcast %mul3A_179 : i32 to vector<16xi32>
      %mul3A_181 = arith.muli %get3A_178, %mul3A_180 : vector<16xi32>
      %get3A_182 = arith.index_cast %scan3A_155 : i32 to index
      %get3A_183 = arith.constant 16 : index
      %get3A_184 = tpu.vector_load %arg7[%get3A_182, %get3A_183] {strides = array<i32>} : memref<16x128xi32, #tpu.memory_space<vmem>>, vector<1x16xi32>,
      %get3A_185 = vector.shape_cast %get3A_184 : vector<1x16xi32> to vector<16xi32>
      %add3A_186 = arith.addi %mul3A_181, %get3A_185 : vector<16xi32>
      %add3A_187 = vector.broadcast %mul3A_27 : i32 to vector<16xi32>
      %add3A_188 = arith.addi %add3A_186, %add3A_187 : vector<16xi32>
      %add3A_189 = arith.constant 16 : i32
      %add3A_190 = arith.addi %add3A_189, %scan3A_155 : i32
      %swap3A_191 = arith.index_cast %add3A_190 : i32 to index
      %swap3A_192 = arith.constant 16 : index
      %swap3A_193 = tpu.vector_load %arg10[%swap3A_191, %swap3A_192] {strides = array<i32>} : memref<160x128xi32, #tpu.memory_space<vmem>>, vector<1x16xi32>,
      %swap3A_194 = vector.shape_cast %swap3A_193 : vector<1x16xi32> to vector<16xi32>
      %swap3A_195 = vector.shape_cast %add3A_188 : vector<16xi32> to vector<1x16xi32>
      tpu.vector_store %arg10[%swap3A_191, %swap3A_192], %swap3A_195 {strides = array<i32>} : memref<160x128xi32, #tpu.memory_space<vmem>>, vector<1x16xi32>,
      %get3A_196 = arith.index_cast %scan3A_155 : i32 to index
      %get3A_197 = arith.constant 32 : index
      %get3A_198 = tpu.vector_load %arg8[%get3A_196, %get3A_197] {strides = array<i32>} : memref<16x128xi32, #tpu.memory_space<vmem>>, vector<1x16xi32>,
      %get3A_199 = vector.shape_cast %get3A_198 : vector<1x16xi32> to vector<16xi32>
      %mul3A_200 = arith.constant 10000 : i32
      %mul3A_201 = vector.broadcast %mul3A_200 : i32 to vector<16xi32>
      %mul3A_202 = arith.muli %get3A_199, %mul3A_201 : vector<16xi32>
      %get3A_203 = arith.index_cast %scan3A_155 : i32 to index
      %get3A_204 = arith.constant 32 : index
      %get3A_205 = tpu.vector_load %arg7[%get3A_203, %get3A_204] {strides = array<i32>} : memref<16x128xi32, #tpu.memory_space<vmem>>, vector<1x16xi32>,
      %get3A_206 = vector.shape_cast %get3A_205 : vector<1x16xi32> to vector<16xi32>
      %add3A_207 = arith.addi %mul3A_202, %get3A_206 : vector<16xi32>
      %add3A_208 = vector.broadcast %mul3A_27 : i32 to vector<16xi32>
      %add3A_209 = arith.addi %add3A_207, %add3A_208 : vector<16xi32>
      %add3A_210 = arith.constant 16 : i32
      %add3A_211 = arith.addi %add3A_210, %scan3A_155 : i32
      %swap3A_212 = arith.index_cast %add3A_211 : i32 to index
      %swap3A_213 = arith.constant 32 : index
      %swap3A_214 = tpu.vector_load %arg10[%swap3A_212, %swap3A_213] {strides = array<i32>} : memref<160x128xi32, #tpu.memory_space<vmem>>, vector<1x16xi32>,
      %swap3A_215 = vector.shape_cast %swap3A_214 : vector<1x16xi32> to vector<16xi32>
      %swap3A_216 = vector.shape_cast %add3A_209 : vector<16xi32> to vector<1x16xi32>
      tpu.vector_store %arg10[%swap3A_212, %swap3A_213], %swap3A_216 {strides = array<i32>} : memref<160x128xi32, #tpu.memory_space<vmem>>, vector<1x16xi32>,
      %get3A_217 = arith.index_cast %scan3A_155 : i32 to index
      %get3A_218 = arith.constant 48 : index
      %get3A_219 = tpu.vector_load %arg8[%get3A_217, %get3A_218] {strides = array<i32>} : memref<16x128xi32, #tpu.memory_space<vmem>>, vector<1x16xi32>,
      %get3A_220 = vector.shape_cast %get3A_219 : vector<1x16xi32> to vector<16xi32>
      %mul3A_221 = arith.constant 10000 : i32
      %mul3A_222 = vector.broadcast %mul3A_221 : i32 to vector<16xi32>
      %mul3A_223 = arith.muli %get3A_220, %mul3A_222 : vector<16xi32>
      %get3A_224 = arith.index_cast %scan3A_155 : i32 to index
      %get3A_225 = arith.constant 48 : index
      %get3A_226 = tpu.vector_load %arg7[%get3A_224, %get3A_225] {strides = array<i32>} : memref<16x128xi32, #tpu.memory_space<vmem>>, vector<1x16xi32>,
      %get3A_227 = vector.shape_cast %get3A_226 : vector<1x16xi32> to vector<16xi32>
      %add3A_228 = arith.addi %mul3A_223, %get3A_227 : vector<16xi32>
      %add3A_229 = vector.broadcast %mul3A_27 : i32 to vector<16xi32>
      %add3A_230 = arith.addi %add3A_228, %add3A_229 : vector<16xi32>
      %add3A_231 = arith.constant 16 : i32
      %add3A_232 = arith.addi %add3A_231, %scan3A_155 : i32
      %swap3A_233 = arith.index_cast %add3A_232 : i32 to index
      %swap3A_234 = arith.constant 48 : index
      %swap3A_235 = tpu.vector_load %arg10[%swap3A_233, %swap3A_234] {strides = array<i32>} : memref<160x128xi32, #tpu.memory_space<vmem>>, vector<1x16xi32>,
      %swap3A_236 = vector.shape_cast %swap3A_235 : vector<1x16xi32> to vector<16xi32>
      %swap3A_237 = vector.shape_cast %add3A_230 : vector<16xi32> to vector<1x16xi32>
      tpu.vector_store %arg10[%swap3A_233, %swap3A_234], %swap3A_237 {strides = array<i32>} : memref<160x128xi32, #tpu.memory_space<vmem>>, vector<1x16xi32>,
      %get3A_238 = arith.index_cast %scan3A_155 : i32 to index
      %get3A_239 = arith.constant 64 : index
      %get3A_240 = tpu.vector_load %arg8[%get3A_238, %get3A_239] {strides = array<i32>} : memref<16x128xi32, #tpu.memory_space<vmem>>, vector<1x16xi32>,
      %get3A_241 = vector.shape_cast %get3A_240 : vector<1x16xi32> to vector<16xi32>
      %mul3A_242 = arith.constant 10000 : i32
      %mul3A_243 = vector.broadcast %mul3A_242 : i32 to vector<16xi32>
      %mul3A_244 = arith.muli %get3A_241, %mul3A_243 : vector<16xi32>
      %get3A_245 = arith.index_cast %scan3A_155 : i32 to index
      %get3A_246 = arith.constant 64 : index
      %get3A_247 = tpu.vector_load %arg7[%get3A_245, %get3A_246] {strides = array<i32>} : memref<16x128xi32, #tpu.memory_space<vmem>>, vector<1x16xi32>,
      %get3A_248 = vector.shape_cast %get3A_247 : vector<1x16xi32> to vector<16xi32>
      %add3A_249 = arith.addi %mul3A_244, %get3A_248 : vector<16xi32>
      %add3A_250 = vector.broadcast %mul3A_27 : i32 to vector<16xi32>
      %add3A_251 = arith.addi %add3A_249, %add3A_250 : vector<16xi32>
      %add3A_252 = arith.constant 16 : i32
      %add3A_253 = arith.addi %add3A_252, %scan3A_155 : i32
      %swap3A_254 = arith.index_cast %add3A_253 : i32 to index
      %swap3A_255 = arith.constant 64 : index
      %swap3A_256 = tpu.vector_load %arg10[%swap3A_254, %swap3A_255] {strides = array<i32>} : memref<160x128xi32, #tpu.memory_space<vmem>>, vector<1x16xi32>,
      %swap3A_257 = vector.shape_cast %swap3A_256 : vector<1x16xi32> to vector<16xi32>
      %swap3A_258 = vector.shape_cast %add3A_251 : vector<16xi32> to vector<1x16xi32>
      tpu.vector_store %arg10[%swap3A_254, %swap3A_255], %swap3A_258 {strides = array<i32>} : memref<160x128xi32, #tpu.memory_space<vmem>>, vector<1x16xi32>,
      %get3A_259 = arith.index_cast %scan3A_155 : i32 to index
      %get3A_260 = arith.constant 80 : index
      %get3A_261 = tpu.vector_load %arg8[%get3A_259, %get3A_260] {strides = array<i32>} : memref<16x128xi32, #tpu.memory_space<vmem>>, vector<1x16xi32>,
      %get3A_262 = vector.shape_cast %get3A_261 : vector<1x16xi32> to vector<16xi32>
      %mul3A_263 = arith.constant 10000 : i32
      %mul3A_264 = vector.broadcast %mul3A_263 : i32 to vector<16xi32>
      %mul3A_265 = arith.muli %get3A_262, %mul3A_264 : vector<16xi32>
      %get3A_266 = arith.index_cast %scan3A_155 : i32 to index
      %get3A_267 = arith.constant 80 : index
      %get3A_268 = tpu.vector_load %arg7[%get3A_266, %get3A_267] {strides = array<i32>} : memref<16x128xi32, #tpu.memory_space<vmem>>, vector<1x16xi32>,
      %get3A_269 = vector.shape_cast %get3A_268 : vector<1x16xi32> to vector<16xi32>
      %add3A_270 = arith.addi %mul3A_265, %get3A_269 : vector<16xi32>
      %add3A_271 = vector.broadcast %mul3A_27 : i32 to vector<16xi32>
      %add3A_272 = arith.addi %add3A_270, %add3A_271 : vector<16xi32>
      %add3A_273 = arith.constant 16 : i32
      %add3A_274 = arith.addi %add3A_273, %scan3A_155 : i32
      %swap3A_275 = arith.index_cast %add3A_274 : i32 to index
      %swap3A_276 = arith.constant 80 : index
      %swap3A_277 = tpu.vector_load %arg10[%swap3A_275, %swap3A_276] {strides = array<i32>} : memref<160x128xi32, #tpu.memory_space<vmem>>, vector<1x16xi32>,
      %swap3A_278 = vector.shape_cast %swap3A_277 : vector<1x16xi32> to vector<16xi32>
      %swap3A_279 = vector.shape_cast %add3A_272 : vector<16xi32> to vector<1x16xi32>
      tpu.vector_store %arg10[%swap3A_275, %swap3A_276], %swap3A_279 {strides = array<i32>} : memref<160x128xi32, #tpu.memory_space<vmem>>, vector<1x16xi32>,
      %get3A_280 = arith.index_cast %scan3A_155 : i32 to index
      %get3A_281 = arith.constant 96 : index
      %get3A_282 = tpu.vector_load %arg8[%get3A_280, %get3A_281] {strides = array<i32>} : memref<16x128xi32, #tpu.memory_space<vmem>>, vector<1x16xi32>,
      %get3A_283 = vector.shape_cast %get3A_282 : vector<1x16xi32> to vector<16xi32>
      %mul3A_284 = arith.constant 10000 : i32
      %mul3A_285 = vector.broadcast %mul3A_284 : i32 to vector<16xi32>
      %mul3A_286 = arith.muli %get3A_283, %mul3A_285 : vector<16xi32>
      %get3A_287 = arith.index_cast %scan3A_155 : i32 to index
      %get3A_288 = arith.constant 96 : index
      %get3A_289 = tpu.vector_load %arg7[%get3A_287, %get3A_288] {strides = array<i32>} : memref<16x128xi32, #tpu.memory_space<vmem>>, vector<1x16xi32>,
      %get3A_290 = vector.shape_cast %get3A_289 : vector<1x16xi32> to vector<16xi32>
      %add3A_291 = arith.addi %mul3A_286, %get3A_290 : vector<16xi32>
      %add3A_292 = vector.broadcast %mul3A_27 : i32 to vector<16xi32>
      %add3A_293 = arith.addi %add3A_291, %add3A_292 : vector<16xi32>
      %add3A_294 = arith.constant 16 : i32
      %add3A_295 = arith.addi %add3A_294, %scan3A_155 : i32
      %swap3A_296 = arith.index_cast %add3A_295 : i32 to index
      %swap3A_297 = arith.constant 96 : index
      %swap3A_298 = tpu.vector_load %arg10[%swap3A_296, %swap3A_297] {strides = array<i32>} : memref<160x128xi32, #tpu.memory_space<vmem>>, vector<1x16xi32>,
      %swap3A_299 = vector.shape_cast %swap3A_298 : vector<1x16xi32> to vector<16xi32>
      %swap3A_300 = vector.shape_cast %add3A_293 : vector<16xi32> to vector<1x16xi32>
      tpu.vector_store %arg10[%swap3A_296, %swap3A_297], %swap3A_300 {strides = array<i32>} : memref<160x128xi32, #tpu.memory_space<vmem>>, vector<1x16xi32>,
      %get3A_301 = arith.index_cast %scan3A_155 : i32 to index
      %get3A_302 = arith.constant 112 : index
      %get3A_303 = tpu.vector_load %arg8[%get3A_301, %get3A_302] {strides = array<i32>} : memref<16x128xi32, #tpu.memory_space<vmem>>, vector<1x16xi32>,
      %get3A_304 = vector.shape_cast %get3A_303 : vector<1x16xi32> to vector<16xi32>
      %mul3A_305 = arith.constant 10000 : i32
      %mul3A_306 = vector.broadcast %mul3A_305 : i32 to vector<16xi32>
      %mul3A_307 = arith.muli %get3A_304, %mul3A_306 : vector<16xi32>
      %get3A_308 = arith.index_cast %scan3A_155 : i32 to index
      %get3A_309 = arith.constant 112 : index
      %get3A_310 = tpu.vector_load %arg7[%get3A_308, %get3A_309] {strides = array<i32>} : memref<16x128xi32, #tpu.memory_space<vmem>>, vector<1x16xi32>,
      %get3A_311 = vector.shape_cast %get3A_310 : vector<1x16xi32> to vector<16xi32>
      %add3A_312 = arith.addi %mul3A_307, %get3A_311 : vector<16xi32>
      %add3A_313 = vector.broadcast %mul3A_27 : i32 to vector<16xi32>
      %add3A_314 = arith.addi %add3A_312, %add3A_313 : vector<16xi32>
      %add3A_315 = arith.constant 16 : i32
      %add3A_316 = arith.addi %add3A_315, %scan3A_155 : i32
      %swap3A_317 = arith.index_cast %add3A_316 : i32 to index
      %swap3A_318 = arith.constant 112 : index
      %swap3A_319 = tpu.vector_load %arg10[%swap3A_317, %swap3A_318] {strides = array<i32>} : memref<160x128xi32, #tpu.memory_space<vmem>>, vector<1x16xi32>,
      %swap3A_320 = vector.shape_cast %swap3A_319 : vector<1x16xi32> to vector<16xi32>
      %swap3A_321 = vector.shape_cast %add3A_314 : vector<16xi32> to vector<1x16xi32>
      tpu.vector_store %arg10[%swap3A_317, %swap3A_318], %swap3A_321 {strides = array<i32>} : memref<160x128xi32, #tpu.memory_space<vmem>>, vector<1x16xi32>,
    }
    %scan3A_47 = arith.constant 16 : i32
    %add3A_48 = arith.constant 32 : i32
    %add3A_49 = arith.addi %mul3A_0, %add3A_48 : i32
    "tpu.region"() ({
      %run_scoped3A = tpu.sem_alloc : memref<!tpu.dma_semaphore, #tpu.memory_space<semaphore_mem>>
      %dma_start3A = arith.constant 0 : i32
      %dma_start3A_155 = tpu.memref_slice %arg3[%add3A_49, %dma_start3A] : memref<2560x128xi32, #tpu.memory_space<hbm>> -> memref<16x128xi32, #tpu.memory_space<hbm>>
      %dma_start3A_156 = arith.constant 0 : i32
      %dma_start3A_157 = tpu.memref_slice %arg3[%add3A_49, %dma_start3A_156] : memref<2560x128xi32, #tpu.memory_space<hbm>> -> memref<16x128xi32, #tpu.memory_space<hbm>>
      tpu.enqueue_dma source(%dma_start3A_157 : memref<16x128xi32, #tpu.memory_space<hbm>>) target(%arg7 : memref<16x128xi32, #tpu.memory_space<vmem>>) target_semaphore(%run_scoped3A : memref<!tpu.dma_semaphore, #tpu.memory_space<semaphore_mem>>)
      %dma_wait3A = arith.constant 0 : i32
      %dma_wait3A_158 = tpu.memref_slice %arg3[%add3A_49, %dma_wait3A] : memref<2560x128xi32, #tpu.memory_space<hbm>> -> memref<16x128xi32, #tpu.memory_space<hbm>>
      %dma_wait3A_159 = arith.constant 0 : i32
      %dma_wait3A_160 = tpu.memref_slice %arg3[%add3A_49, %dma_wait3A_159] : memref<2560x128xi32, #tpu.memory_space<hbm>> -> memref<16x128xi32, #tpu.memory_space<hbm>>
      tpu.wait_dma2 semaphore(%run_scoped3A : memref<!tpu.dma_semaphore, #tpu.memory_space<semaphore_mem>>) src(%dma_wait3A_160 : memref<16x128xi32, #tpu.memory_space<hbm>>) dst(%arg7 : memref<16x128xi32, #tpu.memory_space<vmem>>)
      tpu.yield
    }) : () -> ()
    %add3A_50 = arith.constant 32 : i32
    %add3A_51 = arith.addi %mul3A_0, %add3A_50 : i32
    "tpu.region"() ({
      %run_scoped3A = tpu.sem_alloc : memref<!tpu.dma_semaphore, #tpu.memory_space<semaphore_mem>>
      %dma_start3A = arith.constant 0 : i32
      %dma_start3A_155 = tpu.memref_slice %arg4[%add3A_51, %dma_start3A] : memref<2560x128xi32, #tpu.memory_space<hbm>> -> memref<16x128xi32, #tpu.memory_space<hbm>>
      %dma_start3A_156 = arith.constant 0 : i32
      %dma_start3A_157 = tpu.memref_slice %arg4[%add3A_51, %dma_start3A_156] : memref<2560x128xi32, #tpu.memory_space<hbm>> -> memref<16x128xi32, #tpu.memory_space<hbm>>
      tpu.enqueue_dma source(%dma_start3A_157 : memref<16x128xi32, #tpu.memory_space<hbm>>) target(%arg8 : memref<16x128xi32, #tpu.memory_space<vmem>>) target_semaphore(%run_scoped3A : memref<!tpu.dma_semaphore, #tpu.memory_space<semaphore_mem>>)
      %dma_wait3A = arith.constant 0 : i32
      %dma_wait3A_158 = tpu.memref_slice %arg4[%add3A_51, %dma_wait3A] : memref<2560x128xi32, #tpu.memory_space<hbm>> -> memref<16x128xi32, #tpu.memory_space<hbm>>
      %dma_wait3A_159 = arith.constant 0 : i32
      %dma_wait3A_160 = tpu.memref_slice %arg4[%add3A_51, %dma_wait3A_159] : memref<2560x128xi32, #tpu.memory_space<hbm>> -> memref<16x128xi32, #tpu.memory_space<hbm>>
      tpu.wait_dma2 semaphore(%run_scoped3A : memref<!tpu.dma_semaphore, #tpu.memory_space<semaphore_mem>>) src(%dma_wait3A_160 : memref<16x128xi32, #tpu.memory_space<hbm>>) dst(%arg8 : memref<16x128xi32, #tpu.memory_space<vmem>>)
      tpu.yield
    }) : () -> ()
    %scan3A_52 = arith.constant 0 : i32
    %scan3A_53 = arith.constant 0 : i32
    %scan3A_54 = arith.constant 16 : i32
    %scan3A_55 = arith.addi %scan3A_53, %scan3A_54 : i32
    %scan3A_56 = arith.constant 1 : i32
    scf.for %scan3A_155 = %scan3A_53 to %scan3A_55 step %scan3A_56  : i32 {
      %get3A = arith.index_cast %scan3A_155 : i32 to index
      %get3A_156 = arith.constant 0 : index
      %get3A_157 = tpu.vector_load %arg8[%get3A, %get3A_156] {strides = array<i32>} : memref<16x128xi32, #tpu.memory_space<vmem>>, vector<1x16xi32>,
      %get3A_158 = vector.shape_cast %get3A_157 : vector<1x16xi32> to vector<16xi32>
      %mul3A_159 = arith.constant 10000 : i32
      %mul3A_160 = vector.broadcast %mul3A_159 : i32 to vector<16xi32>
      %mul3A_161 = arith.muli %get3A_158, %mul3A_160 : vector<16xi32>
      %get3A_162 = arith.index_cast %scan3A_155 : i32 to index
      %get3A_163 = arith.constant 0 : index
      %get3A_164 = tpu.vector_load %arg7[%get3A_162, %get3A_163] {strides = array<i32>} : memref<16x128xi32, #tpu.memory_space<vmem>>, vector<1x16xi32>,
      %get3A_165 = vector.shape_cast %get3A_164 : vector<1x16xi32> to vector<16xi32>
      %add3A_166 = arith.addi %mul3A_161, %get3A_165 : vector<16xi32>
      %add3A_167 = vector.broadcast %mul3A_27 : i32 to vector<16xi32>
      %add3A_168 = arith.addi %add3A_166, %add3A_167 : vector<16xi32>
      %add3A_169 = arith.constant 32 : i32
      %add3A_170 = arith.addi %add3A_169, %scan3A_155 : i32
      %swap3A = arith.index_cast %add3A_170 : i32 to index
      %swap3A_171 = arith.constant 0 : index
      %swap3A_172 = tpu.vector_load %arg10[%swap3A, %swap3A_171] {strides = array<i32>} : memref<160x128xi32, #tpu.memory_space<vmem>>, vector<1x16xi32>,
      %swap3A_173 = vector.shape_cast %swap3A_172 : vector<1x16xi32> to vector<16xi32>
      %swap3A_174 = vector.shape_cast %add3A_168 : vector<16xi32> to vector<1x16xi32>
      tpu.vector_store %arg10[%swap3A, %swap3A_171], %swap3A_174 {strides = array<i32>} : memref<160x128xi32, #tpu.memory_space<vmem>>, vector<1x16xi32>,
      %get3A_175 = arith.index_cast %scan3A_155 : i32 to index
      %get3A_176 = arith.constant 16 : index
      %get3A_177 = tpu.vector_load %arg8[%get3A_175, %get3A_176] {strides = array<i32>} : memref<16x128xi32, #tpu.memory_space<vmem>>, vector<1x16xi32>,
      %get3A_178 = vector.shape_cast %get3A_177 : vector<1x16xi32> to vector<16xi32>
      %mul3A_179 = arith.constant 10000 : i32
      %mul3A_180 = vector.broadcast %mul3A_179 : i32 to vector<16xi32>
      %mul3A_181 = arith.muli %get3A_178, %mul3A_180 : vector<16xi32>
      %get3A_182 = arith.index_cast %scan3A_155 : i32 to index
      %get3A_183 = arith.constant 16 : index
      %get3A_184 = tpu.vector_load %arg7[%get3A_182, %get3A_183] {strides = array<i32>} : memref<16x128xi32, #tpu.memory_space<vmem>>, vector<1x16xi32>,
      %get3A_185 = vector.shape_cast %get3A_184 : vector<1x16xi32> to vector<16xi32>
      %add3A_186 = arith.addi %mul3A_181, %get3A_185 : vector<16xi32>
      %add3A_187 = vector.broadcast %mul3A_27 : i32 to vector<16xi32>
      %add3A_188 = arith.addi %add3A_186, %add3A_187 : vector<16xi32>
      %add3A_189 = arith.constant 32 : i32
      %add3A_190 = arith.addi %add3A_189, %scan3A_155 : i32
      %swap3A_191 = arith.index_cast %add3A_190 : i32 to index
      %swap3A_192 = arith.constant 16 : index
      %swap3A_193 = tpu.vector_load %arg10[%swap3A_191, %swap3A_192] {strides = array<i32>} : memref<160x128xi32, #tpu.memory_space<vmem>>, vector<1x16xi32>,
      %swap3A_194 = vector.shape_cast %swap3A_193 : vector<1x16xi32> to vector<16xi32>
      %swap3A_195 = vector.shape_cast %add3A_188 : vector<16xi32> to vector<1x16xi32>
      tpu.vector_store %arg10[%swap3A_191, %swap3A_192], %swap3A_195 {strides = array<i32>} : memref<160x128xi32, #tpu.memory_space<vmem>>, vector<1x16xi32>,
      %get3A_196 = arith.index_cast %scan3A_155 : i32 to index
      %get3A_197 = arith.constant 32 : index
      %get3A_198 = tpu.vector_load %arg8[%get3A_196, %get3A_197] {strides = array<i32>} : memref<16x128xi32, #tpu.memory_space<vmem>>, vector<1x16xi32>,
      %get3A_199 = vector.shape_cast %get3A_198 : vector<1x16xi32> to vector<16xi32>
      %mul3A_200 = arith.constant 10000 : i32
      %mul3A_201 = vector.broadcast %mul3A_200 : i32 to vector<16xi32>
      %mul3A_202 = arith.muli %get3A_199, %mul3A_201 : vector<16xi32>
      %get3A_203 = arith.index_cast %scan3A_155 : i32 to index
      %get3A_204 = arith.constant 32 : index
      %get3A_205 = tpu.vector_load %arg7[%get3A_203, %get3A_204] {strides = array<i32>} : memref<16x128xi32, #tpu.memory_space<vmem>>, vector<1x16xi32>,
      %get3A_206 = vector.shape_cast %get3A_205 : vector<1x16xi32> to vector<16xi32>
      %add3A_207 = arith.addi %mul3A_202, %get3A_206 : vector<16xi32>
      %add3A_208 = vector.broadcast %mul3A_27 : i32 to vector<16xi32>
      %add3A_209 = arith.addi %add3A_207, %add3A_208 : vector<16xi32>
      %add3A_210 = arith.constant 32 : i32
      %add3A_211 = arith.addi %add3A_210, %scan3A_155 : i32
      %swap3A_212 = arith.index_cast %add3A_211 : i32 to index
      %swap3A_213 = arith.constant 32 : index
      %swap3A_214 = tpu.vector_load %arg10[%swap3A_212, %swap3A_213] {strides = array<i32>} : memref<160x128xi32, #tpu.memory_space<vmem>>, vector<1x16xi32>,
      %swap3A_215 = vector.shape_cast %swap3A_214 : vector<1x16xi32> to vector<16xi32>
      %swap3A_216 = vector.shape_cast %add3A_209 : vector<16xi32> to vector<1x16xi32>
      tpu.vector_store %arg10[%swap3A_212, %swap3A_213], %swap3A_216 {strides = array<i32>} : memref<160x128xi32, #tpu.memory_space<vmem>>, vector<1x16xi32>,
      %get3A_217 = arith.index_cast %scan3A_155 : i32 to index
      %get3A_218 = arith.constant 48 : index
      %get3A_219 = tpu.vector_load %arg8[%get3A_217, %get3A_218] {strides = array<i32>} : memref<16x128xi32, #tpu.memory_space<vmem>>, vector<1x16xi32>,
      %get3A_220 = vector.shape_cast %get3A_219 : vector<1x16xi32> to vector<16xi32>
      %mul3A_221 = arith.constant 10000 : i32
      %mul3A_222 = vector.broadcast %mul3A_221 : i32 to vector<16xi32>
      %mul3A_223 = arith.muli %get3A_220, %mul3A_222 : vector<16xi32>
      %get3A_224 = arith.index_cast %scan3A_155 : i32 to index
      %get3A_225 = arith.constant 48 : index
      %get3A_226 = tpu.vector_load %arg7[%get3A_224, %get3A_225] {strides = array<i32>} : memref<16x128xi32, #tpu.memory_space<vmem>>, vector<1x16xi32>,
      %get3A_227 = vector.shape_cast %get3A_226 : vector<1x16xi32> to vector<16xi32>
      %add3A_228 = arith.addi %mul3A_223, %get3A_227 : vector<16xi32>
      %add3A_229 = vector.broadcast %mul3A_27 : i32 to vector<16xi32>
      %add3A_230 = arith.addi %add3A_228, %add3A_229 : vector<16xi32>
      %add3A_231 = arith.constant 32 : i32
      %add3A_232 = arith.addi %add3A_231, %scan3A_155 : i32
      %swap3A_233 = arith.index_cast %add3A_232 : i32 to index
      %swap3A_234 = arith.constant 48 : index
      %swap3A_235 = tpu.vector_load %arg10[%swap3A_233, %swap3A_234] {strides = array<i32>} : memref<160x128xi32, #tpu.memory_space<vmem>>, vector<1x16xi32>,
      %swap3A_236 = vector.shape_cast %swap3A_235 : vector<1x16xi32> to vector<16xi32>
      %swap3A_237 = vector.shape_cast %add3A_230 : vector<16xi32> to vector<1x16xi32>
      tpu.vector_store %arg10[%swap3A_233, %swap3A_234], %swap3A_237 {strides = array<i32>} : memref<160x128xi32, #tpu.memory_space<vmem>>, vector<1x16xi32>,
      %get3A_238 = arith.index_cast %scan3A_155 : i32 to index
      %get3A_239 = arith.constant 64 : index
      %get3A_240 = tpu.vector_load %arg8[%get3A_238, %get3A_239] {strides = array<i32>} : memref<16x128xi32, #tpu.memory_space<vmem>>, vector<1x16xi32>,
      %get3A_241 = vector.shape_cast %get3A_240 : vector<1x16xi32> to vector<16xi32>
      %mul3A_242 = arith.constant 10000 : i32
      %mul3A_243 = vector.broadcast %mul3A_242 : i32 to vector<16xi32>
      %mul3A_244 = arith.muli %get3A_241, %mul3A_243 : vector<16xi32>
      %get3A_245 = arith.index_cast %scan3A_155 : i32 to index
      %get3A_246 = arith.constant 64 : index
      %get3A_247 = tpu.vector_load %arg7[%get3A_245, %get3A_246] {strides = array<i32>} : memref<16x128xi32, #tpu.memory_space<vmem>>, vector<1x16xi32>,
      %get3A_248 = vector.shape_cast %get3A_247 : vector<1x16xi32> to vector<16xi32>
      %add3A_249 = arith.addi %mul3A_244, %get3A_248 : vector<16xi32>
      %add3A_250 = vector.broadcast %mul3A_27 : i32 to vector<16xi32>
      %add3A_251 = arith.addi %add3A_249, %add3A_250 : vector<16xi32>
      %add3A_252 = arith.constant 32 : i32
      %add3A_253 = arith.addi %add3A_252, %scan3A_155 : i32
      %swap3A_254 = arith.index_cast %add3A_253 : i32 to index
      %swap3A_255 = arith.constant 64 : index
      %swap3A_256 = tpu.vector_load %arg10[%swap3A_254, %swap3A_255] {strides = array<i32>} : memref<160x128xi32, #tpu.memory_space<vmem>>, vector<1x16xi32>,
      %swap3A_257 = vector.shape_cast %swap3A_256 : vector<1x16xi32> to vector<16xi32>
      %swap3A_258 = vector.shape_cast %add3A_251 : vector<16xi32> to vector<1x16xi32>
      tpu.vector_store %arg10[%swap3A_254, %swap3A_255], %swap3A_258 {strides = array<i32>} : memref<160x128xi32, #tpu.memory_space<vmem>>, vector<1x16xi32>,
      %get3A_259 = arith.index_cast %scan3A_155 : i32 to index
      %get3A_260 = arith.constant 80 : index
      %get3A_261 = tpu.vector_load %arg8[%get3A_259, %get3A_260] {strides = array<i32>} : memref<16x128xi32, #tpu.memory_space<vmem>>, vector<1x16xi32>,
      %get3A_262 = vector.shape_cast %get3A_261 : vector<1x16xi32> to vector<16xi32>
      %mul3A_263 = arith.constant 10000 : i32
      %mul3A_264 = vector.broadcast %mul3A_263 : i32 to vector<16xi32>
      %mul3A_265 = arith.muli %get3A_262, %mul3A_264 : vector<16xi32>
      %get3A_266 = arith.index_cast %scan3A_155 : i32 to index
      %get3A_267 = arith.constant 80 : index
      %get3A_268 = tpu.vector_load %arg7[%get3A_266, %get3A_267] {strides = array<i32>} : memref<16x128xi32, #tpu.memory_space<vmem>>, vector<1x16xi32>,
      %get3A_269 = vector.shape_cast %get3A_268 : vector<1x16xi32> to vector<16xi32>
      %add3A_270 = arith.addi %mul3A_265, %get3A_269 : vector<16xi32>
      %add3A_271 = vector.broadcast %mul3A_27 : i32 to vector<16xi32>
      %add3A_272 = arith.addi %add3A_270, %add3A_271 : vector<16xi32>
      %add3A_273 = arith.constant 32 : i32
      %add3A_274 = arith.addi %add3A_273, %scan3A_155 : i32
      %swap3A_275 = arith.index_cast %add3A_274 : i32 to index
      %swap3A_276 = arith.constant 80 : index
      %swap3A_277 = tpu.vector_load %arg10[%swap3A_275, %swap3A_276] {strides = array<i32>} : memref<160x128xi32, #tpu.memory_space<vmem>>, vector<1x16xi32>,
      %swap3A_278 = vector.shape_cast %swap3A_277 : vector<1x16xi32> to vector<16xi32>
      %swap3A_279 = vector.shape_cast %add3A_272 : vector<16xi32> to vector<1x16xi32>
      tpu.vector_store %arg10[%swap3A_275, %swap3A_276], %swap3A_279 {strides = array<i32>} : memref<160x128xi32, #tpu.memory_space<vmem>>, vector<1x16xi32>,
      %get3A_280 = arith.index_cast %scan3A_155 : i32 to index
      %get3A_281 = arith.constant 96 : index
      %get3A_282 = tpu.vector_load %arg8[%get3A_280, %get3A_281] {strides = array<i32>} : memref<16x128xi32, #tpu.memory_space<vmem>>, vector<1x16xi32>,
      %get3A_283 = vector.shape_cast %get3A_282 : vector<1x16xi32> to vector<16xi32>
      %mul3A_284 = arith.constant 10000 : i32
      %mul3A_285 = vector.broadcast %mul3A_284 : i32 to vector<16xi32>
      %mul3A_286 = arith.muli %get3A_283, %mul3A_285 : vector<16xi32>
      %get3A_287 = arith.index_cast %scan3A_155 : i32 to index
      %get3A_288 = arith.constant 96 : index
      %get3A_289 = tpu.vector_load %arg7[%get3A_287, %get3A_288] {strides = array<i32>} : memref<16x128xi32, #tpu.memory_space<vmem>>, vector<1x16xi32>,
      %get3A_290 = vector.shape_cast %get3A_289 : vector<1x16xi32> to vector<16xi32>
      %add3A_291 = arith.addi %mul3A_286, %get3A_290 : vector<16xi32>
      %add3A_292 = vector.broadcast %mul3A_27 : i32 to vector<16xi32>
      %add3A_293 = arith.addi %add3A_291, %add3A_292 : vector<16xi32>
      %add3A_294 = arith.constant 32 : i32
      %add3A_295 = arith.addi %add3A_294, %scan3A_155 : i32
      %swap3A_296 = arith.index_cast %add3A_295 : i32 to index
      %swap3A_297 = arith.constant 96 : index
      %swap3A_298 = tpu.vector_load %arg10[%swap3A_296, %swap3A_297] {strides = array<i32>} : memref<160x128xi32, #tpu.memory_space<vmem>>, vector<1x16xi32>,
      %swap3A_299 = vector.shape_cast %swap3A_298 : vector<1x16xi32> to vector<16xi32>
      %swap3A_300 = vector.shape_cast %add3A_293 : vector<16xi32> to vector<1x16xi32>
      tpu.vector_store %arg10[%swap3A_296, %swap3A_297], %swap3A_300 {strides = array<i32>} : memref<160x128xi32, #tpu.memory_space<vmem>>, vector<1x16xi32>,
      %get3A_301 = arith.index_cast %scan3A_155 : i32 to index
      %get3A_302 = arith.constant 112 : index
      %get3A_303 = tpu.vector_load %arg8[%get3A_301, %get3A_302] {strides = array<i32>} : memref<16x128xi32, #tpu.memory_space<vmem>>, vector<1x16xi32>,
      %get3A_304 = vector.shape_cast %get3A_303 : vector<1x16xi32> to vector<16xi32>
      %mul3A_305 = arith.constant 10000 : i32
      %mul3A_306 = vector.broadcast %mul3A_305 : i32 to vector<16xi32>
      %mul3A_307 = arith.muli %get3A_304, %mul3A_306 : vector<16xi32>
      %get3A_308 = arith.index_cast %scan3A_155 : i32 to index
      %get3A_309 = arith.constant 112 : index
      %get3A_310 = tpu.vector_load %arg7[%get3A_308, %get3A_309] {strides = array<i32>} : memref<16x128xi32, #tpu.memory_space<vmem>>, vector<1x16xi32>,
      %get3A_311 = vector.shape_cast %get3A_310 : vector<1x16xi32> to vector<16xi32>
      %add3A_312 = arith.addi %mul3A_307, %get3A_311 : vector<16xi32>
      %add3A_313 = vector.broadcast %mul3A_27 : i32 to vector<16xi32>
      %add3A_314 = arith.addi %add3A_312, %add3A_313 : vector<16xi32>
      %add3A_315 = arith.constant 32 : i32
      %add3A_316 = arith.addi %add3A_315, %scan3A_155 : i32
      %swap3A_317 = arith.index_cast %add3A_316 : i32 to index
      %swap3A_318 = arith.constant 112 : index
      %swap3A_319 = tpu.vector_load %arg10[%swap3A_317, %swap3A_318] {strides = array<i32>} : memref<160x128xi32, #tpu.memory_space<vmem>>, vector<1x16xi32>,
      %swap3A_320 = vector.shape_cast %swap3A_319 : vector<1x16xi32> to vector<16xi32>
      %swap3A_321 = vector.shape_cast %add3A_314 : vector<16xi32> to vector<1x16xi32>
      tpu.vector_store %arg10[%swap3A_317, %swap3A_318], %swap3A_321 {strides = array<i32>} : memref<160x128xi32, #tpu.memory_space<vmem>>, vector<1x16xi32>,
    }
    %scan3A_57 = arith.constant 16 : i32
    %add3A_58 = arith.constant 48 : i32
    %add3A_59 = arith.addi %mul3A_0, %add3A_58 : i32
    "tpu.region"() ({
      %run_scoped3A = tpu.sem_alloc : memref<!tpu.dma_semaphore, #tpu.memory_space<semaphore_mem>>
      %dma_start3A = arith.constant 0 : i32
      %dma_start3A_155 = tpu.memref_slice %arg3[%add3A_59, %dma_start3A] : memref<2560x128xi32, #tpu.memory_space<hbm>> -> memref<16x128xi32, #tpu.memory_space<hbm>>
      %dma_start3A_156 = arith.constant 0 : i32
      %dma_start3A_157 = tpu.memref_slice %arg3[%add3A_59, %dma_start3A_156] : memref<2560x128xi32, #tpu.memory_space<hbm>> -> memref<16x128xi32, #tpu.memory_space<hbm>>
      tpu.enqueue_dma source(%dma_start3A_157 : memref<16x128xi32, #tpu.memory_space<hbm>>) target(%arg7 : memref<16x128xi32, #tpu.memory_space<vmem>>) target_semaphore(%run_scoped3A : memref<!tpu.dma_semaphore, #tpu.memory_space<semaphore_mem>>)
      %dma_wait3A = arith.constant 0 : i32
      %dma_wait3A_158 = tpu.memref_slice %arg3[%add3A_59, %dma_wait3A] : memref<2560x128xi32, #tpu.memory_space<hbm>> -> memref<16x128xi32, #tpu.memory_space<hbm>>
      %dma_wait3A_159 = arith.constant 0 : i32
      %dma_wait3A_160 = tpu.memref_slice %arg3[%add3A_59, %dma_wait3A_159] : memref<2560x128xi32, #tpu.memory_space<hbm>> -> memref<16x128xi32, #tpu.memory_space<hbm>>
      tpu.wait_dma2 semaphore(%run_scoped3A : memref<!tpu.dma_semaphore, #tpu.memory_space<semaphore_mem>>) src(%dma_wait3A_160 : memref<16x128xi32, #tpu.memory_space<hbm>>) dst(%arg7 : memref<16x128xi32, #tpu.memory_space<vmem>>)
      tpu.yield
    }) : () -> ()
    %add3A_60 = arith.constant 48 : i32
    %add3A_61 = arith.addi %mul3A_0, %add3A_60 : i32
    "tpu.region"() ({
      %run_scoped3A = tpu.sem_alloc : memref<!tpu.dma_semaphore, #tpu.memory_space<semaphore_mem>>
      %dma_start3A = arith.constant 0 : i32
      %dma_start3A_155 = tpu.memref_slice %arg4[%add3A_61, %dma_start3A] : memref<2560x128xi32, #tpu.memory_space<hbm>> -> memref<16x128xi32, #tpu.memory_space<hbm>>
      %dma_start3A_156 = arith.constant 0 : i32
      %dma_start3A_157 = tpu.memref_slice %arg4[%add3A_61, %dma_start3A_156] : memref<2560x128xi32, #tpu.memory_space<hbm>> -> memref<16x128xi32, #tpu.memory_space<hbm>>
      tpu.enqueue_dma source(%dma_start3A_157 : memref<16x128xi32, #tpu.memory_space<hbm>>) target(%arg8 : memref<16x128xi32, #tpu.memory_space<vmem>>) target_semaphore(%run_scoped3A : memref<!tpu.dma_semaphore, #tpu.memory_space<semaphore_mem>>)
      %dma_wait3A = arith.constant 0 : i32
      %dma_wait3A_158 = tpu.memref_slice %arg4[%add3A_61, %dma_wait3A] : memref<2560x128xi32, #tpu.memory_space<hbm>> -> memref<16x128xi32, #tpu.memory_space<hbm>>
      %dma_wait3A_159 = arith.constant 0 : i32
      %dma_wait3A_160 = tpu.memref_slice %arg4[%add3A_61, %dma_wait3A_159] : memref<2560x128xi32, #tpu.memory_space<hbm>> -> memref<16x128xi32, #tpu.memory_space<hbm>>
      tpu.wait_dma2 semaphore(%run_scoped3A : memref<!tpu.dma_semaphore, #tpu.memory_space<semaphore_mem>>) src(%dma_wait3A_160 : memref<16x128xi32, #tpu.memory_space<hbm>>) dst(%arg8 : memref<16x128xi32, #tpu.memory_space<vmem>>)
      tpu.yield
    }) : () -> ()
    %scan3A_62 = arith.constant 0 : i32
    %scan3A_63 = arith.constant 0 : i32
    %scan3A_64 = arith.constant 16 : i32
    %scan3A_65 = arith.addi %scan3A_63, %scan3A_64 : i32
    %scan3A_66 = arith.constant 1 : i32
    scf.for %scan3A_155 = %scan3A_63 to %scan3A_65 step %scan3A_66  : i32 {
      %get3A = arith.index_cast %scan3A_155 : i32 to index
      %get3A_156 = arith.constant 0 : index
      %get3A_157 = tpu.vector_load %arg8[%get3A, %get3A_156] {strides = array<i32>} : memref<16x128xi32, #tpu.memory_space<vmem>>, vector<1x16xi32>,
      %get3A_158 = vector.shape_cast %get3A_157 : vector<1x16xi32> to vector<16xi32>
      %mul3A_159 = arith.constant 10000 : i32
      %mul3A_160 = vector.broadcast %mul3A_159 : i32 to vector<16xi32>
      %mul3A_161 = arith.muli %get3A_158, %mul3A_160 : vector<16xi32>
      %get3A_162 = arith.index_cast %scan3A_155 : i32 to index
      %get3A_163 = arith.constant 0 : index
      %get3A_164 = tpu.vector_load %arg7[%get3A_162, %get3A_163] {strides = array<i32>} : memref<16x128xi32, #tpu.memory_space<vmem>>, vector<1x16xi32>,
      %get3A_165 = vector.shape_cast %get3A_164 : vector<1x16xi32> to vector<16xi32>
      %add3A_166 = arith.addi %mul3A_161, %get3A_165 : vector<16xi32>
      %add3A_167 = vector.broadcast %mul3A_27 : i32 to vector<16xi32>
      %add3A_168 = arith.addi %add3A_166, %add3A_167 : vector<16xi32>
      %add3A_169 = arith.constant 48 : i32
      %add3A_170 = arith.addi %add3A_169, %scan3A_155 : i32
      %swap3A = arith.index_cast %add3A_170 : i32 to index
      %swap3A_171 = arith.constant 0 : index
      %swap3A_172 = tpu.vector_load %arg10[%swap3A, %swap3A_171] {strides = array<i32>} : memref<160x128xi32, #tpu.memory_space<vmem>>, vector<1x16xi32>,
      %swap3A_173 = vector.shape_cast %swap3A_172 : vector<1x16xi32> to vector<16xi32>
      %swap3A_174 = vector.shape_cast %add3A_168 : vector<16xi32> to vector<1x16xi32>
      tpu.vector_store %arg10[%swap3A, %swap3A_171], %swap3A_174 {strides = array<i32>} : memref<160x128xi32, #tpu.memory_space<vmem>>, vector<1x16xi32>,
      %get3A_175 = arith.index_cast %scan3A_155 : i32 to index
      %get3A_176 = arith.constant 16 : index
      %get3A_177 = tpu.vector_load %arg8[%get3A_175, %get3A_176] {strides = array<i32>} : memref<16x128xi32, #tpu.memory_space<vmem>>, vector<1x16xi32>,
      %get3A_178 = vector.shape_cast %get3A_177 : vector<1x16xi32> to vector<16xi32>
      %mul3A_179 = arith.constant 10000 : i32
      %mul3A_180 = vector.broadcast %mul3A_179 : i32 to vector<16xi32>
      %mul3A_181 = arith.muli %get3A_178, %mul3A_180 : vector<16xi32>
      %get3A_182 = arith.index_cast %scan3A_155 : i32 to index
      %get3A_183 = arith.constant 16 : index
      %get3A_184 = tpu.vector_load %arg7[%get3A_182, %get3A_183] {strides = array<i32>} : memref<16x128xi32, #tpu.memory_space<vmem>>, vector<1x16xi32>,
      %get3A_185 = vector.shape_cast %get3A_184 : vector<1x16xi32> to vector<16xi32>
      %add3A_186 = arith.addi %mul3A_181, %get3A_185 : vector<16xi32>
      %add3A_187 = vector.broadcast %mul3A_27 : i32 to vector<16xi32>
      %add3A_188 = arith.addi %add3A_186, %add3A_187 : vector<16xi32>
      %add3A_189 = arith.constant 48 : i32
      %add3A_190 = arith.addi %add3A_189, %scan3A_155 : i32
      %swap3A_191 = arith.index_cast %add3A_190 : i32 to index
      %swap3A_192 = arith.constant 16 : index
      %swap3A_193 = tpu.vector_load %arg10[%swap3A_191, %swap3A_192] {strides = array<i32>} : memref<160x128xi32, #tpu.memory_space<vmem>>, vector<1x16xi32>,
      %swap3A_194 = vector.shape_cast %swap3A_193 : vector<1x16xi32> to vector<16xi32>
      %swap3A_195 = vector.shape_cast %add3A_188 : vector<16xi32> to vector<1x16xi32>
      tpu.vector_store %arg10[%swap3A_191, %swap3A_192], %swap3A_195 {strides = array<i32>} : memref<160x128xi32, #tpu.memory_space<vmem>>, vector<1x16xi32>,
      %get3A_196 = arith.index_cast %scan3A_155 : i32 to index
      %get3A_197 = arith.constant 32 : index
      %get3A_198 = tpu.vector_load %arg8[%get3A_196, %get3A_197] {strides = array<i32>} : memref<16x128xi32, #tpu.memory_space<vmem>>, vector<1x16xi32>,
      %get3A_199 = vector.shape_cast %get3A_198 : vector<1x16xi32> to vector<16xi32>
      %mul3A_200 = arith.constant 10000 : i32
      %mul3A_201 = vector.broadcast %mul3A_200 : i32 to vector<16xi32>
      %mul3A_202 = arith.muli %get3A_199, %mul3A_201 : vector<16xi32>
      %get3A_203 = arith.index_cast %scan3A_155 : i32 to index
      %get3A_204 = arith.constant 32 : index
      %get3A_205 = tpu.vector_load %arg7[%get3A_203, %get3A_204] {strides = array<i32>} : memref<16x128xi32, #tpu.memory_space<vmem>>, vector<1x16xi32>,
      %get3A_206 = vector.shape_cast %get3A_205 : vector<1x16xi32> to vector<16xi32>
      %add3A_207 = arith.addi %mul3A_202, %get3A_206 : vector<16xi32>
      %add3A_208 = vector.broadcast %mul3A_27 : i32 to vector<16xi32>
      %add3A_209 = arith.addi %add3A_207, %add3A_208 : vector<16xi32>
      %add3A_210 = arith.constant 48 : i32
      %add3A_211 = arith.addi %add3A_210, %scan3A_155 : i32
      %swap3A_212 = arith.index_cast %add3A_211 : i32 to index
      %swap3A_213 = arith.constant 32 : index
      %swap3A_214 = tpu.vector_load %arg10[%swap3A_212, %swap3A_213] {strides = array<i32>} : memref<160x128xi32, #tpu.memory_space<vmem>>, vector<1x16xi32>,
      %swap3A_215 = vector.shape_cast %swap3A_214 : vector<1x16xi32> to vector<16xi32>
      %swap3A_216 = vector.shape_cast %add3A_209 : vector<16xi32> to vector<1x16xi32>
      tpu.vector_store %arg10[%swap3A_212, %swap3A_213], %swap3A_216 {strides = array<i32>} : memref<160x128xi32, #tpu.memory_space<vmem>>, vector<1x16xi32>,
      %get3A_217 = arith.index_cast %scan3A_155 : i32 to index
      %get3A_218 = arith.constant 48 : index
      %get3A_219 = tpu.vector_load %arg8[%get3A_217, %get3A_218] {strides = array<i32>} : memref<16x128xi32, #tpu.memory_space<vmem>>, vector<1x16xi32>,
      %get3A_220 = vector.shape_cast %get3A_219 : vector<1x16xi32> to vector<16xi32>
      %mul3A_221 = arith.constant 10000 : i32
      %mul3A_222 = vector.broadcast %mul3A_221 : i32 to vector<16xi32>
      %mul3A_223 = arith.muli %get3A_220, %mul3A_222 : vector<16xi32>
      %get3A_224 = arith.index_cast %scan3A_155 : i32 to index
      %get3A_225 = arith.constant 48 : index
      %get3A_226 = tpu.vector_load %arg7[%get3A_224, %get3A_225] {strides = array<i32>} : memref<16x128xi32, #tpu.memory_space<vmem>>, vector<1x16xi32>,
      %get3A_227 = vector.shape_cast %get3A_226 : vector<1x16xi32> to vector<16xi32>
      %add3A_228 = arith.addi %mul3A_223, %get3A_227 : vector<16xi32>
      %add3A_229 = vector.broadcast %mul3A_27 : i32 to vector<16xi32>
      %add3A_230 = arith.addi %add3A_228, %add3A_229 : vector<16xi32>
      %add3A_231 = arith.constant 48 : i32
      %add3A_232 = arith.addi %add3A_231, %scan3A_155 : i32
      %swap3A_233 = arith.index_cast %add3A_232 : i32 to index
      %swap3A_234 = arith.constant 48 : index
      %swap3A_235 = tpu.vector_load %arg10[%swap3A_233, %swap3A_234] {strides = array<i32>} : memref<160x128xi32, #tpu.memory_space<vmem>>, vector<1x16xi32>,
      %swap3A_236 = vector.shape_cast %swap3A_235 : vector<1x16xi32> to vector<16xi32>
      %swap3A_237 = vector.shape_cast %add3A_230 : vector<16xi32> to vector<1x16xi32>
      tpu.vector_store %arg10[%swap3A_233, %swap3A_234], %swap3A_237 {strides = array<i32>} : memref<160x128xi32, #tpu.memory_space<vmem>>, vector<1x16xi32>,
      %get3A_238 = arith.index_cast %scan3A_155 : i32 to index
      %get3A_239 = arith.constant 64 : index
      %get3A_240 = tpu.vector_load %arg8[%get3A_238, %get3A_239] {strides = array<i32>} : memref<16x128xi32, #tpu.memory_space<vmem>>, vector<1x16xi32>,
      %get3A_241 = vector.shape_cast %get3A_240 : vector<1x16xi32> to vector<16xi32>
      %mul3A_242 = arith.constant 10000 : i32
      %mul3A_243 = vector.broadcast %mul3A_242 : i32 to vector<16xi32>
      %mul3A_244 = arith.muli %get3A_241, %mul3A_243 : vector<16xi32>
      %get3A_245 = arith.index_cast %scan3A_155 : i32 to index
      %get3A_246 = arith.constant 64 : index
      %get3A_247 = tpu.vector_load %arg7[%get3A_245, %get3A_246] {strides = array<i32>} : memref<16x128xi32, #tpu.memory_space<vmem>>, vector<1x16xi32>,
      %get3A_248 = vector.shape_cast %get3A_247 : vector<1x16xi32> to vector<16xi32>
      %add3A_249 = arith.addi %mul3A_244, %get3A_248 : vector<16xi32>
      %add3A_250 = vector.broadcast %mul3A_27 : i32 to vector<16xi32>
      %add3A_251 = arith.addi %add3A_249, %add3A_250 : vector<16xi32>
      %add3A_252 = arith.constant 48 : i32
      %add3A_253 = arith.addi %add3A_252, %scan3A_155 : i32
      %swap3A_254 = arith.index_cast %add3A_253 : i32 to index
      %swap3A_255 = arith.constant 64 : index
      %swap3A_256 = tpu.vector_load %arg10[%swap3A_254, %swap3A_255] {strides = array<i32>} : memref<160x128xi32, #tpu.memory_space<vmem>>, vector<1x16xi32>,
      %swap3A_257 = vector.shape_cast %swap3A_256 : vector<1x16xi32> to vector<16xi32>
      %swap3A_258 = vector.shape_cast %add3A_251 : vector<16xi32> to vector<1x16xi32>
      tpu.vector_store %arg10[%swap3A_254, %swap3A_255], %swap3A_258 {strides = array<i32>} : memref<160x128xi32, #tpu.memory_space<vmem>>, vector<1x16xi32>,
      %get3A_259 = arith.index_cast %scan3A_155 : i32 to index
      %get3A_260 = arith.constant 80 : index
      %get3A_261 = tpu.vector_load %arg8[%get3A_259, %get3A_260] {strides = array<i32>} : memref<16x128xi32, #tpu.memory_space<vmem>>, vector<1x16xi32>,
      %get3A_262 = vector.shape_cast %get3A_261 : vector<1x16xi32> to vector<16xi32>
      %mul3A_263 = arith.constant 10000 : i32
      %mul3A_264 = vector.broadcast %mul3A_263 : i32 to vector<16xi32>
      %mul3A_265 = arith.muli %get3A_262, %mul3A_264 : vector<16xi32>
      %get3A_266 = arith.index_cast %scan3A_155 : i32 to index
      %get3A_267 = arith.constant 80 : index
      %get3A_268 = tpu.vector_load %arg7[%get3A_266, %get3A_267] {strides = array<i32>} : memref<16x128xi32, #tpu.memory_space<vmem>>, vector<1x16xi32>,
      %get3A_269 = vector.shape_cast %get3A_268 : vector<1x16xi32> to vector<16xi32>
      %add3A_270 = arith.addi %mul3A_265, %get3A_269 : vector<16xi32>
      %add3A_271 = vector.broadcast %mul3A_27 : i32 to vector<16xi32>
      %add3A_272 = arith.addi %add3A_270, %add3A_271 : vector<16xi32>
      %add3A_273 = arith.constant 48 : i32
      %add3A_274 = arith.addi %add3A_273, %scan3A_155 : i32
      %swap3A_275 = arith.index_cast %add3A_274 : i32 to index
      %swap3A_276 = arith.constant 80 : index
      %swap3A_277 = tpu.vector_load %arg10[%swap3A_275, %swap3A_276] {strides = array<i32>} : memref<160x128xi32, #tpu.memory_space<vmem>>, vector<1x16xi32>,
      %swap3A_278 = vector.shape_cast %swap3A_277 : vector<1x16xi32> to vector<16xi32>
      %swap3A_279 = vector.shape_cast %add3A_272 : vector<16xi32> to vector<1x16xi32>
      tpu.vector_store %arg10[%swap3A_275, %swap3A_276], %swap3A_279 {strides = array<i32>} : memref<160x128xi32, #tpu.memory_space<vmem>>, vector<1x16xi32>,
      %get3A_280 = arith.index_cast %scan3A_155 : i32 to index
      %get3A_281 = arith.constant 96 : index
      %get3A_282 = tpu.vector_load %arg8[%get3A_280, %get3A_281] {strides = array<i32>} : memref<16x128xi32, #tpu.memory_space<vmem>>, vector<1x16xi32>,
      %get3A_283 = vector.shape_cast %get3A_282 : vector<1x16xi32> to vector<16xi32>
      %mul3A_284 = arith.constant 10000 : i32
      %mul3A_285 = vector.broadcast %mul3A_284 : i32 to vector<16xi32>
      %mul3A_286 = arith.muli %get3A_283, %mul3A_285 : vector<16xi32>
      %get3A_287 = arith.index_cast %scan3A_155 : i32 to index
      %get3A_288 = arith.constant 96 : index
      %get3A_289 = tpu.vector_load %arg7[%get3A_287, %get3A_288] {strides = array<i32>} : memref<16x128xi32, #tpu.memory_space<vmem>>, vector<1x16xi32>,
      %get3A_290 = vector.shape_cast %get3A_289 : vector<1x16xi32> to vector<16xi32>
      %add3A_291 = arith.addi %mul3A_286, %get3A_290 : vector<16xi32>
      %add3A_292 = vector.broadcast %mul3A_27 : i32 to vector<16xi32>
      %add3A_293 = arith.addi %add3A_291, %add3A_292 : vector<16xi32>
      %add3A_294 = arith.constant 48 : i32
      %add3A_295 = arith.addi %add3A_294, %scan3A_155 : i32
      %swap3A_296 = arith.index_cast %add3A_295 : i32 to index
      %swap3A_297 = arith.constant 96 : index
      %swap3A_298 = tpu.vector_load %arg10[%swap3A_296, %swap3A_297] {strides = array<i32>} : memref<160x128xi32, #tpu.memory_space<vmem>>, vector<1x16xi32>,
      %swap3A_299 = vector.shape_cast %swap3A_298 : vector<1x16xi32> to vector<16xi32>
      %swap3A_300 = vector.shape_cast %add3A_293 : vector<16xi32> to vector<1x16xi32>
      tpu.vector_store %arg10[%swap3A_296, %swap3A_297], %swap3A_300 {strides = array<i32>} : memref<160x128xi32, #tpu.memory_space<vmem>>, vector<1x16xi32>,
      %get3A_301 = arith.index_cast %scan3A_155 : i32 to index
      %get3A_302 = arith.constant 112 : index
      %get3A_303 = tpu.vector_load %arg8[%get3A_301, %get3A_302] {strides = array<i32>} : memref<16x128xi32, #tpu.memory_space<vmem>>, vector<1x16xi32>,
      %get3A_304 = vector.shape_cast %get3A_303 : vector<1x16xi32> to vector<16xi32>
      %mul3A_305 = arith.constant 10000 : i32
      %mul3A_306 = vector.broadcast %mul3A_305 : i32 to vector<16xi32>
      %mul3A_307 = arith.muli %get3A_304, %mul3A_306 : vector<16xi32>
      %get3A_308 = arith.index_cast %scan3A_155 : i32 to index
      %get3A_309 = arith.constant 112 : index
      %get3A_310 = tpu.vector_load %arg7[%get3A_308, %get3A_309] {strides = array<i32>} : memref<16x128xi32, #tpu.memory_space<vmem>>, vector<1x16xi32>,
      %get3A_311 = vector.shape_cast %get3A_310 : vector<1x16xi32> to vector<16xi32>
      %add3A_312 = arith.addi %mul3A_307, %get3A_311 : vector<16xi32>
      %add3A_313 = vector.broadcast %mul3A_27 : i32 to vector<16xi32>
      %add3A_314 = arith.addi %add3A_312, %add3A_313 : vector<16xi32>
      %add3A_315 = arith.constant 48 : i32
      %add3A_316 = arith.addi %add3A_315, %scan3A_155 : i32
      %swap3A_317 = arith.index_cast %add3A_316 : i32 to index
      %swap3A_318 = arith.constant 112 : index
      %swap3A_319 = tpu.vector_load %arg10[%swap3A_317, %swap3A_318] {strides = array<i32>} : memref<160x128xi32, #tpu.memory_space<vmem>>, vector<1x16xi32>,
      %swap3A_320 = vector.shape_cast %swap3A_319 : vector<1x16xi32> to vector<16xi32>
      %swap3A_321 = vector.shape_cast %add3A_314 : vector<16xi32> to vector<1x16xi32>
      tpu.vector_store %arg10[%swap3A_317, %swap3A_318], %swap3A_321 {strides = array<i32>} : memref<160x128xi32, #tpu.memory_space<vmem>>, vector<1x16xi32>,
    }
    %scan3A_67 = arith.constant 16 : i32
    %add3A_68 = arith.constant 64 : i32
    %add3A_69 = arith.addi %mul3A_0, %add3A_68 : i32
    "tpu.region"() ({
      %run_scoped3A = tpu.sem_alloc : memref<!tpu.dma_semaphore, #tpu.memory_space<semaphore_mem>>
      %dma_start3A = arith.constant 0 : i32
      %dma_start3A_155 = tpu.memref_slice %arg3[%add3A_69, %dma_start3A] : memref<2560x128xi32, #tpu.memory_space<hbm>> -> memref<16x128xi32, #tpu.memory_space<hbm>>
      %dma_start3A_156 = arith.constant 0 : i32
      %dma_start3A_157 = tpu.memref_slice %arg3[%add3A_69, %dma_start3A_156] : memref<2560x128xi32, #tpu.memory_space<hbm>> -> memref<16x128xi32, #tpu.memory_space<hbm>>
      tpu.enqueue_dma source(%dma_start3A_157 : memref<16x128xi32, #tpu.memory_space<hbm>>) target(%arg7 : memref<16x128xi32, #tpu.memory_space<vmem>>) target_semaphore(%run_scoped3A : memref<!tpu.dma_semaphore, #tpu.memory_space<semaphore_mem>>)
      %dma_wait3A = arith.constant 0 : i32
      %dma_wait3A_158 = tpu.memref_slice %arg3[%add3A_69, %dma_wait3A] : memref<2560x128xi32, #tpu.memory_space<hbm>> -> memref<16x128xi32, #tpu.memory_space<hbm>>
      %dma_wait3A_159 = arith.constant 0 : i32
      %dma_wait3A_160 = tpu.memref_slice %arg3[%add3A_69, %dma_wait3A_159] : memref<2560x128xi32, #tpu.memory_space<hbm>> -> memref<16x128xi32, #tpu.memory_space<hbm>>
      tpu.wait_dma2 semaphore(%run_scoped3A : memref<!tpu.dma_semaphore, #tpu.memory_space<semaphore_mem>>) src(%dma_wait3A_160 : memref<16x128xi32, #tpu.memory_space<hbm>>) dst(%arg7 : memref<16x128xi32, #tpu.memory_space<vmem>>)
      tpu.yield
    }) : () -> ()
    %add3A_70 = arith.constant 64 : i32
    %add3A_71 = arith.addi %mul3A_0, %add3A_70 : i32
    "tpu.region"() ({
      %run_scoped3A = tpu.sem_alloc : memref<!tpu.dma_semaphore, #tpu.memory_space<semaphore_mem>>
      %dma_start3A = arith.constant 0 : i32
      %dma_start3A_155 = tpu.memref_slice %arg4[%add3A_71, %dma_start3A] : memref<2560x128xi32, #tpu.memory_space<hbm>> -> memref<16x128xi32, #tpu.memory_space<hbm>>
      %dma_start3A_156 = arith.constant 0 : i32
      %dma_start3A_157 = tpu.memref_slice %arg4[%add3A_71, %dma_start3A_156] : memref<2560x128xi32, #tpu.memory_space<hbm>> -> memref<16x128xi32, #tpu.memory_space<hbm>>
      tpu.enqueue_dma source(%dma_start3A_157 : memref<16x128xi32, #tpu.memory_space<hbm>>) target(%arg8 : memref<16x128xi32, #tpu.memory_space<vmem>>) target_semaphore(%run_scoped3A : memref<!tpu.dma_semaphore, #tpu.memory_space<semaphore_mem>>)
      %dma_wait3A = arith.constant 0 : i32
      %dma_wait3A_158 = tpu.memref_slice %arg4[%add3A_71, %dma_wait3A] : memref<2560x128xi32, #tpu.memory_space<hbm>> -> memref<16x128xi32, #tpu.memory_space<hbm>>
      %dma_wait3A_159 = arith.constant 0 : i32
      %dma_wait3A_160 = tpu.memref_slice %arg4[%add3A_71, %dma_wait3A_159] : memref<2560x128xi32, #tpu.memory_space<hbm>> -> memref<16x128xi32, #tpu.memory_space<hbm>>
      tpu.wait_dma2 semaphore(%run_scoped3A : memref<!tpu.dma_semaphore, #tpu.memory_space<semaphore_mem>>) src(%dma_wait3A_160 : memref<16x128xi32, #tpu.memory_space<hbm>>) dst(%arg8 : memref<16x128xi32, #tpu.memory_space<vmem>>)
      tpu.yield
    }) : () -> ()
    %scan3A_72 = arith.constant 0 : i32
    %scan3A_73 = arith.constant 0 : i32
    %scan3A_74 = arith.constant 16 : i32
    %scan3A_75 = arith.addi %scan3A_73, %scan3A_74 : i32
    %scan3A_76 = arith.constant 1 : i32
    scf.for %scan3A_155 = %scan3A_73 to %scan3A_75 step %scan3A_76  : i32 {
      %get3A = arith.index_cast %scan3A_155 : i32 to index
      %get3A_156 = arith.constant 0 : index
      %get3A_157 = tpu.vector_load %arg8[%get3A, %get3A_156] {strides = array<i32>} : memref<16x128xi32, #tpu.memory_space<vmem>>, vector<1x16xi32>,
      %get3A_158 = vector.shape_cast %get3A_157 : vector<1x16xi32> to vector<16xi32>
      %mul3A_159 = arith.constant 10000 : i32
      %mul3A_160 = vector.broadcast %mul3A_159 : i32 to vector<16xi32>
      %mul3A_161 = arith.muli %get3A_158, %mul3A_160 : vector<16xi32>
      %get3A_162 = arith.index_cast %scan3A_155 : i32 to index
      %get3A_163 = arith.constant 0 : index
      %get3A_164 = tpu.vector_load %arg7[%get3A_162, %get3A_163] {strides = array<i32>} : memref<16x128xi32, #tpu.memory_space<vmem>>, vector<1x16xi32>,
      %get3A_165 = vector.shape_cast %get3A_164 : vector<1x16xi32> to vector<16xi32>
      %add3A_166 = arith.addi %mul3A_161, %get3A_165 : vector<16xi32>
      %add3A_167 = vector.broadcast %mul3A_27 : i32 to vector<16xi32>
      %add3A_168 = arith.addi %add3A_166, %add3A_167 : vector<16xi32>
      %add3A_169 = arith.constant 64 : i32
      %add3A_170 = arith.addi %add3A_169, %scan3A_155 : i32
      %swap3A = arith.index_cast %add3A_170 : i32 to index
      %swap3A_171 = arith.constant 0 : index
      %swap3A_172 = tpu.vector_load %arg10[%swap3A, %swap3A_171] {strides = array<i32>} : memref<160x128xi32, #tpu.memory_space<vmem>>, vector<1x16xi32>,
      %swap3A_173 = vector.shape_cast %swap3A_172 : vector<1x16xi32> to vector<16xi32>
      %swap3A_174 = vector.shape_cast %add3A_168 : vector<16xi32> to vector<1x16xi32>
      tpu.vector_store %arg10[%swap3A, %swap3A_171], %swap3A_174 {strides = array<i32>} : memref<160x128xi32, #tpu.memory_space<vmem>>, vector<1x16xi32>,
      %get3A_175 = arith.index_cast %scan3A_155 : i32 to index
      %get3A_176 = arith.constant 16 : index
      %get3A_177 = tpu.vector_load %arg8[%get3A_175, %get3A_176] {strides = array<i32>} : memref<16x128xi32, #tpu.memory_space<vmem>>, vector<1x16xi32>,
      %get3A_178 = vector.shape_cast %get3A_177 : vector<1x16xi32> to vector<16xi32>
      %mul3A_179 = arith.constant 10000 : i32
      %mul3A_180 = vector.broadcast %mul3A_179 : i32 to vector<16xi32>
      %mul3A_181 = arith.muli %get3A_178, %mul3A_180 : vector<16xi32>
      %get3A_182 = arith.index_cast %scan3A_155 : i32 to index
      %get3A_183 = arith.constant 16 : index
      %get3A_184 = tpu.vector_load %arg7[%get3A_182, %get3A_183] {strides = array<i32>} : memref<16x128xi32, #tpu.memory_space<vmem>>, vector<1x16xi32>,
      %get3A_185 = vector.shape_cast %get3A_184 : vector<1x16xi32> to vector<16xi32>
      %add3A_186 = arith.addi %mul3A_181, %get3A_185 : vector<16xi32>
      %add3A_187 = vector.broadcast %mul3A_27 : i32 to vector<16xi32>
      %add3A_188 = arith.addi %add3A_186, %add3A_187 : vector<16xi32>
      %add3A_189 = arith.constant 64 : i32
      %add3A_190 = arith.addi %add3A_189, %scan3A_155 : i32
      %swap3A_191 = arith.index_cast %add3A_190 : i32 to index
      %swap3A_192 = arith.constant 16 : index
      %swap3A_193 = tpu.vector_load %arg10[%swap3A_191, %swap3A_192] {strides = array<i32>} : memref<160x128xi32, #tpu.memory_space<vmem>>, vector<1x16xi32>,
      %swap3A_194 = vector.shape_cast %swap3A_193 : vector<1x16xi32> to vector<16xi32>
      %swap3A_195 = vector.shape_cast %add3A_188 : vector<16xi32> to vector<1x16xi32>
      tpu.vector_store %arg10[%swap3A_191, %swap3A_192], %swap3A_195 {strides = array<i32>} : memref<160x128xi32, #tpu.memory_space<vmem>>, vector<1x16xi32>,
      %get3A_196 = arith.index_cast %scan3A_155 : i32 to index
      %get3A_197 = arith.constant 32 : index
      %get3A_198 = tpu.vector_load %arg8[%get3A_196, %get3A_197] {strides = array<i32>} : memref<16x128xi32, #tpu.memory_space<vmem>>, vector<1x16xi32>,
      %get3A_199 = vector.shape_cast %get3A_198 : vector<1x16xi32> to vector<16xi32>
      %mul3A_200 = arith.constant 10000 : i32
      %mul3A_201 = vector.broadcast %mul3A_200 : i32 to vector<16xi32>
      %mul3A_202 = arith.muli %get3A_199, %mul3A_201 : vector<16xi32>
      %get3A_203 = arith.index_cast %scan3A_155 : i32 to index
      %get3A_204 = arith.constant 32 : index
      %get3A_205 = tpu.vector_load %arg7[%get3A_203, %get3A_204] {strides = array<i32>} : memref<16x128xi32, #tpu.memory_space<vmem>>, vector<1x16xi32>,
      %get3A_206 = vector.shape_cast %get3A_205 : vector<1x16xi32> to vector<16xi32>
      %add3A_207 = arith.addi %mul3A_202, %get3A_206 : vector<16xi32>
      %add3A_208 = vector.broadcast %mul3A_27 : i32 to vector<16xi32>
      %add3A_209 = arith.addi %add3A_207, %add3A_208 : vector<16xi32>
      %add3A_210 = arith.constant 64 : i32
      %add3A_211 = arith.addi %add3A_210, %scan3A_155 : i32
      %swap3A_212 = arith.index_cast %add3A_211 : i32 to index
      %swap3A_213 = arith.constant 32 : index
      %swap3A_214 = tpu.vector_load %arg10[%swap3A_212, %swap3A_213] {strides = array<i32>} : memref<160x128xi32, #tpu.memory_space<vmem>>, vector<1x16xi32>,
      %swap3A_215 = vector.shape_cast %swap3A_214 : vector<1x16xi32> to vector<16xi32>
      %swap3A_216 = vector.shape_cast %add3A_209 : vector<16xi32> to vector<1x16xi32>
      tpu.vector_store %arg10[%swap3A_212, %swap3A_213], %swap3A_216 {strides = array<i32>} : memref<160x128xi32, #tpu.memory_space<vmem>>, vector<1x16xi32>,
      %get3A_217 = arith.index_cast %scan3A_155 : i32 to index
      %get3A_218 = arith.constant 48 : index
      %get3A_219 = tpu.vector_load %arg8[%get3A_217, %get3A_218] {strides = array<i32>} : memref<16x128xi32, #tpu.memory_space<vmem>>, vector<1x16xi32>,
      %get3A_220 = vector.shape_cast %get3A_219 : vector<1x16xi32> to vector<16xi32>
      %mul3A_221 = arith.constant 10000 : i32
      %mul3A_222 = vector.broadcast %mul3A_221 : i32 to vector<16xi32>
      %mul3A_223 = arith.muli %get3A_220, %mul3A_222 : vector<16xi32>
      %get3A_224 = arith.index_cast %scan3A_155 : i32 to index
      %get3A_225 = arith.constant 48 : index
      %get3A_226 = tpu.vector_load %arg7[%get3A_224, %get3A_225] {strides = array<i32>} : memref<16x128xi32, #tpu.memory_space<vmem>>, vector<1x16xi32>,
      %get3A_227 = vector.shape_cast %get3A_226 : vector<1x16xi32> to vector<16xi32>
      %add3A_228 = arith.addi %mul3A_223, %get3A_227 : vector<16xi32>
      %add3A_229 = vector.broadcast %mul3A_27 : i32 to vector<16xi32>
      %add3A_230 = arith.addi %add3A_228, %add3A_229 : vector<16xi32>
      %add3A_231 = arith.constant 64 : i32
      %add3A_232 = arith.addi %add3A_231, %scan3A_155 : i32
      %swap3A_233 = arith.index_cast %add3A_232 : i32 to index
      %swap3A_234 = arith.constant 48 : index
      %swap3A_235 = tpu.vector_load %arg10[%swap3A_233, %swap3A_234] {strides = array<i32>} : memref<160x128xi32, #tpu.memory_space<vmem>>, vector<1x16xi32>,
      %swap3A_236 = vector.shape_cast %swap3A_235 : vector<1x16xi32> to vector<16xi32>
      %swap3A_237 = vector.shape_cast %add3A_230 : vector<16xi32> to vector<1x16xi32>
      tpu.vector_store %arg10[%swap3A_233, %swap3A_234], %swap3A_237 {strides = array<i32>} : memref<160x128xi32, #tpu.memory_space<vmem>>, vector<1x16xi32>,
      %get3A_238 = arith.index_cast %scan3A_155 : i32 to index
      %get3A_239 = arith.constant 64 : index
      %get3A_240 = tpu.vector_load %arg8[%get3A_238, %get3A_239] {strides = array<i32>} : memref<16x128xi32, #tpu.memory_space<vmem>>, vector<1x16xi32>,
      %get3A_241 = vector.shape_cast %get3A_240 : vector<1x16xi32> to vector<16xi32>
      %mul3A_242 = arith.constant 10000 : i32
      %mul3A_243 = vector.broadcast %mul3A_242 : i32 to vector<16xi32>
      %mul3A_244 = arith.muli %get3A_241, %mul3A_243 : vector<16xi32>
      %get3A_245 = arith.index_cast %scan3A_155 : i32 to index
      %get3A_246 = arith.constant 64 : index
      %get3A_247 = tpu.vector_load %arg7[%get3A_245, %get3A_246] {strides = array<i32>} : memref<16x128xi32, #tpu.memory_space<vmem>>, vector<1x16xi32>,
      %get3A_248 = vector.shape_cast %get3A_247 : vector<1x16xi32> to vector<16xi32>
      %add3A_249 = arith.addi %mul3A_244, %get3A_248 : vector<16xi32>
      %add3A_250 = vector.broadcast %mul3A_27 : i32 to vector<16xi32>
      %add3A_251 = arith.addi %add3A_249, %add3A_250 : vector<16xi32>
      %add3A_252 = arith.constant 64 : i32
      %add3A_253 = arith.addi %add3A_252, %scan3A_155 : i32
      %swap3A_254 = arith.index_cast %add3A_253 : i32 to index
      %swap3A_255 = arith.constant 64 : index
      %swap3A_256 = tpu.vector_load %arg10[%swap3A_254, %swap3A_255] {strides = array<i32>} : memref<160x128xi32, #tpu.memory_space<vmem>>, vector<1x16xi32>,
      %swap3A_257 = vector.shape_cast %swap3A_256 : vector<1x16xi32> to vector<16xi32>
      %swap3A_258 = vector.shape_cast %add3A_251 : vector<16xi32> to vector<1x16xi32>
      tpu.vector_store %arg10[%swap3A_254, %swap3A_255], %swap3A_258 {strides = array<i32>} : memref<160x128xi32, #tpu.memory_space<vmem>>, vector<1x16xi32>,
      %get3A_259 = arith.index_cast %scan3A_155 : i32 to index
      %get3A_260 = arith.constant 80 : index
      %get3A_261 = tpu.vector_load %arg8[%get3A_259, %get3A_260] {strides = array<i32>} : memref<16x128xi32, #tpu.memory_space<vmem>>, vector<1x16xi32>,
      %get3A_262 = vector.shape_cast %get3A_261 : vector<1x16xi32> to vector<16xi32>
      %mul3A_263 = arith.constant 10000 : i32
      %mul3A_264 = vector.broadcast %mul3A_263 : i32 to vector<16xi32>
      %mul3A_265 = arith.muli %get3A_262, %mul3A_264 : vector<16xi32>
      %get3A_266 = arith.index_cast %scan3A_155 : i32 to index
      %get3A_267 = arith.constant 80 : index
      %get3A_268 = tpu.vector_load %arg7[%get3A_266, %get3A_267] {strides = array<i32>} : memref<16x128xi32, #tpu.memory_space<vmem>>, vector<1x16xi32>,
      %get3A_269 = vector.shape_cast %get3A_268 : vector<1x16xi32> to vector<16xi32>
      %add3A_270 = arith.addi %mul3A_265, %get3A_269 : vector<16xi32>
      %add3A_271 = vector.broadcast %mul3A_27 : i32 to vector<16xi32>
      %add3A_272 = arith.addi %add3A_270, %add3A_271 : vector<16xi32>
      %add3A_273 = arith.constant 64 : i32
      %add3A_274 = arith.addi %add3A_273, %scan3A_155 : i32
      %swap3A_275 = arith.index_cast %add3A_274 : i32 to index
      %swap3A_276 = arith.constant 80 : index
      %swap3A_277 = tpu.vector_load %arg10[%swap3A_275, %swap3A_276] {strides = array<i32>} : memref<160x128xi32, #tpu.memory_space<vmem>>, vector<1x16xi32>,
      %swap3A_278 = vector.shape_cast %swap3A_277 : vector<1x16xi32> to vector<16xi32>
      %swap3A_279 = vector.shape_cast %add3A_272 : vector<16xi32> to vector<1x16xi32>
      tpu.vector_store %arg10[%swap3A_275, %swap3A_276], %swap3A_279 {strides = array<i32>} : memref<160x128xi32, #tpu.memory_space<vmem>>, vector<1x16xi32>,
      %get3A_280 = arith.index_cast %scan3A_155 : i32 to index
      %get3A_281 = arith.constant 96 : index
      %get3A_282 = tpu.vector_load %arg8[%get3A_280, %get3A_281] {strides = array<i32>} : memref<16x128xi32, #tpu.memory_space<vmem>>, vector<1x16xi32>,
      %get3A_283 = vector.shape_cast %get3A_282 : vector<1x16xi32> to vector<16xi32>
      %mul3A_284 = arith.constant 10000 : i32
      %mul3A_285 = vector.broadcast %mul3A_284 : i32 to vector<16xi32>
      %mul3A_286 = arith.muli %get3A_283, %mul3A_285 : vector<16xi32>
      %get3A_287 = arith.index_cast %scan3A_155 : i32 to index
      %get3A_288 = arith.constant 96 : index
      %get3A_289 = tpu.vector_load %arg7[%get3A_287, %get3A_288] {strides = array<i32>} : memref<16x128xi32, #tpu.memory_space<vmem>>, vector<1x16xi32>,
      %get3A_290 = vector.shape_cast %get3A_289 : vector<1x16xi32> to vector<16xi32>
      %add3A_291 = arith.addi %mul3A_286, %get3A_290 : vector<16xi32>
      %add3A_292 = vector.broadcast %mul3A_27 : i32 to vector<16xi32>
      %add3A_293 = arith.addi %add3A_291, %add3A_292 : vector<16xi32>
      %add3A_294 = arith.constant 64 : i32
      %add3A_295 = arith.addi %add3A_294, %scan3A_155 : i32
      %swap3A_296 = arith.index_cast %add3A_295 : i32 to index
      %swap3A_297 = arith.constant 96 : index
      %swap3A_298 = tpu.vector_load %arg10[%swap3A_296, %swap3A_297] {strides = array<i32>} : memref<160x128xi32, #tpu.memory_space<vmem>>, vector<1x16xi32>,
      %swap3A_299 = vector.shape_cast %swap3A_298 : vector<1x16xi32> to vector<16xi32>
      %swap3A_300 = vector.shape_cast %add3A_293 : vector<16xi32> to vector<1x16xi32>
      tpu.vector_store %arg10[%swap3A_296, %swap3A_297], %swap3A_300 {strides = array<i32>} : memref<160x128xi32, #tpu.memory_space<vmem>>, vector<1x16xi32>,
      %get3A_301 = arith.index_cast %scan3A_155 : i32 to index
      %get3A_302 = arith.constant 112 : index
      %get3A_303 = tpu.vector_load %arg8[%get3A_301, %get3A_302] {strides = array<i32>} : memref<16x128xi32, #tpu.memory_space<vmem>>, vector<1x16xi32>,
      %get3A_304 = vector.shape_cast %get3A_303 : vector<1x16xi32> to vector<16xi32>
      %mul3A_305 = arith.constant 10000 : i32
      %mul3A_306 = vector.broadcast %mul3A_305 : i32 to vector<16xi32>
      %mul3A_307 = arith.muli %get3A_304, %mul3A_306 : vector<16xi32>
      %get3A_308 = arith.index_cast %scan3A_155 : i32 to index
      %get3A_309 = arith.constant 112 : index
      %get3A_310 = tpu.vector_load %arg7[%get3A_308, %get3A_309] {strides = array<i32>} : memref<16x128xi32, #tpu.memory_space<vmem>>, vector<1x16xi32>,
      %get3A_311 = vector.shape_cast %get3A_310 : vector<1x16xi32> to vector<16xi32>
      %add3A_312 = arith.addi %mul3A_307, %get3A_311 : vector<16xi32>
      %add3A_313 = vector.broadcast %mul3A_27 : i32 to vector<16xi32>
      %add3A_314 = arith.addi %add3A_312, %add3A_313 : vector<16xi32>
      %add3A_315 = arith.constant 64 : i32
      %add3A_316 = arith.addi %add3A_315, %scan3A_155 : i32
      %swap3A_317 = arith.index_cast %add3A_316 : i32 to index
      %swap3A_318 = arith.constant 112 : index
      %swap3A_319 = tpu.vector_load %arg10[%swap3A_317, %swap3A_318] {strides = array<i32>} : memref<160x128xi32, #tpu.memory_space<vmem>>, vector<1x16xi32>,
      %swap3A_320 = vector.shape_cast %swap3A_319 : vector<1x16xi32> to vector<16xi32>
      %swap3A_321 = vector.shape_cast %add3A_314 : vector<16xi32> to vector<1x16xi32>
      tpu.vector_store %arg10[%swap3A_317, %swap3A_318], %swap3A_321 {strides = array<i32>} : memref<160x128xi32, #tpu.memory_space<vmem>>, vector<1x16xi32>,
    }
    %scan3A_77 = arith.constant 16 : i32
    %add3A_78 = arith.constant 80 : i32
    %add3A_79 = arith.addi %mul3A_0, %add3A_78 : i32
    "tpu.region"() ({
      %run_scoped3A = tpu.sem_alloc : memref<!tpu.dma_semaphore, #tpu.memory_space<semaphore_mem>>
      %dma_start3A = arith.constant 0 : i32
      %dma_start3A_155 = tpu.memref_slice %arg3[%add3A_79, %dma_start3A] : memref<2560x128xi32, #tpu.memory_space<hbm>> -> memref<16x128xi32, #tpu.memory_space<hbm>>
      %dma_start3A_156 = arith.constant 0 : i32
      %dma_start3A_157 = tpu.memref_slice %arg3[%add3A_79, %dma_start3A_156] : memref<2560x128xi32, #tpu.memory_space<hbm>> -> memref<16x128xi32, #tpu.memory_space<hbm>>
      tpu.enqueue_dma source(%dma_start3A_157 : memref<16x128xi32, #tpu.memory_space<hbm>>) target(%arg7 : memref<16x128xi32, #tpu.memory_space<vmem>>) target_semaphore(%run_scoped3A : memref<!tpu.dma_semaphore, #tpu.memory_space<semaphore_mem>>)
      %dma_wait3A = arith.constant 0 : i32
      %dma_wait3A_158 = tpu.memref_slice %arg3[%add3A_79, %dma_wait3A] : memref<2560x128xi32, #tpu.memory_space<hbm>> -> memref<16x128xi32, #tpu.memory_space<hbm>>
      %dma_wait3A_159 = arith.constant 0 : i32
      %dma_wait3A_160 = tpu.memref_slice %arg3[%add3A_79, %dma_wait3A_159] : memref<2560x128xi32, #tpu.memory_space<hbm>> -> memref<16x128xi32, #tpu.memory_space<hbm>>
      tpu.wait_dma2 semaphore(%run_scoped3A : memref<!tpu.dma_semaphore, #tpu.memory_space<semaphore_mem>>) src(%dma_wait3A_160 : memref<16x128xi32, #tpu.memory_space<hbm>>) dst(%arg7 : memref<16x128xi32, #tpu.memory_space<vmem>>)
      tpu.yield
    }) : () -> ()
    %add3A_80 = arith.constant 80 : i32
    %add3A_81 = arith.addi %mul3A_0, %add3A_80 : i32
    "tpu.region"() ({
      %run_scoped3A = tpu.sem_alloc : memref<!tpu.dma_semaphore, #tpu.memory_space<semaphore_mem>>
      %dma_start3A = arith.constant 0 : i32
      %dma_start3A_155 = tpu.memref_slice %arg4[%add3A_81, %dma_start3A] : memref<2560x128xi32, #tpu.memory_space<hbm>> -> memref<16x128xi32, #tpu.memory_space<hbm>>
      %dma_start3A_156 = arith.constant 0 : i32
      %dma_start3A_157 = tpu.memref_slice %arg4[%add3A_81, %dma_start3A_156] : memref<2560x128xi32, #tpu.memory_space<hbm>> -> memref<16x128xi32, #tpu.memory_space<hbm>>
      tpu.enqueue_dma source(%dma_start3A_157 : memref<16x128xi32, #tpu.memory_space<hbm>>) target(%arg8 : memref<16x128xi32, #tpu.memory_space<vmem>>) target_semaphore(%run_scoped3A : memref<!tpu.dma_semaphore, #tpu.memory_space<semaphore_mem>>)
      %dma_wait3A = arith.constant 0 : i32
      %dma_wait3A_158 = tpu.memref_slice %arg4[%add3A_81, %dma_wait3A] : memref<2560x128xi32, #tpu.memory_space<hbm>> -> memref<16x128xi32, #tpu.memory_space<hbm>>
      %dma_wait3A_159 = arith.constant 0 : i32
      %dma_wait3A_160 = tpu.memref_slice %arg4[%add3A_81, %dma_wait3A_159] : memref<2560x128xi32, #tpu.memory_space<hbm>> -> memref<16x128xi32, #tpu.memory_space<hbm>>
      tpu.wait_dma2 semaphore(%run_scoped3A : memref<!tpu.dma_semaphore, #tpu.memory_space<semaphore_mem>>) src(%dma_wait3A_160 : memref<16x128xi32, #tpu.memory_space<hbm>>) dst(%arg8 : memref<16x128xi32, #tpu.memory_space<vmem>>)
      tpu.yield
    }) : () -> ()
    %scan3A_82 = arith.constant 0 : i32
    %scan3A_83 = arith.constant 0 : i32
    %scan3A_84 = arith.constant 16 : i32
    %scan3A_85 = arith.addi %scan3A_83, %scan3A_84 : i32
    %scan3A_86 = arith.constant 1 : i32
    scf.for %scan3A_155 = %scan3A_83 to %scan3A_85 step %scan3A_86  : i32 {
      %get3A = arith.index_cast %scan3A_155 : i32 to index
      %get3A_156 = arith.constant 0 : index
      %get3A_157 = tpu.vector_load %arg8[%get3A, %get3A_156] {strides = array<i32>} : memref<16x128xi32, #tpu.memory_space<vmem>>, vector<1x16xi32>,
      %get3A_158 = vector.shape_cast %get3A_157 : vector<1x16xi32> to vector<16xi32>
      %mul3A_159 = arith.constant 10000 : i32
      %mul3A_160 = vector.broadcast %mul3A_159 : i32 to vector<16xi32>
      %mul3A_161 = arith.muli %get3A_158, %mul3A_160 : vector<16xi32>
      %get3A_162 = arith.index_cast %scan3A_155 : i32 to index
      %get3A_163 = arith.constant 0 : index
      %get3A_164 = tpu.vector_load %arg7[%get3A_162, %get3A_163] {strides = array<i32>} : memref<16x128xi32, #tpu.memory_space<vmem>>, vector<1x16xi32>,
      %get3A_165 = vector.shape_cast %get3A_164 : vector<1x16xi32> to vector<16xi32>
      %add3A_166 = arith.addi %mul3A_161, %get3A_165 : vector<16xi32>
      %add3A_167 = vector.broadcast %mul3A_27 : i32 to vector<16xi32>
      %add3A_168 = arith.addi %add3A_166, %add3A_167 : vector<16xi32>
      %add3A_169 = arith.constant 80 : i32
      %add3A_170 = arith.addi %add3A_169, %scan3A_155 : i32
      %swap3A = arith.index_cast %add3A_170 : i32 to index
      %swap3A_171 = arith.constant 0 : index
      %swap3A_172 = tpu.vector_load %arg10[%swap3A, %swap3A_171] {strides = array<i32>} : memref<160x128xi32, #tpu.memory_space<vmem>>, vector<1x16xi32>,
      %swap3A_173 = vector.shape_cast %swap3A_172 : vector<1x16xi32> to vector<16xi32>
      %swap3A_174 = vector.shape_cast %add3A_168 : vector<16xi32> to vector<1x16xi32>
      tpu.vector_store %arg10[%swap3A, %swap3A_171], %swap3A_174 {strides = array<i32>} : memref<160x128xi32, #tpu.memory_space<vmem>>, vector<1x16xi32>,
      %get3A_175 = arith.index_cast %scan3A_155 : i32 to index
      %get3A_176 = arith.constant 16 : index
      %get3A_177 = tpu.vector_load %arg8[%get3A_175, %get3A_176] {strides = array<i32>} : memref<16x128xi32, #tpu.memory_space<vmem>>, vector<1x16xi32>,
      %get3A_178 = vector.shape_cast %get3A_177 : vector<1x16xi32> to vector<16xi32>
      %mul3A_179 = arith.constant 10000 : i32
      %mul3A_180 = vector.broadcast %mul3A_179 : i32 to vector<16xi32>
      %mul3A_181 = arith.muli %get3A_178, %mul3A_180 : vector<16xi32>
      %get3A_182 = arith.index_cast %scan3A_155 : i32 to index
      %get3A_183 = arith.constant 16 : index
      %get3A_184 = tpu.vector_load %arg7[%get3A_182, %get3A_183] {strides = array<i32>} : memref<16x128xi32, #tpu.memory_space<vmem>>, vector<1x16xi32>,
      %get3A_185 = vector.shape_cast %get3A_184 : vector<1x16xi32> to vector<16xi32>
      %add3A_186 = arith.addi %mul3A_181, %get3A_185 : vector<16xi32>
      %add3A_187 = vector.broadcast %mul3A_27 : i32 to vector<16xi32>
      %add3A_188 = arith.addi %add3A_186, %add3A_187 : vector<16xi32>
      %add3A_189 = arith.constant 80 : i32
      %add3A_190 = arith.addi %add3A_189, %scan3A_155 : i32
      %swap3A_191 = arith.index_cast %add3A_190 : i32 to index
      %swap3A_192 = arith.constant 16 : index
      %swap3A_193 = tpu.vector_load %arg10[%swap3A_191, %swap3A_192] {strides = array<i32>} : memref<160x128xi32, #tpu.memory_space<vmem>>, vector<1x16xi32>,
      %swap3A_194 = vector.shape_cast %swap3A_193 : vector<1x16xi32> to vector<16xi32>
      %swap3A_195 = vector.shape_cast %add3A_188 : vector<16xi32> to vector<1x16xi32>
      tpu.vector_store %arg10[%swap3A_191, %swap3A_192], %swap3A_195 {strides = array<i32>} : memref<160x128xi32, #tpu.memory_space<vmem>>, vector<1x16xi32>,
      %get3A_196 = arith.index_cast %scan3A_155 : i32 to index
      %get3A_197 = arith.constant 32 : index
      %get3A_198 = tpu.vector_load %arg8[%get3A_196, %get3A_197] {strides = array<i32>} : memref<16x128xi32, #tpu.memory_space<vmem>>, vector<1x16xi32>,
      %get3A_199 = vector.shape_cast %get3A_198 : vector<1x16xi32> to vector<16xi32>
      %mul3A_200 = arith.constant 10000 : i32
      %mul3A_201 = vector.broadcast %mul3A_200 : i32 to vector<16xi32>
      %mul3A_202 = arith.muli %get3A_199, %mul3A_201 : vector<16xi32>
      %get3A_203 = arith.index_cast %scan3A_155 : i32 to index
      %get3A_204 = arith.constant 32 : index
      %get3A_205 = tpu.vector_load %arg7[%get3A_203, %get3A_204] {strides = array<i32>} : memref<16x128xi32, #tpu.memory_space<vmem>>, vector<1x16xi32>,
      %get3A_206 = vector.shape_cast %get3A_205 : vector<1x16xi32> to vector<16xi32>
      %add3A_207 = arith.addi %mul3A_202, %get3A_206 : vector<16xi32>
      %add3A_208 = vector.broadcast %mul3A_27 : i32 to vector<16xi32>
      %add3A_209 = arith.addi %add3A_207, %add3A_208 : vector<16xi32>
      %add3A_210 = arith.constant 80 : i32
      %add3A_211 = arith.addi %add3A_210, %scan3A_155 : i32
      %swap3A_212 = arith.index_cast %add3A_211 : i32 to index
      %swap3A_213 = arith.constant 32 : index
      %swap3A_214 = tpu.vector_load %arg10[%swap3A_212, %swap3A_213] {strides = array<i32>} : memref<160x128xi32, #tpu.memory_space<vmem>>, vector<1x16xi32>,
      %swap3A_215 = vector.shape_cast %swap3A_214 : vector<1x16xi32> to vector<16xi32>
      %swap3A_216 = vector.shape_cast %add3A_209 : vector<16xi32> to vector<1x16xi32>
      tpu.vector_store %arg10[%swap3A_212, %swap3A_213], %swap3A_216 {strides = array<i32>} : memref<160x128xi32, #tpu.memory_space<vmem>>, vector<1x16xi32>,
      %get3A_217 = arith.index_cast %scan3A_155 : i32 to index
      %get3A_218 = arith.constant 48 : index
      %get3A_219 = tpu.vector_load %arg8[%get3A_217, %get3A_218] {strides = array<i32>} : memref<16x128xi32, #tpu.memory_space<vmem>>, vector<1x16xi32>,
      %get3A_220 = vector.shape_cast %get3A_219 : vector<1x16xi32> to vector<16xi32>
      %mul3A_221 = arith.constant 10000 : i32
      %mul3A_222 = vector.broadcast %mul3A_221 : i32 to vector<16xi32>
      %mul3A_223 = arith.muli %get3A_220, %mul3A_222 : vector<16xi32>
      %get3A_224 = arith.index_cast %scan3A_155 : i32 to index
      %get3A_225 = arith.constant 48 : index
      %get3A_226 = tpu.vector_load %arg7[%get3A_224, %get3A_225] {strides = array<i32>} : memref<16x128xi32, #tpu.memory_space<vmem>>, vector<1x16xi32>,
      %get3A_227 = vector.shape_cast %get3A_226 : vector<1x16xi32> to vector<16xi32>
      %add3A_228 = arith.addi %mul3A_223, %get3A_227 : vector<16xi32>
      %add3A_229 = vector.broadcast %mul3A_27 : i32 to vector<16xi32>
      %add3A_230 = arith.addi %add3A_228, %add3A_229 : vector<16xi32>
      %add3A_231 = arith.constant 80 : i32
      %add3A_232 = arith.addi %add3A_231, %scan3A_155 : i32
      %swap3A_233 = arith.index_cast %add3A_232 : i32 to index
      %swap3A_234 = arith.constant 48 : index
      %swap3A_235 = tpu.vector_load %arg10[%swap3A_233, %swap3A_234] {strides = array<i32>} : memref<160x128xi32, #tpu.memory_space<vmem>>, vector<1x16xi32>,
      %swap3A_236 = vector.shape_cast %swap3A_235 : vector<1x16xi32> to vector<16xi32>
      %swap3A_237 = vector.shape_cast %add3A_230 : vector<16xi32> to vector<1x16xi32>
      tpu.vector_store %arg10[%swap3A_233, %swap3A_234], %swap3A_237 {strides = array<i32>} : memref<160x128xi32, #tpu.memory_space<vmem>>, vector<1x16xi32>,
      %get3A_238 = arith.index_cast %scan3A_155 : i32 to index
      %get3A_239 = arith.constant 64 : index
      %get3A_240 = tpu.vector_load %arg8[%get3A_238, %get3A_239] {strides = array<i32>} : memref<16x128xi32, #tpu.memory_space<vmem>>, vector<1x16xi32>,
      %get3A_241 = vector.shape_cast %get3A_240 : vector<1x16xi32> to vector<16xi32>
      %mul3A_242 = arith.constant 10000 : i32
      %mul3A_243 = vector.broadcast %mul3A_242 : i32 to vector<16xi32>
      %mul3A_244 = arith.muli %get3A_241, %mul3A_243 : vector<16xi32>
      %get3A_245 = arith.index_cast %scan3A_155 : i32 to index
      %get3A_246 = arith.constant 64 : index
      %get3A_247 = tpu.vector_load %arg7[%get3A_245, %get3A_246] {strides = array<i32>} : memref<16x128xi32, #tpu.memory_space<vmem>>, vector<1x16xi32>,
      %get3A_248 = vector.shape_cast %get3A_247 : vector<1x16xi32> to vector<16xi32>
      %add3A_249 = arith.addi %mul3A_244, %get3A_248 : vector<16xi32>
      %add3A_250 = vector.broadcast %mul3A_27 : i32 to vector<16xi32>
      %add3A_251 = arith.addi %add3A_249, %add3A_250 : vector<16xi32>
      %add3A_252 = arith.constant 80 : i32
      %add3A_253 = arith.addi %add3A_252, %scan3A_155 : i32
      %swap3A_254 = arith.index_cast %add3A_253 : i32 to index
      %swap3A_255 = arith.constant 64 : index
      %swap3A_256 = tpu.vector_load %arg10[%swap3A_254, %swap3A_255] {strides = array<i32>} : memref<160x128xi32, #tpu.memory_space<vmem>>, vector<1x16xi32>,
      %swap3A_257 = vector.shape_cast %swap3A_256 : vector<1x16xi32> to vector<16xi32>
      %swap3A_258 = vector.shape_cast %add3A_251 : vector<16xi32> to vector<1x16xi32>
      tpu.vector_store %arg10[%swap3A_254, %swap3A_255], %swap3A_258 {strides = array<i32>} : memref<160x128xi32, #tpu.memory_space<vmem>>, vector<1x16xi32>,
      %get3A_259 = arith.index_cast %scan3A_155 : i32 to index
      %get3A_260 = arith.constant 80 : index
      %get3A_261 = tpu.vector_load %arg8[%get3A_259, %get3A_260] {strides = array<i32>} : memref<16x128xi32, #tpu.memory_space<vmem>>, vector<1x16xi32>,
      %get3A_262 = vector.shape_cast %get3A_261 : vector<1x16xi32> to vector<16xi32>
      %mul3A_263 = arith.constant 10000 : i32
      %mul3A_264 = vector.broadcast %mul3A_263 : i32 to vector<16xi32>
      %mul3A_265 = arith.muli %get3A_262, %mul3A_264 : vector<16xi32>
      %get3A_266 = arith.index_cast %scan3A_155 : i32 to index
      %get3A_267 = arith.constant 80 : index
      %get3A_268 = tpu.vector_load %arg7[%get3A_266, %get3A_267] {strides = array<i32>} : memref<16x128xi32, #tpu.memory_space<vmem>>, vector<1x16xi32>,
      %get3A_269 = vector.shape_cast %get3A_268 : vector<1x16xi32> to vector<16xi32>
      %add3A_270 = arith.addi %mul3A_265, %get3A_269 : vector<16xi32>
      %add3A_271 = vector.broadcast %mul3A_27 : i32 to vector<16xi32>
      %add3A_272 = arith.addi %add3A_270, %add3A_271 : vector<16xi32>
      %add3A_273 = arith.constant 80 : i32
      %add3A_274 = arith.addi %add3A_273, %scan3A_155 : i32
      %swap3A_275 = arith.index_cast %add3A_274 : i32 to index
      %swap3A_276 = arith.constant 80 : index
      %swap3A_277 = tpu.vector_load %arg10[%swap3A_275, %swap3A_276] {strides = array<i32>} : memref<160x128xi32, #tpu.memory_space<vmem>>, vector<1x16xi32>,
      %swap3A_278 = vector.shape_cast %swap3A_277 : vector<1x16xi32> to vector<16xi32>
      %swap3A_279 = vector.shape_cast %add3A_272 : vector<16xi32> to vector<1x16xi32>
      tpu.vector_store %arg10[%swap3A_275, %swap3A_276], %swap3A_279 {strides = array<i32>} : memref<160x128xi32, #tpu.memory_space<vmem>>, vector<1x16xi32>,
      %get3A_280 = arith.index_cast %scan3A_155 : i32 to index
      %get3A_281 = arith.constant 96 : index
      %get3A_282 = tpu.vector_load %arg8[%get3A_280, %get3A_281] {strides = array<i32>} : memref<16x128xi32, #tpu.memory_space<vmem>>, vector<1x16xi32>,
      %get3A_283 = vector.shape_cast %get3A_282 : vector<1x16xi32> to vector<16xi32>
      %mul3A_284 = arith.constant 10000 : i32
      %mul3A_285 = vector.broadcast %mul3A_284 : i32 to vector<16xi32>
      %mul3A_286 = arith.muli %get3A_283, %mul3A_285 : vector<16xi32>
      %get3A_287 = arith.index_cast %scan3A_155 : i32 to index
      %get3A_288 = arith.constant 96 : index
      %get3A_289 = tpu.vector_load %arg7[%get3A_287, %get3A_288] {strides = array<i32>} : memref<16x128xi32, #tpu.memory_space<vmem>>, vector<1x16xi32>,
      %get3A_290 = vector.shape_cast %get3A_289 : vector<1x16xi32> to vector<16xi32>
      %add3A_291 = arith.addi %mul3A_286, %get3A_290 : vector<16xi32>
      %add3A_292 = vector.broadcast %mul3A_27 : i32 to vector<16xi32>
      %add3A_293 = arith.addi %add3A_291, %add3A_292 : vector<16xi32>
      %add3A_294 = arith.constant 80 : i32
      %add3A_295 = arith.addi %add3A_294, %scan3A_155 : i32
      %swap3A_296 = arith.index_cast %add3A_295 : i32 to index
      %swap3A_297 = arith.constant 96 : index
      %swap3A_298 = tpu.vector_load %arg10[%swap3A_296, %swap3A_297] {strides = array<i32>} : memref<160x128xi32, #tpu.memory_space<vmem>>, vector<1x16xi32>,
      %swap3A_299 = vector.shape_cast %swap3A_298 : vector<1x16xi32> to vector<16xi32>
      %swap3A_300 = vector.shape_cast %add3A_293 : vector<16xi32> to vector<1x16xi32>
      tpu.vector_store %arg10[%swap3A_296, %swap3A_297], %swap3A_300 {strides = array<i32>} : memref<160x128xi32, #tpu.memory_space<vmem>>, vector<1x16xi32>,
      %get3A_301 = arith.index_cast %scan3A_155 : i32 to index
      %get3A_302 = arith.constant 112 : index
      %get3A_303 = tpu.vector_load %arg8[%get3A_301, %get3A_302] {strides = array<i32>} : memref<16x128xi32, #tpu.memory_space<vmem>>, vector<1x16xi32>,
      %get3A_304 = vector.shape_cast %get3A_303 : vector<1x16xi32> to vector<16xi32>
      %mul3A_305 = arith.constant 10000 : i32
      %mul3A_306 = vector.broadcast %mul3A_305 : i32 to vector<16xi32>
      %mul3A_307 = arith.muli %get3A_304, %mul3A_306 : vector<16xi32>
      %get3A_308 = arith.index_cast %scan3A_155 : i32 to index
      %get3A_309 = arith.constant 112 : index
      %get3A_310 = tpu.vector_load %arg7[%get3A_308, %get3A_309] {strides = array<i32>} : memref<16x128xi32, #tpu.memory_space<vmem>>, vector<1x16xi32>,
      %get3A_311 = vector.shape_cast %get3A_310 : vector<1x16xi32> to vector<16xi32>
      %add3A_312 = arith.addi %mul3A_307, %get3A_311 : vector<16xi32>
      %add3A_313 = vector.broadcast %mul3A_27 : i32 to vector<16xi32>
      %add3A_314 = arith.addi %add3A_312, %add3A_313 : vector<16xi32>
      %add3A_315 = arith.constant 80 : i32
      %add3A_316 = arith.addi %add3A_315, %scan3A_155 : i32
      %swap3A_317 = arith.index_cast %add3A_316 : i32 to index
      %swap3A_318 = arith.constant 112 : index
      %swap3A_319 = tpu.vector_load %arg10[%swap3A_317, %swap3A_318] {strides = array<i32>} : memref<160x128xi32, #tpu.memory_space<vmem>>, vector<1x16xi32>,
      %swap3A_320 = vector.shape_cast %swap3A_319 : vector<1x16xi32> to vector<16xi32>
      %swap3A_321 = vector.shape_cast %add3A_314 : vector<16xi32> to vector<1x16xi32>
      tpu.vector_store %arg10[%swap3A_317, %swap3A_318], %swap3A_321 {strides = array<i32>} : memref<160x128xi32, #tpu.memory_space<vmem>>, vector<1x16xi32>,
    }
    %scan3A_87 = arith.constant 16 : i32
    %add3A_88 = arith.constant 96 : i32
    %add3A_89 = arith.addi %mul3A_0, %add3A_88 : i32
    "tpu.region"() ({
      %run_scoped3A = tpu.sem_alloc : memref<!tpu.dma_semaphore, #tpu.memory_space<semaphore_mem>>
      %dma_start3A = arith.constant 0 : i32
      %dma_start3A_155 = tpu.memref_slice %arg3[%add3A_89, %dma_start3A] : memref<2560x128xi32, #tpu.memory_space<hbm>> -> memref<16x128xi32, #tpu.memory_space<hbm>>
      %dma_start3A_156 = arith.constant 0 : i32
      %dma_start3A_157 = tpu.memref_slice %arg3[%add3A_89, %dma_start3A_156] : memref<2560x128xi32, #tpu.memory_space<hbm>> -> memref<16x128xi32, #tpu.memory_space<hbm>>
      tpu.enqueue_dma source(%dma_start3A_157 : memref<16x128xi32, #tpu.memory_space<hbm>>) target(%arg7 : memref<16x128xi32, #tpu.memory_space<vmem>>) target_semaphore(%run_scoped3A : memref<!tpu.dma_semaphore, #tpu.memory_space<semaphore_mem>>)
      %dma_wait3A = arith.constant 0 : i32
      %dma_wait3A_158 = tpu.memref_slice %arg3[%add3A_89, %dma_wait3A] : memref<2560x128xi32, #tpu.memory_space<hbm>> -> memref<16x128xi32, #tpu.memory_space<hbm>>
      %dma_wait3A_159 = arith.constant 0 : i32
      %dma_wait3A_160 = tpu.memref_slice %arg3[%add3A_89, %dma_wait3A_159] : memref<2560x128xi32, #tpu.memory_space<hbm>> -> memref<16x128xi32, #tpu.memory_space<hbm>>
      tpu.wait_dma2 semaphore(%run_scoped3A : memref<!tpu.dma_semaphore, #tpu.memory_space<semaphore_mem>>) src(%dma_wait3A_160 : memref<16x128xi32, #tpu.memory_space<hbm>>) dst(%arg7 : memref<16x128xi32, #tpu.memory_space<vmem>>)
      tpu.yield
    }) : () -> ()
    %add3A_90 = arith.constant 96 : i32
    %add3A_91 = arith.addi %mul3A_0, %add3A_90 : i32
    "tpu.region"() ({
      %run_scoped3A = tpu.sem_alloc : memref<!tpu.dma_semaphore, #tpu.memory_space<semaphore_mem>>
      %dma_start3A = arith.constant 0 : i32
      %dma_start3A_155 = tpu.memref_slice %arg4[%add3A_91, %dma_start3A] : memref<2560x128xi32, #tpu.memory_space<hbm>> -> memref<16x128xi32, #tpu.memory_space<hbm>>
      %dma_start3A_156 = arith.constant 0 : i32
      %dma_start3A_157 = tpu.memref_slice %arg4[%add3A_91, %dma_start3A_156] : memref<2560x128xi32, #tpu.memory_space<hbm>> -> memref<16x128xi32, #tpu.memory_space<hbm>>
      tpu.enqueue_dma source(%dma_start3A_157 : memref<16x128xi32, #tpu.memory_space<hbm>>) target(%arg8 : memref<16x128xi32, #tpu.memory_space<vmem>>) target_semaphore(%run_scoped3A : memref<!tpu.dma_semaphore, #tpu.memory_space<semaphore_mem>>)
      %dma_wait3A = arith.constant 0 : i32
      %dma_wait3A_158 = tpu.memref_slice %arg4[%add3A_91, %dma_wait3A] : memref<2560x128xi32, #tpu.memory_space<hbm>> -> memref<16x128xi32, #tpu.memory_space<hbm>>
      %dma_wait3A_159 = arith.constant 0 : i32
      %dma_wait3A_160 = tpu.memref_slice %arg4[%add3A_91, %dma_wait3A_159] : memref<2560x128xi32, #tpu.memory_space<hbm>> -> memref<16x128xi32, #tpu.memory_space<hbm>>
      tpu.wait_dma2 semaphore(%run_scoped3A : memref<!tpu.dma_semaphore, #tpu.memory_space<semaphore_mem>>) src(%dma_wait3A_160 : memref<16x128xi32, #tpu.memory_space<hbm>>) dst(%arg8 : memref<16x128xi32, #tpu.memory_space<vmem>>)
      tpu.yield
    }) : () -> ()
    %scan3A_92 = arith.constant 0 : i32
    %scan3A_93 = arith.constant 0 : i32
    %scan3A_94 = arith.constant 16 : i32
    %scan3A_95 = arith.addi %scan3A_93, %scan3A_94 : i32
    %scan3A_96 = arith.constant 1 : i32
    scf.for %scan3A_155 = %scan3A_93 to %scan3A_95 step %scan3A_96  : i32 {
      %get3A = arith.index_cast %scan3A_155 : i32 to index
      %get3A_156 = arith.constant 0 : index
      %get3A_157 = tpu.vector_load %arg8[%get3A, %get3A_156] {strides = array<i32>} : memref<16x128xi32, #tpu.memory_space<vmem>>, vector<1x16xi32>,
      %get3A_158 = vector.shape_cast %get3A_157 : vector<1x16xi32> to vector<16xi32>
      %mul3A_159 = arith.constant 10000 : i32
      %mul3A_160 = vector.broadcast %mul3A_159 : i32 to vector<16xi32>
      %mul3A_161 = arith.muli %get3A_158, %mul3A_160 : vector<16xi32>
      %get3A_162 = arith.index_cast %scan3A_155 : i32 to index
      %get3A_163 = arith.constant 0 : index
      %get3A_164 = tpu.vector_load %arg7[%get3A_162, %get3A_163] {strides = array<i32>} : memref<16x128xi32, #tpu.memory_space<vmem>>, vector<1x16xi32>,
      %get3A_165 = vector.shape_cast %get3A_164 : vector<1x16xi32> to vector<16xi32>
      %add3A_166 = arith.addi %mul3A_161, %get3A_165 : vector<16xi32>
      %add3A_167 = vector.broadcast %mul3A_27 : i32 to vector<16xi32>
      %add3A_168 = arith.addi %add3A_166, %add3A_167 : vector<16xi32>
      %add3A_169 = arith.constant 96 : i32
      %add3A_170 = arith.addi %add3A_169, %scan3A_155 : i32
      %swap3A = arith.index_cast %add3A_170 : i32 to index
      %swap3A_171 = arith.constant 0 : index
      %swap3A_172 = tpu.vector_load %arg10[%swap3A, %swap3A_171] {strides = array<i32>} : memref<160x128xi32, #tpu.memory_space<vmem>>, vector<1x16xi32>,
      %swap3A_173 = vector.shape_cast %swap3A_172 : vector<1x16xi32> to vector<16xi32>
      %swap3A_174 = vector.shape_cast %add3A_168 : vector<16xi32> to vector<1x16xi32>
      tpu.vector_store %arg10[%swap3A, %swap3A_171], %swap3A_174 {strides = array<i32>} : memref<160x128xi32, #tpu.memory_space<vmem>>, vector<1x16xi32>,
      %get3A_175 = arith.index_cast %scan3A_155 : i32 to index
      %get3A_176 = arith.constant 16 : index
      %get3A_177 = tpu.vector_load %arg8[%get3A_175, %get3A_176] {strides = array<i32>} : memref<16x128xi32, #tpu.memory_space<vmem>>, vector<1x16xi32>,
      %get3A_178 = vector.shape_cast %get3A_177 : vector<1x16xi32> to vector<16xi32>
      %mul3A_179 = arith.constant 10000 : i32
      %mul3A_180 = vector.broadcast %mul3A_179 : i32 to vector<16xi32>
      %mul3A_181 = arith.muli %get3A_178, %mul3A_180 : vector<16xi32>
      %get3A_182 = arith.index_cast %scan3A_155 : i32 to index
      %get3A_183 = arith.constant 16 : index
      %get3A_184 = tpu.vector_load %arg7[%get3A_182, %get3A_183] {strides = array<i32>} : memref<16x128xi32, #tpu.memory_space<vmem>>, vector<1x16xi32>,
      %get3A_185 = vector.shape_cast %get3A_184 : vector<1x16xi32> to vector<16xi32>
      %add3A_186 = arith.addi %mul3A_181, %get3A_185 : vector<16xi32>
      %add3A_187 = vector.broadcast %mul3A_27 : i32 to vector<16xi32>
      %add3A_188 = arith.addi %add3A_186, %add3A_187 : vector<16xi32>
      %add3A_189 = arith.constant 96 : i32
      %add3A_190 = arith.addi %add3A_189, %scan3A_155 : i32
      %swap3A_191 = arith.index_cast %add3A_190 : i32 to index
      %swap3A_192 = arith.constant 16 : index
      %swap3A_193 = tpu.vector_load %arg10[%swap3A_191, %swap3A_192] {strides = array<i32>} : memref<160x128xi32, #tpu.memory_space<vmem>>, vector<1x16xi32>,
      %swap3A_194 = vector.shape_cast %swap3A_193 : vector<1x16xi32> to vector<16xi32>
      %swap3A_195 = vector.shape_cast %add3A_188 : vector<16xi32> to vector<1x16xi32>
      tpu.vector_store %arg10[%swap3A_191, %swap3A_192], %swap3A_195 {strides = array<i32>} : memref<160x128xi32, #tpu.memory_space<vmem>>, vector<1x16xi32>,
      %get3A_196 = arith.index_cast %scan3A_155 : i32 to index
      %get3A_197 = arith.constant 32 : index
      %get3A_198 = tpu.vector_load %arg8[%get3A_196, %get3A_197] {strides = array<i32>} : memref<16x128xi32, #tpu.memory_space<vmem>>, vector<1x16xi32>,
      %get3A_199 = vector.shape_cast %get3A_198 : vector<1x16xi32> to vector<16xi32>
      %mul3A_200 = arith.constant 10000 : i32
      %mul3A_201 = vector.broadcast %mul3A_200 : i32 to vector<16xi32>
      %mul3A_202 = arith.muli %get3A_199, %mul3A_201 : vector<16xi32>
      %get3A_203 = arith.index_cast %scan3A_155 : i32 to index
      %get3A_204 = arith.constant 32 : index
      %get3A_205 = tpu.vector_load %arg7[%get3A_203, %get3A_204] {strides = array<i32>} : memref<16x128xi32, #tpu.memory_space<vmem>>, vector<1x16xi32>,
      %get3A_206 = vector.shape_cast %get3A_205 : vector<1x16xi32> to vector<16xi32>
      %add3A_207 = arith.addi %mul3A_202, %get3A_206 : vector<16xi32>
      %add3A_208 = vector.broadcast %mul3A_27 : i32 to vector<16xi32>
      %add3A_209 = arith.addi %add3A_207, %add3A_208 : vector<16xi32>
      %add3A_210 = arith.constant 96 : i32
      %add3A_211 = arith.addi %add3A_210, %scan3A_155 : i32
      %swap3A_212 = arith.index_cast %add3A_211 : i32 to index
      %swap3A_213 = arith.constant 32 : index
      %swap3A_214 = tpu.vector_load %arg10[%swap3A_212, %swap3A_213] {strides = array<i32>} : memref<160x128xi32, #tpu.memory_space<vmem>>, vector<1x16xi32>,
      %swap3A_215 = vector.shape_cast %swap3A_214 : vector<1x16xi32> to vector<16xi32>
      %swap3A_216 = vector.shape_cast %add3A_209 : vector<16xi32> to vector<1x16xi32>
      tpu.vector_store %arg10[%swap3A_212, %swap3A_213], %swap3A_216 {strides = array<i32>} : memref<160x128xi32, #tpu.memory_space<vmem>>, vector<1x16xi32>,
      %get3A_217 = arith.index_cast %scan3A_155 : i32 to index
      %get3A_218 = arith.constant 48 : index
      %get3A_219 = tpu.vector_load %arg8[%get3A_217, %get3A_218] {strides = array<i32>} : memref<16x128xi32, #tpu.memory_space<vmem>>, vector<1x16xi32>,
      %get3A_220 = vector.shape_cast %get3A_219 : vector<1x16xi32> to vector<16xi32>
      %mul3A_221 = arith.constant 10000 : i32
      %mul3A_222 = vector.broadcast %mul3A_221 : i32 to vector<16xi32>
      %mul3A_223 = arith.muli %get3A_220, %mul3A_222 : vector<16xi32>
      %get3A_224 = arith.index_cast %scan3A_155 : i32 to index
      %get3A_225 = arith.constant 48 : index
      %get3A_226 = tpu.vector_load %arg7[%get3A_224, %get3A_225] {strides = array<i32>} : memref<16x128xi32, #tpu.memory_space<vmem>>, vector<1x16xi32>,
      %get3A_227 = vector.shape_cast %get3A_226 : vector<1x16xi32> to vector<16xi32>
      %add3A_228 = arith.addi %mul3A_223, %get3A_227 : vector<16xi32>
      %add3A_229 = vector.broadcast %mul3A_27 : i32 to vector<16xi32>
      %add3A_230 = arith.addi %add3A_228, %add3A_229 : vector<16xi32>
      %add3A_231 = arith.constant 96 : i32
      %add3A_232 = arith.addi %add3A_231, %scan3A_155 : i32
      %swap3A_233 = arith.index_cast %add3A_232 : i32 to index
      %swap3A_234 = arith.constant 48 : index
      %swap3A_235 = tpu.vector_load %arg10[%swap3A_233, %swap3A_234] {strides = array<i32>} : memref<160x128xi32, #tpu.memory_space<vmem>>, vector<1x16xi32>,
      %swap3A_236 = vector.shape_cast %swap3A_235 : vector<1x16xi32> to vector<16xi32>
      %swap3A_237 = vector.shape_cast %add3A_230 : vector<16xi32> to vector<1x16xi32>
      tpu.vector_store %arg10[%swap3A_233, %swap3A_234], %swap3A_237 {strides = array<i32>} : memref<160x128xi32, #tpu.memory_space<vmem>>, vector<1x16xi32>,
      %get3A_238 = arith.index_cast %scan3A_155 : i32 to index
      %get3A_239 = arith.constant 64 : index
      %get3A_240 = tpu.vector_load %arg8[%get3A_238, %get3A_239] {strides = array<i32>} : memref<16x128xi32, #tpu.memory_space<vmem>>, vector<1x16xi32>,
      %get3A_241 = vector.shape_cast %get3A_240 : vector<1x16xi32> to vector<16xi32>
      %mul3A_242 = arith.constant 10000 : i32
      %mul3A_243 = vector.broadcast %mul3A_242 : i32 to vector<16xi32>
      %mul3A_244 = arith.muli %get3A_241, %mul3A_243 : vector<16xi32>
      %get3A_245 = arith.index_cast %scan3A_155 : i32 to index
      %get3A_246 = arith.constant 64 : index
      %get3A_247 = tpu.vector_load %arg7[%get3A_245, %get3A_246] {strides = array<i32>} : memref<16x128xi32, #tpu.memory_space<vmem>>, vector<1x16xi32>,
      %get3A_248 = vector.shape_cast %get3A_247 : vector<1x16xi32> to vector<16xi32>
      %add3A_249 = arith.addi %mul3A_244, %get3A_248 : vector<16xi32>
      %add3A_250 = vector.broadcast %mul3A_27 : i32 to vector<16xi32>
      %add3A_251 = arith.addi %add3A_249, %add3A_250 : vector<16xi32>
      %add3A_252 = arith.constant 96 : i32
      %add3A_253 = arith.addi %add3A_252, %scan3A_155 : i32
      %swap3A_254 = arith.index_cast %add3A_253 : i32 to index
      %swap3A_255 = arith.constant 64 : index
      %swap3A_256 = tpu.vector_load %arg10[%swap3A_254, %swap3A_255] {strides = array<i32>} : memref<160x128xi32, #tpu.memory_space<vmem>>, vector<1x16xi32>,
      %swap3A_257 = vector.shape_cast %swap3A_256 : vector<1x16xi32> to vector<16xi32>
      %swap3A_258 = vector.shape_cast %add3A_251 : vector<16xi32> to vector<1x16xi32>
      tpu.vector_store %arg10[%swap3A_254, %swap3A_255], %swap3A_258 {strides = array<i32>} : memref<160x128xi32, #tpu.memory_space<vmem>>, vector<1x16xi32>,
      %get3A_259 = arith.index_cast %scan3A_155 : i32 to index
      %get3A_260 = arith.constant 80 : index
      %get3A_261 = tpu.vector_load %arg8[%get3A_259, %get3A_260] {strides = array<i32>} : memref<16x128xi32, #tpu.memory_space<vmem>>, vector<1x16xi32>,
      %get3A_262 = vector.shape_cast %get3A_261 : vector<1x16xi32> to vector<16xi32>
      %mul3A_263 = arith.constant 10000 : i32
      %mul3A_264 = vector.broadcast %mul3A_263 : i32 to vector<16xi32>
      %mul3A_265 = arith.muli %get3A_262, %mul3A_264 : vector<16xi32>
      %get3A_266 = arith.index_cast %scan3A_155 : i32 to index
      %get3A_267 = arith.constant 80 : index
      %get3A_268 = tpu.vector_load %arg7[%get3A_266, %get3A_267] {strides = array<i32>} : memref<16x128xi32, #tpu.memory_space<vmem>>, vector<1x16xi32>,
      %get3A_269 = vector.shape_cast %get3A_268 : vector<1x16xi32> to vector<16xi32>
      %add3A_270 = arith.addi %mul3A_265, %get3A_269 : vector<16xi32>
      %add3A_271 = vector.broadcast %mul3A_27 : i32 to vector<16xi32>
      %add3A_272 = arith.addi %add3A_270, %add3A_271 : vector<16xi32>
      %add3A_273 = arith.constant 96 : i32
      %add3A_274 = arith.addi %add3A_273, %scan3A_155 : i32
      %swap3A_275 = arith.index_cast %add3A_274 : i32 to index
      %swap3A_276 = arith.constant 80 : index
      %swap3A_277 = tpu.vector_load %arg10[%swap3A_275, %swap3A_276] {strides = array<i32>} : memref<160x128xi32, #tpu.memory_space<vmem>>, vector<1x16xi32>,
      %swap3A_278 = vector.shape_cast %swap3A_277 : vector<1x16xi32> to vector<16xi32>
      %swap3A_279 = vector.shape_cast %add3A_272 : vector<16xi32> to vector<1x16xi32>
      tpu.vector_store %arg10[%swap3A_275, %swap3A_276], %swap3A_279 {strides = array<i32>} : memref<160x128xi32, #tpu.memory_space<vmem>>, vector<1x16xi32>,
      %get3A_280 = arith.index_cast %scan3A_155 : i32 to index
      %get3A_281 = arith.constant 96 : index
      %get3A_282 = tpu.vector_load %arg8[%get3A_280, %get3A_281] {strides = array<i32>} : memref<16x128xi32, #tpu.memory_space<vmem>>, vector<1x16xi32>,
      %get3A_283 = vector.shape_cast %get3A_282 : vector<1x16xi32> to vector<16xi32>
      %mul3A_284 = arith.constant 10000 : i32
      %mul3A_285 = vector.broadcast %mul3A_284 : i32 to vector<16xi32>
      %mul3A_286 = arith.muli %get3A_283, %mul3A_285 : vector<16xi32>
      %get3A_287 = arith.index_cast %scan3A_155 : i32 to index
      %get3A_288 = arith.constant 96 : index
      %get3A_289 = tpu.vector_load %arg7[%get3A_287, %get3A_288] {strides = array<i32>} : memref<16x128xi32, #tpu.memory_space<vmem>>, vector<1x16xi32>,
      %get3A_290 = vector.shape_cast %get3A_289 : vector<1x16xi32> to vector<16xi32>
      %add3A_291 = arith.addi %mul3A_286, %get3A_290 : vector<16xi32>
      %add3A_292 = vector.broadcast %mul3A_27 : i32 to vector<16xi32>
      %add3A_293 = arith.addi %add3A_291, %add3A_292 : vector<16xi32>
      %add3A_294 = arith.constant 96 : i32
      %add3A_295 = arith.addi %add3A_294, %scan3A_155 : i32
      %swap3A_296 = arith.index_cast %add3A_295 : i32 to index
      %swap3A_297 = arith.constant 96 : index
      %swap3A_298 = tpu.vector_load %arg10[%swap3A_296, %swap3A_297] {strides = array<i32>} : memref<160x128xi32, #tpu.memory_space<vmem>>, vector<1x16xi32>,
      %swap3A_299 = vector.shape_cast %swap3A_298 : vector<1x16xi32> to vector<16xi32>
      %swap3A_300 = vector.shape_cast %add3A_293 : vector<16xi32> to vector<1x16xi32>
      tpu.vector_store %arg10[%swap3A_296, %swap3A_297], %swap3A_300 {strides = array<i32>} : memref<160x128xi32, #tpu.memory_space<vmem>>, vector<1x16xi32>,
      %get3A_301 = arith.index_cast %scan3A_155 : i32 to index
      %get3A_302 = arith.constant 112 : index
      %get3A_303 = tpu.vector_load %arg8[%get3A_301, %get3A_302] {strides = array<i32>} : memref<16x128xi32, #tpu.memory_space<vmem>>, vector<1x16xi32>,
      %get3A_304 = vector.shape_cast %get3A_303 : vector<1x16xi32> to vector<16xi32>
      %mul3A_305 = arith.constant 10000 : i32
      %mul3A_306 = vector.broadcast %mul3A_305 : i32 to vector<16xi32>
      %mul3A_307 = arith.muli %get3A_304, %mul3A_306 : vector<16xi32>
      %get3A_308 = arith.index_cast %scan3A_155 : i32 to index
      %get3A_309 = arith.constant 112 : index
      %get3A_310 = tpu.vector_load %arg7[%get3A_308, %get3A_309] {strides = array<i32>} : memref<16x128xi32, #tpu.memory_space<vmem>>, vector<1x16xi32>,
      %get3A_311 = vector.shape_cast %get3A_310 : vector<1x16xi32> to vector<16xi32>
      %add3A_312 = arith.addi %mul3A_307, %get3A_311 : vector<16xi32>
      %add3A_313 = vector.broadcast %mul3A_27 : i32 to vector<16xi32>
      %add3A_314 = arith.addi %add3A_312, %add3A_313 : vector<16xi32>
      %add3A_315 = arith.constant 96 : i32
      %add3A_316 = arith.addi %add3A_315, %scan3A_155 : i32
      %swap3A_317 = arith.index_cast %add3A_316 : i32 to index
      %swap3A_318 = arith.constant 112 : index
      %swap3A_319 = tpu.vector_load %arg10[%swap3A_317, %swap3A_318] {strides = array<i32>} : memref<160x128xi32, #tpu.memory_space<vmem>>, vector<1x16xi32>,
      %swap3A_320 = vector.shape_cast %swap3A_319 : vector<1x16xi32> to vector<16xi32>
      %swap3A_321 = vector.shape_cast %add3A_314 : vector<16xi32> to vector<1x16xi32>
      tpu.vector_store %arg10[%swap3A_317, %swap3A_318], %swap3A_321 {strides = array<i32>} : memref<160x128xi32, #tpu.memory_space<vmem>>, vector<1x16xi32>,
    }
    %scan3A_97 = arith.constant 16 : i32
    %add3A_98 = arith.constant 112 : i32
    %add3A_99 = arith.addi %mul3A_0, %add3A_98 : i32
    "tpu.region"() ({
      %run_scoped3A = tpu.sem_alloc : memref<!tpu.dma_semaphore, #tpu.memory_space<semaphore_mem>>
      %dma_start3A = arith.constant 0 : i32
      %dma_start3A_155 = tpu.memref_slice %arg3[%add3A_99, %dma_start3A] : memref<2560x128xi32, #tpu.memory_space<hbm>> -> memref<16x128xi32, #tpu.memory_space<hbm>>
      %dma_start3A_156 = arith.constant 0 : i32
      %dma_start3A_157 = tpu.memref_slice %arg3[%add3A_99, %dma_start3A_156] : memref<2560x128xi32, #tpu.memory_space<hbm>> -> memref<16x128xi32, #tpu.memory_space<hbm>>
      tpu.enqueue_dma source(%dma_start3A_157 : memref<16x128xi32, #tpu.memory_space<hbm>>) target(%arg7 : memref<16x128xi32, #tpu.memory_space<vmem>>) target_semaphore(%run_scoped3A : memref<!tpu.dma_semaphore, #tpu.memory_space<semaphore_mem>>)
      %dma_wait3A = arith.constant 0 : i32
      %dma_wait3A_158 = tpu.memref_slice %arg3[%add3A_99, %dma_wait3A] : memref<2560x128xi32, #tpu.memory_space<hbm>> -> memref<16x128xi32, #tpu.memory_space<hbm>>
      %dma_wait3A_159 = arith.constant 0 : i32
      %dma_wait3A_160 = tpu.memref_slice %arg3[%add3A_99, %dma_wait3A_159] : memref<2560x128xi32, #tpu.memory_space<hbm>> -> memref<16x128xi32, #tpu.memory_space<hbm>>
      tpu.wait_dma2 semaphore(%run_scoped3A : memref<!tpu.dma_semaphore, #tpu.memory_space<semaphore_mem>>) src(%dma_wait3A_160 : memref<16x128xi32, #tpu.memory_space<hbm>>) dst(%arg7 : memref<16x128xi32, #tpu.memory_space<vmem>>)
      tpu.yield
    }) : () -> ()
    %add3A_100 = arith.constant 112 : i32
    %add3A_101 = arith.addi %mul3A_0, %add3A_100 : i32
    "tpu.region"() ({
      %run_scoped3A = tpu.sem_alloc : memref<!tpu.dma_semaphore, #tpu.memory_space<semaphore_mem>>
      %dma_start3A = arith.constant 0 : i32
      %dma_start3A_155 = tpu.memref_slice %arg4[%add3A_101, %dma_start3A] : memref<2560x128xi32, #tpu.memory_space<hbm>> -> memref<16x128xi32, #tpu.memory_space<hbm>>
      %dma_start3A_156 = arith.constant 0 : i32
      %dma_start3A_157 = tpu.memref_slice %arg4[%add3A_101, %dma_start3A_156] : memref<2560x128xi32, #tpu.memory_space<hbm>> -> memref<16x128xi32, #tpu.memory_space<hbm>>
      tpu.enqueue_dma source(%dma_start3A_157 : memref<16x128xi32, #tpu.memory_space<hbm>>) target(%arg8 : memref<16x128xi32, #tpu.memory_space<vmem>>) target_semaphore(%run_scoped3A : memref<!tpu.dma_semaphore, #tpu.memory_space<semaphore_mem>>)
      %dma_wait3A = arith.constant 0 : i32
      %dma_wait3A_158 = tpu.memref_slice %arg4[%add3A_101, %dma_wait3A] : memref<2560x128xi32, #tpu.memory_space<hbm>> -> memref<16x128xi32, #tpu.memory_space<hbm>>
      %dma_wait3A_159 = arith.constant 0 : i32
      %dma_wait3A_160 = tpu.memref_slice %arg4[%add3A_101, %dma_wait3A_159] : memref<2560x128xi32, #tpu.memory_space<hbm>> -> memref<16x128xi32, #tpu.memory_space<hbm>>
      tpu.wait_dma2 semaphore(%run_scoped3A : memref<!tpu.dma_semaphore, #tpu.memory_space<semaphore_mem>>) src(%dma_wait3A_160 : memref<16x128xi32, #tpu.memory_space<hbm>>) dst(%arg8 : memref<16x128xi32, #tpu.memory_space<vmem>>)
      tpu.yield
    }) : () -> ()
    %scan3A_102 = arith.constant 0 : i32
    %scan3A_103 = arith.constant 0 : i32
    %scan3A_104 = arith.constant 16 : i32
    %scan3A_105 = arith.addi %scan3A_103, %scan3A_104 : i32
    %scan3A_106 = arith.constant 1 : i32
    scf.for %scan3A_155 = %scan3A_103 to %scan3A_105 step %scan3A_106  : i32 {
      %get3A = arith.index_cast %scan3A_155 : i32 to index
      %get3A_156 = arith.constant 0 : index
      %get3A_157 = tpu.vector_load %arg8[%get3A, %get3A_156] {strides = array<i32>} : memref<16x128xi32, #tpu.memory_space<vmem>>, vector<1x16xi32>,
      %get3A_158 = vector.shape_cast %get3A_157 : vector<1x16xi32> to vector<16xi32>
      %mul3A_159 = arith.constant 10000 : i32
      %mul3A_160 = vector.broadcast %mul3A_159 : i32 to vector<16xi32>
      %mul3A_161 = arith.muli %get3A_158, %mul3A_160 : vector<16xi32>
      %get3A_162 = arith.index_cast %scan3A_155 : i32 to index
      %get3A_163 = arith.constant 0 : index
      %get3A_164 = tpu.vector_load %arg7[%get3A_162, %get3A_163] {strides = array<i32>} : memref<16x128xi32, #tpu.memory_space<vmem>>, vector<1x16xi32>,
      %get3A_165 = vector.shape_cast %get3A_164 : vector<1x16xi32> to vector<16xi32>
      %add3A_166 = arith.addi %mul3A_161, %get3A_165 : vector<16xi32>
      %add3A_167 = vector.broadcast %mul3A_27 : i32 to vector<16xi32>
      %add3A_168 = arith.addi %add3A_166, %add3A_167 : vector<16xi32>
      %add3A_169 = arith.constant 112 : i32
      %add3A_170 = arith.addi %add3A_169, %scan3A_155 : i32
      %swap3A = arith.index_cast %add3A_170 : i32 to index
      %swap3A_171 = arith.constant 0 : index
      %swap3A_172 = tpu.vector_load %arg10[%swap3A, %swap3A_171] {strides = array<i32>} : memref<160x128xi32, #tpu.memory_space<vmem>>, vector<1x16xi32>,
      %swap3A_173 = vector.shape_cast %swap3A_172 : vector<1x16xi32> to vector<16xi32>
      %swap3A_174 = vector.shape_cast %add3A_168 : vector<16xi32> to vector<1x16xi32>
      tpu.vector_store %arg10[%swap3A, %swap3A_171], %swap3A_174 {strides = array<i32>} : memref<160x128xi32, #tpu.memory_space<vmem>>, vector<1x16xi32>,
      %get3A_175 = arith.index_cast %scan3A_155 : i32 to index
      %get3A_176 = arith.constant 16 : index
      %get3A_177 = tpu.vector_load %arg8[%get3A_175, %get3A_176] {strides = array<i32>} : memref<16x128xi32, #tpu.memory_space<vmem>>, vector<1x16xi32>,
      %get3A_178 = vector.shape_cast %get3A_177 : vector<1x16xi32> to vector<16xi32>
      %mul3A_179 = arith.constant 10000 : i32
      %mul3A_180 = vector.broadcast %mul3A_179 : i32 to vector<16xi32>
      %mul3A_181 = arith.muli %get3A_178, %mul3A_180 : vector<16xi32>
      %get3A_182 = arith.index_cast %scan3A_155 : i32 to index
      %get3A_183 = arith.constant 16 : index
      %get3A_184 = tpu.vector_load %arg7[%get3A_182, %get3A_183] {strides = array<i32>} : memref<16x128xi32, #tpu.memory_space<vmem>>, vector<1x16xi32>,
      %get3A_185 = vector.shape_cast %get3A_184 : vector<1x16xi32> to vector<16xi32>
      %add3A_186 = arith.addi %mul3A_181, %get3A_185 : vector<16xi32>
      %add3A_187 = vector.broadcast %mul3A_27 : i32 to vector<16xi32>
      %add3A_188 = arith.addi %add3A_186, %add3A_187 : vector<16xi32>
      %add3A_189 = arith.constant 112 : i32
      %add3A_190 = arith.addi %add3A_189, %scan3A_155 : i32
      %swap3A_191 = arith.index_cast %add3A_190 : i32 to index
      %swap3A_192 = arith.constant 16 : index
      %swap3A_193 = tpu.vector_load %arg10[%swap3A_191, %swap3A_192] {strides = array<i32>} : memref<160x128xi32, #tpu.memory_space<vmem>>, vector<1x16xi32>,
      %swap3A_194 = vector.shape_cast %swap3A_193 : vector<1x16xi32> to vector<16xi32>
      %swap3A_195 = vector.shape_cast %add3A_188 : vector<16xi32> to vector<1x16xi32>
      tpu.vector_store %arg10[%swap3A_191, %swap3A_192], %swap3A_195 {strides = array<i32>} : memref<160x128xi32, #tpu.memory_space<vmem>>, vector<1x16xi32>,
      %get3A_196 = arith.index_cast %scan3A_155 : i32 to index
      %get3A_197 = arith.constant 32 : index
      %get3A_198 = tpu.vector_load %arg8[%get3A_196, %get3A_197] {strides = array<i32>} : memref<16x128xi32, #tpu.memory_space<vmem>>, vector<1x16xi32>,
      %get3A_199 = vector.shape_cast %get3A_198 : vector<1x16xi32> to vector<16xi32>
      %mul3A_200 = arith.constant 10000 : i32
      %mul3A_201 = vector.broadcast %mul3A_200 : i32 to vector<16xi32>
      %mul3A_202 = arith.muli %get3A_199, %mul3A_201 : vector<16xi32>
      %get3A_203 = arith.index_cast %scan3A_155 : i32 to index
      %get3A_204 = arith.constant 32 : index
      %get3A_205 = tpu.vector_load %arg7[%get3A_203, %get3A_204] {strides = array<i32>} : memref<16x128xi32, #tpu.memory_space<vmem>>, vector<1x16xi32>,
      %get3A_206 = vector.shape_cast %get3A_205 : vector<1x16xi32> to vector<16xi32>
      %add3A_207 = arith.addi %mul3A_202, %get3A_206 : vector<16xi32>
      %add3A_208 = vector.broadcast %mul3A_27 : i32 to vector<16xi32>
      %add3A_209 = arith.addi %add3A_207, %add3A_208 : vector<16xi32>
      %add3A_210 = arith.constant 112 : i32
      %add3A_211 = arith.addi %add3A_210, %scan3A_155 : i32
      %swap3A_212 = arith.index_cast %add3A_211 : i32 to index
      %swap3A_213 = arith.constant 32 : index
      %swap3A_214 = tpu.vector_load %arg10[%swap3A_212, %swap3A_213] {strides = array<i32>} : memref<160x128xi32, #tpu.memory_space<vmem>>, vector<1x16xi32>,
      %swap3A_215 = vector.shape_cast %swap3A_214 : vector<1x16xi32> to vector<16xi32>
      %swap3A_216 = vector.shape_cast %add3A_209 : vector<16xi32> to vector<1x16xi32>
      tpu.vector_store %arg10[%swap3A_212, %swap3A_213], %swap3A_216 {strides = array<i32>} : memref<160x128xi32, #tpu.memory_space<vmem>>, vector<1x16xi32>,
      %get3A_217 = arith.index_cast %scan3A_155 : i32 to index
      %get3A_218 = arith.constant 48 : index
      %get3A_219 = tpu.vector_load %arg8[%get3A_217, %get3A_218] {strides = array<i32>} : memref<16x128xi32, #tpu.memory_space<vmem>>, vector<1x16xi32>,
      %get3A_220 = vector.shape_cast %get3A_219 : vector<1x16xi32> to vector<16xi32>
      %mul3A_221 = arith.constant 10000 : i32
      %mul3A_222 = vector.broadcast %mul3A_221 : i32 to vector<16xi32>
      %mul3A_223 = arith.muli %get3A_220, %mul3A_222 : vector<16xi32>
      %get3A_224 = arith.index_cast %scan3A_155 : i32 to index
      %get3A_225 = arith.constant 48 : index
      %get3A_226 = tpu.vector_load %arg7[%get3A_224, %get3A_225] {strides = array<i32>} : memref<16x128xi32, #tpu.memory_space<vmem>>, vector<1x16xi32>,
      %get3A_227 = vector.shape_cast %get3A_226 : vector<1x16xi32> to vector<16xi32>
      %add3A_228 = arith.addi %mul3A_223, %get3A_227 : vector<16xi32>
      %add3A_229 = vector.broadcast %mul3A_27 : i32 to vector<16xi32>
      %add3A_230 = arith.addi %add3A_228, %add3A_229 : vector<16xi32>
      %add3A_231 = arith.constant 112 : i32
      %add3A_232 = arith.addi %add3A_231, %scan3A_155 : i32
      %swap3A_233 = arith.index_cast %add3A_232 : i32 to index
      %swap3A_234 = arith.constant 48 : index
      %swap3A_235 = tpu.vector_load %arg10[%swap3A_233, %swap3A_234] {strides = array<i32>} : memref<160x128xi32, #tpu.memory_space<vmem>>, vector<1x16xi32>,
      %swap3A_236 = vector.shape_cast %swap3A_235 : vector<1x16xi32> to vector<16xi32>
      %swap3A_237 = vector.shape_cast %add3A_230 : vector<16xi32> to vector<1x16xi32>
      tpu.vector_store %arg10[%swap3A_233, %swap3A_234], %swap3A_237 {strides = array<i32>} : memref<160x128xi32, #tpu.memory_space<vmem>>, vector<1x16xi32>,
      %get3A_238 = arith.index_cast %scan3A_155 : i32 to index
      %get3A_239 = arith.constant 64 : index
      %get3A_240 = tpu.vector_load %arg8[%get3A_238, %get3A_239] {strides = array<i32>} : memref<16x128xi32, #tpu.memory_space<vmem>>, vector<1x16xi32>,
      %get3A_241 = vector.shape_cast %get3A_240 : vector<1x16xi32> to vector<16xi32>
      %mul3A_242 = arith.constant 10000 : i32
      %mul3A_243 = vector.broadcast %mul3A_242 : i32 to vector<16xi32>
      %mul3A_244 = arith.muli %get3A_241, %mul3A_243 : vector<16xi32>
      %get3A_245 = arith.index_cast %scan3A_155 : i32 to index
      %get3A_246 = arith.constant 64 : index
      %get3A_247 = tpu.vector_load %arg7[%get3A_245, %get3A_246] {strides = array<i32>} : memref<16x128xi32, #tpu.memory_space<vmem>>, vector<1x16xi32>,
      %get3A_248 = vector.shape_cast %get3A_247 : vector<1x16xi32> to vector<16xi32>
      %add3A_249 = arith.addi %mul3A_244, %get3A_248 : vector<16xi32>
      %add3A_250 = vector.broadcast %mul3A_27 : i32 to vector<16xi32>
      %add3A_251 = arith.addi %add3A_249, %add3A_250 : vector<16xi32>
      %add3A_252 = arith.constant 112 : i32
      %add3A_253 = arith.addi %add3A_252, %scan3A_155 : i32
      %swap3A_254 = arith.index_cast %add3A_253 : i32 to index
      %swap3A_255 = arith.constant 64 : index
      %swap3A_256 = tpu.vector_load %arg10[%swap3A_254, %swap3A_255] {strides = array<i32>} : memref<160x128xi32, #tpu.memory_space<vmem>>, vector<1x16xi32>,
      %swap3A_257 = vector.shape_cast %swap3A_256 : vector<1x16xi32> to vector<16xi32>
      %swap3A_258 = vector.shape_cast %add3A_251 : vector<16xi32> to vector<1x16xi32>
      tpu.vector_store %arg10[%swap3A_254, %swap3A_255], %swap3A_258 {strides = array<i32>} : memref<160x128xi32, #tpu.memory_space<vmem>>, vector<1x16xi32>,
      %get3A_259 = arith.index_cast %scan3A_155 : i32 to index
      %get3A_260 = arith.constant 80 : index
      %get3A_261 = tpu.vector_load %arg8[%get3A_259, %get3A_260] {strides = array<i32>} : memref<16x128xi32, #tpu.memory_space<vmem>>, vector<1x16xi32>,
      %get3A_262 = vector.shape_cast %get3A_261 : vector<1x16xi32> to vector<16xi32>
      %mul3A_263 = arith.constant 10000 : i32
      %mul3A_264 = vector.broadcast %mul3A_263 : i32 to vector<16xi32>
      %mul3A_265 = arith.muli %get3A_262, %mul3A_264 : vector<16xi32>
      %get3A_266 = arith.index_cast %scan3A_155 : i32 to index
      %get3A_267 = arith.constant 80 : index
      %get3A_268 = tpu.vector_load %arg7[%get3A_266, %get3A_267] {strides = array<i32>} : memref<16x128xi32, #tpu.memory_space<vmem>>, vector<1x16xi32>,
      %get3A_269 = vector.shape_cast %get3A_268 : vector<1x16xi32> to vector<16xi32>
      %add3A_270 = arith.addi %mul3A_265, %get3A_269 : vector<16xi32>
      %add3A_271 = vector.broadcast %mul3A_27 : i32 to vector<16xi32>
      %add3A_272 = arith.addi %add3A_270, %add3A_271 : vector<16xi32>
      %add3A_273 = arith.constant 112 : i32
      %add3A_274 = arith.addi %add3A_273, %scan3A_155 : i32
      %swap3A_275 = arith.index_cast %add3A_274 : i32 to index
      %swap3A_276 = arith.constant 80 : index
      %swap3A_277 = tpu.vector_load %arg10[%swap3A_275, %swap3A_276] {strides = array<i32>} : memref<160x128xi32, #tpu.memory_space<vmem>>, vector<1x16xi32>,
      %swap3A_278 = vector.shape_cast %swap3A_277 : vector<1x16xi32> to vector<16xi32>
      %swap3A_279 = vector.shape_cast %add3A_272 : vector<16xi32> to vector<1x16xi32>
      tpu.vector_store %arg10[%swap3A_275, %swap3A_276], %swap3A_279 {strides = array<i32>} : memref<160x128xi32, #tpu.memory_space<vmem>>, vector<1x16xi32>,
      %get3A_280 = arith.index_cast %scan3A_155 : i32 to index
      %get3A_281 = arith.constant 96 : index
      %get3A_282 = tpu.vector_load %arg8[%get3A_280, %get3A_281] {strides = array<i32>} : memref<16x128xi32, #tpu.memory_space<vmem>>, vector<1x16xi32>,
      %get3A_283 = vector.shape_cast %get3A_282 : vector<1x16xi32> to vector<16xi32>
      %mul3A_284 = arith.constant 10000 : i32
      %mul3A_285 = vector.broadcast %mul3A_284 : i32 to vector<16xi32>
      %mul3A_286 = arith.muli %get3A_283, %mul3A_285 : vector<16xi32>
      %get3A_287 = arith.index_cast %scan3A_155 : i32 to index
      %get3A_288 = arith.constant 96 : index
      %get3A_289 = tpu.vector_load %arg7[%get3A_287, %get3A_288] {strides = array<i32>} : memref<16x128xi32, #tpu.memory_space<vmem>>, vector<1x16xi32>,
      %get3A_290 = vector.shape_cast %get3A_289 : vector<1x16xi32> to vector<16xi32>
      %add3A_291 = arith.addi %mul3A_286, %get3A_290 : vector<16xi32>
      %add3A_292 = vector.broadcast %mul3A_27 : i32 to vector<16xi32>
      %add3A_293 = arith.addi %add3A_291, %add3A_292 : vector<16xi32>
      %add3A_294 = arith.constant 112 : i32
      %add3A_295 = arith.addi %add3A_294, %scan3A_155 : i32
      %swap3A_296 = arith.index_cast %add3A_295 : i32 to index
      %swap3A_297 = arith.constant 96 : index
      %swap3A_298 = tpu.vector_load %arg10[%swap3A_296, %swap3A_297] {strides = array<i32>} : memref<160x128xi32, #tpu.memory_space<vmem>>, vector<1x16xi32>,
      %swap3A_299 = vector.shape_cast %swap3A_298 : vector<1x16xi32> to vector<16xi32>
      %swap3A_300 = vector.shape_cast %add3A_293 : vector<16xi32> to vector<1x16xi32>
      tpu.vector_store %arg10[%swap3A_296, %swap3A_297], %swap3A_300 {strides = array<i32>} : memref<160x128xi32, #tpu.memory_space<vmem>>, vector<1x16xi32>,
      %get3A_301 = arith.index_cast %scan3A_155 : i32 to index
      %get3A_302 = arith.constant 112 : index
      %get3A_303 = tpu.vector_load %arg8[%get3A_301, %get3A_302] {strides = array<i32>} : memref<16x128xi32, #tpu.memory_space<vmem>>, vector<1x16xi32>,
      %get3A_304 = vector.shape_cast %get3A_303 : vector<1x16xi32> to vector<16xi32>
      %mul3A_305 = arith.constant 10000 : i32
      %mul3A_306 = vector.broadcast %mul3A_305 : i32 to vector<16xi32>
      %mul3A_307 = arith.muli %get3A_304, %mul3A_306 : vector<16xi32>
      %get3A_308 = arith.index_cast %scan3A_155 : i32 to index
      %get3A_309 = arith.constant 112 : index
      %get3A_310 = tpu.vector_load %arg7[%get3A_308, %get3A_309] {strides = array<i32>} : memref<16x128xi32, #tpu.memory_space<vmem>>, vector<1x16xi32>,
      %get3A_311 = vector.shape_cast %get3A_310 : vector<1x16xi32> to vector<16xi32>
      %add3A_312 = arith.addi %mul3A_307, %get3A_311 : vector<16xi32>
      %add3A_313 = vector.broadcast %mul3A_27 : i32 to vector<16xi32>
      %add3A_314 = arith.addi %add3A_312, %add3A_313 : vector<16xi32>
      %add3A_315 = arith.constant 112 : i32
      %add3A_316 = arith.addi %add3A_315, %scan3A_155 : i32
      %swap3A_317 = arith.index_cast %add3A_316 : i32 to index
      %swap3A_318 = arith.constant 112 : index
      %swap3A_319 = tpu.vector_load %arg10[%swap3A_317, %swap3A_318] {strides = array<i32>} : memref<160x128xi32, #tpu.memory_space<vmem>>, vector<1x16xi32>,
      %swap3A_320 = vector.shape_cast %swap3A_319 : vector<1x16xi32> to vector<16xi32>
      %swap3A_321 = vector.shape_cast %add3A_314 : vector<16xi32> to vector<1x16xi32>
      tpu.vector_store %arg10[%swap3A_317, %swap3A_318], %swap3A_321 {strides = array<i32>} : memref<160x128xi32, #tpu.memory_space<vmem>>, vector<1x16xi32>,
    }
    %scan3A_107 = arith.constant 16 : i32
    %add3A_108 = arith.constant 128 : i32
    %add3A_109 = arith.addi %mul3A_0, %add3A_108 : i32
    "tpu.region"() ({
      %run_scoped3A = tpu.sem_alloc : memref<!tpu.dma_semaphore, #tpu.memory_space<semaphore_mem>>
      %dma_start3A = arith.constant 0 : i32
      %dma_start3A_155 = tpu.memref_slice %arg3[%add3A_109, %dma_start3A] : memref<2560x128xi32, #tpu.memory_space<hbm>> -> memref<16x128xi32, #tpu.memory_space<hbm>>
      %dma_start3A_156 = arith.constant 0 : i32
      %dma_start3A_157 = tpu.memref_slice %arg3[%add3A_109, %dma_start3A_156] : memref<2560x128xi32, #tpu.memory_space<hbm>> -> memref<16x128xi32, #tpu.memory_space<hbm>>
      tpu.enqueue_dma source(%dma_start3A_157 : memref<16x128xi32, #tpu.memory_space<hbm>>) target(%arg7 : memref<16x128xi32, #tpu.memory_space<vmem>>) target_semaphore(%run_scoped3A : memref<!tpu.dma_semaphore, #tpu.memory_space<semaphore_mem>>)
      %dma_wait3A = arith.constant 0 : i32
      %dma_wait3A_158 = tpu.memref_slice %arg3[%add3A_109, %dma_wait3A] : memref<2560x128xi32, #tpu.memory_space<hbm>> -> memref<16x128xi32, #tpu.memory_space<hbm>>
      %dma_wait3A_159 = arith.constant 0 : i32
      %dma_wait3A_160 = tpu.memref_slice %arg3[%add3A_109, %dma_wait3A_159] : memref<2560x128xi32, #tpu.memory_space<hbm>> -> memref<16x128xi32, #tpu.memory_space<hbm>>
      tpu.wait_dma2 semaphore(%run_scoped3A : memref<!tpu.dma_semaphore, #tpu.memory_space<semaphore_mem>>) src(%dma_wait3A_160 : memref<16x128xi32, #tpu.memory_space<hbm>>) dst(%arg7 : memref<16x128xi32, #tpu.memory_space<vmem>>)
      tpu.yield
    }) : () -> ()
    %add3A_110 = arith.constant 128 : i32
    %add3A_111 = arith.addi %mul3A_0, %add3A_110 : i32
    "tpu.region"() ({
      %run_scoped3A = tpu.sem_alloc : memref<!tpu.dma_semaphore, #tpu.memory_space<semaphore_mem>>
      %dma_start3A = arith.constant 0 : i32
      %dma_start3A_155 = tpu.memref_slice %arg4[%add3A_111, %dma_start3A] : memref<2560x128xi32, #tpu.memory_space<hbm>> -> memref<16x128xi32, #tpu.memory_space<hbm>>
      %dma_start3A_156 = arith.constant 0 : i32
      %dma_start3A_157 = tpu.memref_slice %arg4[%add3A_111, %dma_start3A_156] : memref<2560x128xi32, #tpu.memory_space<hbm>> -> memref<16x128xi32, #tpu.memory_space<hbm>>
      tpu.enqueue_dma source(%dma_start3A_157 : memref<16x128xi32, #tpu.memory_space<hbm>>) target(%arg8 : memref<16x128xi32, #tpu.memory_space<vmem>>) target_semaphore(%run_scoped3A : memref<!tpu.dma_semaphore, #tpu.memory_space<semaphore_mem>>)
      %dma_wait3A = arith.constant 0 : i32
      %dma_wait3A_158 = tpu.memref_slice %arg4[%add3A_111, %dma_wait3A] : memref<2560x128xi32, #tpu.memory_space<hbm>> -> memref<16x128xi32, #tpu.memory_space<hbm>>
      %dma_wait3A_159 = arith.constant 0 : i32
      %dma_wait3A_160 = tpu.memref_slice %arg4[%add3A_111, %dma_wait3A_159] : memref<2560x128xi32, #tpu.memory_space<hbm>> -> memref<16x128xi32, #tpu.memory_space<hbm>>
      tpu.wait_dma2 semaphore(%run_scoped3A : memref<!tpu.dma_semaphore, #tpu.memory_space<semaphore_mem>>) src(%dma_wait3A_160 : memref<16x128xi32, #tpu.memory_space<hbm>>) dst(%arg8 : memref<16x128xi32, #tpu.memory_space<vmem>>)
      tpu.yield
    }) : () -> ()
    %scan3A_112 = arith.constant 0 : i32
    %scan3A_113 = arith.constant 0 : i32
    %scan3A_114 = arith.constant 16 : i32
    %scan3A_115 = arith.addi %scan3A_113, %scan3A_114 : i32
    %scan3A_116 = arith.constant 1 : i32
    scf.for %scan3A_155 = %scan3A_113 to %scan3A_115 step %scan3A_116  : i32 {
      %get3A = arith.index_cast %scan3A_155 : i32 to index
      %get3A_156 = arith.constant 0 : index
      %get3A_157 = tpu.vector_load %arg8[%get3A, %get3A_156] {strides = array<i32>} : memref<16x128xi32, #tpu.memory_space<vmem>>, vector<1x16xi32>,
      %get3A_158 = vector.shape_cast %get3A_157 : vector<1x16xi32> to vector<16xi32>
      %mul3A_159 = arith.constant 10000 : i32
      %mul3A_160 = vector.broadcast %mul3A_159 : i32 to vector<16xi32>
      %mul3A_161 = arith.muli %get3A_158, %mul3A_160 : vector<16xi32>
      %get3A_162 = arith.index_cast %scan3A_155 : i32 to index
      %get3A_163 = arith.constant 0 : index
      %get3A_164 = tpu.vector_load %arg7[%get3A_162, %get3A_163] {strides = array<i32>} : memref<16x128xi32, #tpu.memory_space<vmem>>, vector<1x16xi32>,
      %get3A_165 = vector.shape_cast %get3A_164 : vector<1x16xi32> to vector<16xi32>
      %add3A_166 = arith.addi %mul3A_161, %get3A_165 : vector<16xi32>
      %add3A_167 = vector.broadcast %mul3A_27 : i32 to vector<16xi32>
      %add3A_168 = arith.addi %add3A_166, %add3A_167 : vector<16xi32>
      %add3A_169 = arith.constant 128 : i32
      %add3A_170 = arith.addi %add3A_169, %scan3A_155 : i32
      %swap3A = arith.index_cast %add3A_170 : i32 to index
      %swap3A_171 = arith.constant 0 : index
      %swap3A_172 = tpu.vector_load %arg10[%swap3A, %swap3A_171] {strides = array<i32>} : memref<160x128xi32, #tpu.memory_space<vmem>>, vector<1x16xi32>,
      %swap3A_173 = vector.shape_cast %swap3A_172 : vector<1x16xi32> to vector<16xi32>
      %swap3A_174 = vector.shape_cast %add3A_168 : vector<16xi32> to vector<1x16xi32>
      tpu.vector_store %arg10[%swap3A, %swap3A_171], %swap3A_174 {strides = array<i32>} : memref<160x128xi32, #tpu.memory_space<vmem>>, vector<1x16xi32>,
      %get3A_175 = arith.index_cast %scan3A_155 : i32 to index
      %get3A_176 = arith.constant 16 : index
      %get3A_177 = tpu.vector_load %arg8[%get3A_175, %get3A_176] {strides = array<i32>} : memref<16x128xi32, #tpu.memory_space<vmem>>, vector<1x16xi32>,
      %get3A_178 = vector.shape_cast %get3A_177 : vector<1x16xi32> to vector<16xi32>
      %mul3A_179 = arith.constant 10000 : i32
      %mul3A_180 = vector.broadcast %mul3A_179 : i32 to vector<16xi32>
      %mul3A_181 = arith.muli %get3A_178, %mul3A_180 : vector<16xi32>
      %get3A_182 = arith.index_cast %scan3A_155 : i32 to index
      %get3A_183 = arith.constant 16 : index
      %get3A_184 = tpu.vector_load %arg7[%get3A_182, %get3A_183] {strides = array<i32>} : memref<16x128xi32, #tpu.memory_space<vmem>>, vector<1x16xi32>,
      %get3A_185 = vector.shape_cast %get3A_184 : vector<1x16xi32> to vector<16xi32>
      %add3A_186 = arith.addi %mul3A_181, %get3A_185 : vector<16xi32>
      %add3A_187 = vector.broadcast %mul3A_27 : i32 to vector<16xi32>
      %add3A_188 = arith.addi %add3A_186, %add3A_187 : vector<16xi32>
      %add3A_189 = arith.constant 128 : i32
      %add3A_190 = arith.addi %add3A_189, %scan3A_155 : i32
      %swap3A_191 = arith.index_cast %add3A_190 : i32 to index
      %swap3A_192 = arith.constant 16 : index
      %swap3A_193 = tpu.vector_load %arg10[%swap3A_191, %swap3A_192] {strides = array<i32>} : memref<160x128xi32, #tpu.memory_space<vmem>>, vector<1x16xi32>,
      %swap3A_194 = vector.shape_cast %swap3A_193 : vector<1x16xi32> to vector<16xi32>
      %swap3A_195 = vector.shape_cast %add3A_188 : vector<16xi32> to vector<1x16xi32>
      tpu.vector_store %arg10[%swap3A_191, %swap3A_192], %swap3A_195 {strides = array<i32>} : memref<160x128xi32, #tpu.memory_space<vmem>>, vector<1x16xi32>,
      %get3A_196 = arith.index_cast %scan3A_155 : i32 to index
      %get3A_197 = arith.constant 32 : index
      %get3A_198 = tpu.vector_load %arg8[%get3A_196, %get3A_197] {strides = array<i32>} : memref<16x128xi32, #tpu.memory_space<vmem>>, vector<1x16xi32>,
      %get3A_199 = vector.shape_cast %get3A_198 : vector<1x16xi32> to vector<16xi32>
      %mul3A_200 = arith.constant 10000 : i32
      %mul3A_201 = vector.broadcast %mul3A_200 : i32 to vector<16xi32>
      %mul3A_202 = arith.muli %get3A_199, %mul3A_201 : vector<16xi32>
      %get3A_203 = arith.index_cast %scan3A_155 : i32 to index
      %get3A_204 = arith.constant 32 : index
      %get3A_205 = tpu.vector_load %arg7[%get3A_203, %get3A_204] {strides = array<i32>} : memref<16x128xi32, #tpu.memory_space<vmem>>, vector<1x16xi32>,
      %get3A_206 = vector.shape_cast %get3A_205 : vector<1x16xi32> to vector<16xi32>
      %add3A_207 = arith.addi %mul3A_202, %get3A_206 : vector<16xi32>
      %add3A_208 = vector.broadcast %mul3A_27 : i32 to vector<16xi32>
      %add3A_209 = arith.addi %add3A_207, %add3A_208 : vector<16xi32>
      %add3A_210 = arith.constant 128 : i32
      %add3A_211 = arith.addi %add3A_210, %scan3A_155 : i32
      %swap3A_212 = arith.index_cast %add3A_211 : i32 to index
      %swap3A_213 = arith.constant 32 : index
      %swap3A_214 = tpu.vector_load %arg10[%swap3A_212, %swap3A_213] {strides = array<i32>} : memref<160x128xi32, #tpu.memory_space<vmem>>, vector<1x16xi32>,
      %swap3A_215 = vector.shape_cast %swap3A_214 : vector<1x16xi32> to vector<16xi32>
      %swap3A_216 = vector.shape_cast %add3A_209 : vector<16xi32> to vector<1x16xi32>
      tpu.vector_store %arg10[%swap3A_212, %swap3A_213], %swap3A_216 {strides = array<i32>} : memref<160x128xi32, #tpu.memory_space<vmem>>, vector<1x16xi32>,
      %get3A_217 = arith.index_cast %scan3A_155 : i32 to index
      %get3A_218 = arith.constant 48 : index
      %get3A_219 = tpu.vector_load %arg8[%get3A_217, %get3A_218] {strides = array<i32>} : memref<16x128xi32, #tpu.memory_space<vmem>>, vector<1x16xi32>,
      %get3A_220 = vector.shape_cast %get3A_219 : vector<1x16xi32> to vector<16xi32>
      %mul3A_221 = arith.constant 10000 : i32
      %mul3A_222 = vector.broadcast %mul3A_221 : i32 to vector<16xi32>
      %mul3A_223 = arith.muli %get3A_220, %mul3A_222 : vector<16xi32>
      %get3A_224 = arith.index_cast %scan3A_155 : i32 to index
      %get3A_225 = arith.constant 48 : index
      %get3A_226 = tpu.vector_load %arg7[%get3A_224, %get3A_225] {strides = array<i32>} : memref<16x128xi32, #tpu.memory_space<vmem>>, vector<1x16xi32>,
      %get3A_227 = vector.shape_cast %get3A_226 : vector<1x16xi32> to vector<16xi32>
      %add3A_228 = arith.addi %mul3A_223, %get3A_227 : vector<16xi32>
      %add3A_229 = vector.broadcast %mul3A_27 : i32 to vector<16xi32>
      %add3A_230 = arith.addi %add3A_228, %add3A_229 : vector<16xi32>
      %add3A_231 = arith.constant 128 : i32
      %add3A_232 = arith.addi %add3A_231, %scan3A_155 : i32
      %swap3A_233 = arith.index_cast %add3A_232 : i32 to index
      %swap3A_234 = arith.constant 48 : index
      %swap3A_235 = tpu.vector_load %arg10[%swap3A_233, %swap3A_234] {strides = array<i32>} : memref<160x128xi32, #tpu.memory_space<vmem>>, vector<1x16xi32>,
      %swap3A_236 = vector.shape_cast %swap3A_235 : vector<1x16xi32> to vector<16xi32>
      %swap3A_237 = vector.shape_cast %add3A_230 : vector<16xi32> to vector<1x16xi32>
      tpu.vector_store %arg10[%swap3A_233, %swap3A_234], %swap3A_237 {strides = array<i32>} : memref<160x128xi32, #tpu.memory_space<vmem>>, vector<1x16xi32>,
      %get3A_238 = arith.index_cast %scan3A_155 : i32 to index
      %get3A_239 = arith.constant 64 : index
      %get3A_240 = tpu.vector_load %arg8[%get3A_238, %get3A_239] {strides = array<i32>} : memref<16x128xi32, #tpu.memory_space<vmem>>, vector<1x16xi32>,
      %get3A_241 = vector.shape_cast %get3A_240 : vector<1x16xi32> to vector<16xi32>
      %mul3A_242 = arith.constant 10000 : i32
      %mul3A_243 = vector.broadcast %mul3A_242 : i32 to vector<16xi32>
      %mul3A_244 = arith.muli %get3A_241, %mul3A_243 : vector<16xi32>
      %get3A_245 = arith.index_cast %scan3A_155 : i32 to index
      %get3A_246 = arith.constant 64 : index
      %get3A_247 = tpu.vector_load %arg7[%get3A_245, %get3A_246] {strides = array<i32>} : memref<16x128xi32, #tpu.memory_space<vmem>>, vector<1x16xi32>,
      %get3A_248 = vector.shape_cast %get3A_247 : vector<1x16xi32> to vector<16xi32>
      %add3A_249 = arith.addi %mul3A_244, %get3A_248 : vector<16xi32>
      %add3A_250 = vector.broadcast %mul3A_27 : i32 to vector<16xi32>
      %add3A_251 = arith.addi %add3A_249, %add3A_250 : vector<16xi32>
      %add3A_252 = arith.constant 128 : i32
      %add3A_253 = arith.addi %add3A_252, %scan3A_155 : i32
      %swap3A_254 = arith.index_cast %add3A_253 : i32 to index
      %swap3A_255 = arith.constant 64 : index
      %swap3A_256 = tpu.vector_load %arg10[%swap3A_254, %swap3A_255] {strides = array<i32>} : memref<160x128xi32, #tpu.memory_space<vmem>>, vector<1x16xi32>,
      %swap3A_257 = vector.shape_cast %swap3A_256 : vector<1x16xi32> to vector<16xi32>
      %swap3A_258 = vector.shape_cast %add3A_251 : vector<16xi32> to vector<1x16xi32>
      tpu.vector_store %arg10[%swap3A_254, %swap3A_255], %swap3A_258 {strides = array<i32>} : memref<160x128xi32, #tpu.memory_space<vmem>>, vector<1x16xi32>,
      %get3A_259 = arith.index_cast %scan3A_155 : i32 to index
      %get3A_260 = arith.constant 80 : index
      %get3A_261 = tpu.vector_load %arg8[%get3A_259, %get3A_260] {strides = array<i32>} : memref<16x128xi32, #tpu.memory_space<vmem>>, vector<1x16xi32>,
      %get3A_262 = vector.shape_cast %get3A_261 : vector<1x16xi32> to vector<16xi32>
      %mul3A_263 = arith.constant 10000 : i32
      %mul3A_264 = vector.broadcast %mul3A_263 : i32 to vector<16xi32>
      %mul3A_265 = arith.muli %get3A_262, %mul3A_264 : vector<16xi32>
      %get3A_266 = arith.index_cast %scan3A_155 : i32 to index
      %get3A_267 = arith.constant 80 : index
      %get3A_268 = tpu.vector_load %arg7[%get3A_266, %get3A_267] {strides = array<i32>} : memref<16x128xi32, #tpu.memory_space<vmem>>, vector<1x16xi32>,
      %get3A_269 = vector.shape_cast %get3A_268 : vector<1x16xi32> to vector<16xi32>
      %add3A_270 = arith.addi %mul3A_265, %get3A_269 : vector<16xi32>
      %add3A_271 = vector.broadcast %mul3A_27 : i32 to vector<16xi32>
      %add3A_272 = arith.addi %add3A_270, %add3A_271 : vector<16xi32>
      %add3A_273 = arith.constant 128 : i32
      %add3A_274 = arith.addi %add3A_273, %scan3A_155 : i32
      %swap3A_275 = arith.index_cast %add3A_274 : i32 to index
      %swap3A_276 = arith.constant 80 : index
      %swap3A_277 = tpu.vector_load %arg10[%swap3A_275, %swap3A_276] {strides = array<i32>} : memref<160x128xi32, #tpu.memory_space<vmem>>, vector<1x16xi32>,
      %swap3A_278 = vector.shape_cast %swap3A_277 : vector<1x16xi32> to vector<16xi32>
      %swap3A_279 = vector.shape_cast %add3A_272 : vector<16xi32> to vector<1x16xi32>
      tpu.vector_store %arg10[%swap3A_275, %swap3A_276], %swap3A_279 {strides = array<i32>} : memref<160x128xi32, #tpu.memory_space<vmem>>, vector<1x16xi32>,
      %get3A_280 = arith.index_cast %scan3A_155 : i32 to index
      %get3A_281 = arith.constant 96 : index
      %get3A_282 = tpu.vector_load %arg8[%get3A_280, %get3A_281] {strides = array<i32>} : memref<16x128xi32, #tpu.memory_space<vmem>>, vector<1x16xi32>,
      %get3A_283 = vector.shape_cast %get3A_282 : vector<1x16xi32> to vector<16xi32>
      %mul3A_284 = arith.constant 10000 : i32
      %mul3A_285 = vector.broadcast %mul3A_284 : i32 to vector<16xi32>
      %mul3A_286 = arith.muli %get3A_283, %mul3A_285 : vector<16xi32>
      %get3A_287 = arith.index_cast %scan3A_155 : i32 to index
      %get3A_288 = arith.constant 96 : index
      %get3A_289 = tpu.vector_load %arg7[%get3A_287, %get3A_288] {strides = array<i32>} : memref<16x128xi32, #tpu.memory_space<vmem>>, vector<1x16xi32>,
      %get3A_290 = vector.shape_cast %get3A_289 : vector<1x16xi32> to vector<16xi32>
      %add3A_291 = arith.addi %mul3A_286, %get3A_290 : vector<16xi32>
      %add3A_292 = vector.broadcast %mul3A_27 : i32 to vector<16xi32>
      %add3A_293 = arith.addi %add3A_291, %add3A_292 : vector<16xi32>
      %add3A_294 = arith.constant 128 : i32
      %add3A_295 = arith.addi %add3A_294, %scan3A_155 : i32
      %swap3A_296 = arith.index_cast %add3A_295 : i32 to index
      %swap3A_297 = arith.constant 96 : index
      %swap3A_298 = tpu.vector_load %arg10[%swap3A_296, %swap3A_297] {strides = array<i32>} : memref<160x128xi32, #tpu.memory_space<vmem>>, vector<1x16xi32>,
      %swap3A_299 = vector.shape_cast %swap3A_298 : vector<1x16xi32> to vector<16xi32>
      %swap3A_300 = vector.shape_cast %add3A_293 : vector<16xi32> to vector<1x16xi32>
      tpu.vector_store %arg10[%swap3A_296, %swap3A_297], %swap3A_300 {strides = array<i32>} : memref<160x128xi32, #tpu.memory_space<vmem>>, vector<1x16xi32>,
      %get3A_301 = arith.index_cast %scan3A_155 : i32 to index
      %get3A_302 = arith.constant 112 : index
      %get3A_303 = tpu.vector_load %arg8[%get3A_301, %get3A_302] {strides = array<i32>} : memref<16x128xi32, #tpu.memory_space<vmem>>, vector<1x16xi32>,
      %get3A_304 = vector.shape_cast %get3A_303 : vector<1x16xi32> to vector<16xi32>
      %mul3A_305 = arith.constant 10000 : i32
      %mul3A_306 = vector.broadcast %mul3A_305 : i32 to vector<16xi32>
      %mul3A_307 = arith.muli %get3A_304, %mul3A_306 : vector<16xi32>
      %get3A_308 = arith.index_cast %scan3A_155 : i32 to index
      %get3A_309 = arith.constant 112 : index
      %get3A_310 = tpu.vector_load %arg7[%get3A_308, %get3A_309] {strides = array<i32>} : memref<16x128xi32, #tpu.memory_space<vmem>>, vector<1x16xi32>,
      %get3A_311 = vector.shape_cast %get3A_310 : vector<1x16xi32> to vector<16xi32>
      %add3A_312 = arith.addi %mul3A_307, %get3A_311 : vector<16xi32>
      %add3A_313 = vector.broadcast %mul3A_27 : i32 to vector<16xi32>
      %add3A_314 = arith.addi %add3A_312, %add3A_313 : vector<16xi32>
      %add3A_315 = arith.constant 128 : i32
      %add3A_316 = arith.addi %add3A_315, %scan3A_155 : i32
      %swap3A_317 = arith.index_cast %add3A_316 : i32 to index
      %swap3A_318 = arith.constant 112 : index
      %swap3A_319 = tpu.vector_load %arg10[%swap3A_317, %swap3A_318] {strides = array<i32>} : memref<160x128xi32, #tpu.memory_space<vmem>>, vector<1x16xi32>,
      %swap3A_320 = vector.shape_cast %swap3A_319 : vector<1x16xi32> to vector<16xi32>
      %swap3A_321 = vector.shape_cast %add3A_314 : vector<16xi32> to vector<1x16xi32>
      tpu.vector_store %arg10[%swap3A_317, %swap3A_318], %swap3A_321 {strides = array<i32>} : memref<160x128xi32, #tpu.memory_space<vmem>>, vector<1x16xi32>,
    }
    %scan3A_117 = arith.constant 16 : i32
    %add3A_118 = arith.constant 144 : i32
    %add3A_119 = arith.addi %mul3A_0, %add3A_118 : i32
    "tpu.region"() ({
      %run_scoped3A = tpu.sem_alloc : memref<!tpu.dma_semaphore, #tpu.memory_space<semaphore_mem>>
      %dma_start3A = arith.constant 0 : i32
      %dma_start3A_155 = tpu.memref_slice %arg3[%add3A_119, %dma_start3A] : memref<2560x128xi32, #tpu.memory_space<hbm>> -> memref<16x128xi32, #tpu.memory_space<hbm>>
      %dma_start3A_156 = arith.constant 0 : i32
      %dma_start3A_157 = tpu.memref_slice %arg3[%add3A_119, %dma_start3A_156] : memref<2560x128xi32, #tpu.memory_space<hbm>> -> memref<16x128xi32, #tpu.memory_space<hbm>>
      tpu.enqueue_dma source(%dma_start3A_157 : memref<16x128xi32, #tpu.memory_space<hbm>>) target(%arg7 : memref<16x128xi32, #tpu.memory_space<vmem>>) target_semaphore(%run_scoped3A : memref<!tpu.dma_semaphore, #tpu.memory_space<semaphore_mem>>)
      %dma_wait3A = arith.constant 0 : i32
      %dma_wait3A_158 = tpu.memref_slice %arg3[%add3A_119, %dma_wait3A] : memref<2560x128xi32, #tpu.memory_space<hbm>> -> memref<16x128xi32, #tpu.memory_space<hbm>>
      %dma_wait3A_159 = arith.constant 0 : i32
      %dma_wait3A_160 = tpu.memref_slice %arg3[%add3A_119, %dma_wait3A_159] : memref<2560x128xi32, #tpu.memory_space<hbm>> -> memref<16x128xi32, #tpu.memory_space<hbm>>
      tpu.wait_dma2 semaphore(%run_scoped3A : memref<!tpu.dma_semaphore, #tpu.memory_space<semaphore_mem>>) src(%dma_wait3A_160 : memref<16x128xi32, #tpu.memory_space<hbm>>) dst(%arg7 : memref<16x128xi32, #tpu.memory_space<vmem>>)
      tpu.yield
    }) : () -> ()
    %add3A_120 = arith.constant 144 : i32
    %add3A_121 = arith.addi %mul3A_0, %add3A_120 : i32
    "tpu.region"() ({
      %run_scoped3A = tpu.sem_alloc : memref<!tpu.dma_semaphore, #tpu.memory_space<semaphore_mem>>
      %dma_start3A = arith.constant 0 : i32
      %dma_start3A_155 = tpu.memref_slice %arg4[%add3A_121, %dma_start3A] : memref<2560x128xi32, #tpu.memory_space<hbm>> -> memref<16x128xi32, #tpu.memory_space<hbm>>
      %dma_start3A_156 = arith.constant 0 : i32
      %dma_start3A_157 = tpu.memref_slice %arg4[%add3A_121, %dma_start3A_156] : memref<2560x128xi32, #tpu.memory_space<hbm>> -> memref<16x128xi32, #tpu.memory_space<hbm>>
      tpu.enqueue_dma source(%dma_start3A_157 : memref<16x128xi32, #tpu.memory_space<hbm>>) target(%arg8 : memref<16x128xi32, #tpu.memory_space<vmem>>) target_semaphore(%run_scoped3A : memref<!tpu.dma_semaphore, #tpu.memory_space<semaphore_mem>>)
      %dma_wait3A = arith.constant 0 : i32
      %dma_wait3A_158 = tpu.memref_slice %arg4[%add3A_121, %dma_wait3A] : memref<2560x128xi32, #tpu.memory_space<hbm>> -> memref<16x128xi32, #tpu.memory_space<hbm>>
      %dma_wait3A_159 = arith.constant 0 : i32
      %dma_wait3A_160 = tpu.memref_slice %arg4[%add3A_121, %dma_wait3A_159] : memref<2560x128xi32, #tpu.memory_space<hbm>> -> memref<16x128xi32, #tpu.memory_space<hbm>>
      tpu.wait_dma2 semaphore(%run_scoped3A : memref<!tpu.dma_semaphore, #tpu.memory_space<semaphore_mem>>) src(%dma_wait3A_160 : memref<16x128xi32, #tpu.memory_space<hbm>>) dst(%arg8 : memref<16x128xi32, #tpu.memory_space<vmem>>)
      tpu.yield
    }) : () -> ()
    %scan3A_122 = arith.constant 0 : i32
    %scan3A_123 = arith.constant 0 : i32
    %scan3A_124 = arith.constant 16 : i32
    %scan3A_125 = arith.addi %scan3A_123, %scan3A_124 : i32
    %scan3A_126 = arith.constant 1 : i32
    scf.for %scan3A_155 = %scan3A_123 to %scan3A_125 step %scan3A_126  : i32 {
      %get3A = arith.index_cast %scan3A_155 : i32 to index
      %get3A_156 = arith.constant 0 : index
      %get3A_157 = tpu.vector_load %arg8[%get3A, %get3A_156] {strides = array<i32>} : memref<16x128xi32, #tpu.memory_space<vmem>>, vector<1x16xi32>,
      %get3A_158 = vector.shape_cast %get3A_157 : vector<1x16xi32> to vector<16xi32>
      %mul3A_159 = arith.constant 10000 : i32
      %mul3A_160 = vector.broadcast %mul3A_159 : i32 to vector<16xi32>
      %mul3A_161 = arith.muli %get3A_158, %mul3A_160 : vector<16xi32>
      %get3A_162 = arith.index_cast %scan3A_155 : i32 to index
      %get3A_163 = arith.constant 0 : index
      %get3A_164 = tpu.vector_load %arg7[%get3A_162, %get3A_163] {strides = array<i32>} : memref<16x128xi32, #tpu.memory_space<vmem>>, vector<1x16xi32>,
      %get3A_165 = vector.shape_cast %get3A_164 : vector<1x16xi32> to vector<16xi32>
      %add3A_166 = arith.addi %mul3A_161, %get3A_165 : vector<16xi32>
      %add3A_167 = vector.broadcast %mul3A_27 : i32 to vector<16xi32>
      %add3A_168 = arith.addi %add3A_166, %add3A_167 : vector<16xi32>
      %add3A_169 = arith.constant 144 : i32
      %add3A_170 = arith.addi %add3A_169, %scan3A_155 : i32
      %swap3A = arith.index_cast %add3A_170 : i32 to index
      %swap3A_171 = arith.constant 0 : index
      %swap3A_172 = tpu.vector_load %arg10[%swap3A, %swap3A_171] {strides = array<i32>} : memref<160x128xi32, #tpu.memory_space<vmem>>, vector<1x16xi32>,
      %swap3A_173 = vector.shape_cast %swap3A_172 : vector<1x16xi32> to vector<16xi32>
      %swap3A_174 = vector.shape_cast %add3A_168 : vector<16xi32> to vector<1x16xi32>
      tpu.vector_store %arg10[%swap3A, %swap3A_171], %swap3A_174 {strides = array<i32>} : memref<160x128xi32, #tpu.memory_space<vmem>>, vector<1x16xi32>,
      %get3A_175 = arith.index_cast %scan3A_155 : i32 to index
      %get3A_176 = arith.constant 16 : index
      %get3A_177 = tpu.vector_load %arg8[%get3A_175, %get3A_176] {strides = array<i32>} : memref<16x128xi32, #tpu.memory_space<vmem>>, vector<1x16xi32>,
      %get3A_178 = vector.shape_cast %get3A_177 : vector<1x16xi32> to vector<16xi32>
      %mul3A_179 = arith.constant 10000 : i32
      %mul3A_180 = vector.broadcast %mul3A_179 : i32 to vector<16xi32>
      %mul3A_181 = arith.muli %get3A_178, %mul3A_180 : vector<16xi32>
      %get3A_182 = arith.index_cast %scan3A_155 : i32 to index
      %get3A_183 = arith.constant 16 : index
      %get3A_184 = tpu.vector_load %arg7[%get3A_182, %get3A_183] {strides = array<i32>} : memref<16x128xi32, #tpu.memory_space<vmem>>, vector<1x16xi32>,
      %get3A_185 = vector.shape_cast %get3A_184 : vector<1x16xi32> to vector<16xi32>
      %add3A_186 = arith.addi %mul3A_181, %get3A_185 : vector<16xi32>
      %add3A_187 = vector.broadcast %mul3A_27 : i32 to vector<16xi32>
      %add3A_188 = arith.addi %add3A_186, %add3A_187 : vector<16xi32>
      %add3A_189 = arith.constant 144 : i32
      %add3A_190 = arith.addi %add3A_189, %scan3A_155 : i32
      %swap3A_191 = arith.index_cast %add3A_190 : i32 to index
      %swap3A_192 = arith.constant 16 : index
      %swap3A_193 = tpu.vector_load %arg10[%swap3A_191, %swap3A_192] {strides = array<i32>} : memref<160x128xi32, #tpu.memory_space<vmem>>, vector<1x16xi32>,
      %swap3A_194 = vector.shape_cast %swap3A_193 : vector<1x16xi32> to vector<16xi32>
      %swap3A_195 = vector.shape_cast %add3A_188 : vector<16xi32> to vector<1x16xi32>
      tpu.vector_store %arg10[%swap3A_191, %swap3A_192], %swap3A_195 {strides = array<i32>} : memref<160x128xi32, #tpu.memory_space<vmem>>, vector<1x16xi32>,
      %get3A_196 = arith.index_cast %scan3A_155 : i32 to index
      %get3A_197 = arith.constant 32 : index
      %get3A_198 = tpu.vector_load %arg8[%get3A_196, %get3A_197] {strides = array<i32>} : memref<16x128xi32, #tpu.memory_space<vmem>>, vector<1x16xi32>,
      %get3A_199 = vector.shape_cast %get3A_198 : vector<1x16xi32> to vector<16xi32>
      %mul3A_200 = arith.constant 10000 : i32
      %mul3A_201 = vector.broadcast %mul3A_200 : i32 to vector<16xi32>
      %mul3A_202 = arith.muli %get3A_199, %mul3A_201 : vector<16xi32>
      %get3A_203 = arith.index_cast %scan3A_155 : i32 to index
      %get3A_204 = arith.constant 32 : index
      %get3A_205 = tpu.vector_load %arg7[%get3A_203, %get3A_204] {strides = array<i32>} : memref<16x128xi32, #tpu.memory_space<vmem>>, vector<1x16xi32>,
      %get3A_206 = vector.shape_cast %get3A_205 : vector<1x16xi32> to vector<16xi32>
      %add3A_207 = arith.addi %mul3A_202, %get3A_206 : vector<16xi32>
      %add3A_208 = vector.broadcast %mul3A_27 : i32 to vector<16xi32>
      %add3A_209 = arith.addi %add3A_207, %add3A_208 : vector<16xi32>
      %add3A_210 = arith.constant 144 : i32
      %add3A_211 = arith.addi %add3A_210, %scan3A_155 : i32
      %swap3A_212 = arith.index_cast %add3A_211 : i32 to index
      %swap3A_213 = arith.constant 32 : index
      %swap3A_214 = tpu.vector_load %arg10[%swap3A_212, %swap3A_213] {strides = array<i32>} : memref<160x128xi32, #tpu.memory_space<vmem>>, vector<1x16xi32>,
      %swap3A_215 = vector.shape_cast %swap3A_214 : vector<1x16xi32> to vector<16xi32>
      %swap3A_216 = vector.shape_cast %add3A_209 : vector<16xi32> to vector<1x16xi32>
      tpu.vector_store %arg10[%swap3A_212, %swap3A_213], %swap3A_216 {strides = array<i32>} : memref<160x128xi32, #tpu.memory_space<vmem>>, vector<1x16xi32>,
      %get3A_217 = arith.index_cast %scan3A_155 : i32 to index
      %get3A_218 = arith.constant 48 : index
      %get3A_219 = tpu.vector_load %arg8[%get3A_217, %get3A_218] {strides = array<i32>} : memref<16x128xi32, #tpu.memory_space<vmem>>, vector<1x16xi32>,
      %get3A_220 = vector.shape_cast %get3A_219 : vector<1x16xi32> to vector<16xi32>
      %mul3A_221 = arith.constant 10000 : i32
      %mul3A_222 = vector.broadcast %mul3A_221 : i32 to vector<16xi32>
      %mul3A_223 = arith.muli %get3A_220, %mul3A_222 : vector<16xi32>
      %get3A_224 = arith.index_cast %scan3A_155 : i32 to index
      %get3A_225 = arith.constant 48 : index
      %get3A_226 = tpu.vector_load %arg7[%get3A_224, %get3A_225] {strides = array<i32>} : memref<16x128xi32, #tpu.memory_space<vmem>>, vector<1x16xi32>,
      %get3A_227 = vector.shape_cast %get3A_226 : vector<1x16xi32> to vector<16xi32>
      %add3A_228 = arith.addi %mul3A_223, %get3A_227 : vector<16xi32>
      %add3A_229 = vector.broadcast %mul3A_27 : i32 to vector<16xi32>
      %add3A_230 = arith.addi %add3A_228, %add3A_229 : vector<16xi32>
      %add3A_231 = arith.constant 144 : i32
      %add3A_232 = arith.addi %add3A_231, %scan3A_155 : i32
      %swap3A_233 = arith.index_cast %add3A_232 : i32 to index
      %swap3A_234 = arith.constant 48 : index
      %swap3A_235 = tpu.vector_load %arg10[%swap3A_233, %swap3A_234] {strides = array<i32>} : memref<160x128xi32, #tpu.memory_space<vmem>>, vector<1x16xi32>,
      %swap3A_236 = vector.shape_cast %swap3A_235 : vector<1x16xi32> to vector<16xi32>
      %swap3A_237 = vector.shape_cast %add3A_230 : vector<16xi32> to vector<1x16xi32>
      tpu.vector_store %arg10[%swap3A_233, %swap3A_234], %swap3A_237 {strides = array<i32>} : memref<160x128xi32, #tpu.memory_space<vmem>>, vector<1x16xi32>,
      %get3A_238 = arith.index_cast %scan3A_155 : i32 to index
      %get3A_239 = arith.constant 64 : index
      %get3A_240 = tpu.vector_load %arg8[%get3A_238, %get3A_239] {strides = array<i32>} : memref<16x128xi32, #tpu.memory_space<vmem>>, vector<1x16xi32>,
      %get3A_241 = vector.shape_cast %get3A_240 : vector<1x16xi32> to vector<16xi32>
      %mul3A_242 = arith.constant 10000 : i32
      %mul3A_243 = vector.broadcast %mul3A_242 : i32 to vector<16xi32>
      %mul3A_244 = arith.muli %get3A_241, %mul3A_243 : vector<16xi32>
      %get3A_245 = arith.index_cast %scan3A_155 : i32 to index
      %get3A_246 = arith.constant 64 : index
      %get3A_247 = tpu.vector_load %arg7[%get3A_245, %get3A_246] {strides = array<i32>} : memref<16x128xi32, #tpu.memory_space<vmem>>, vector<1x16xi32>,
      %get3A_248 = vector.shape_cast %get3A_247 : vector<1x16xi32> to vector<16xi32>
      %add3A_249 = arith.addi %mul3A_244, %get3A_248 : vector<16xi32>
      %add3A_250 = vector.broadcast %mul3A_27 : i32 to vector<16xi32>
      %add3A_251 = arith.addi %add3A_249, %add3A_250 : vector<16xi32>
      %add3A_252 = arith.constant 144 : i32
      %add3A_253 = arith.addi %add3A_252, %scan3A_155 : i32
      %swap3A_254 = arith.index_cast %add3A_253 : i32 to index
      %swap3A_255 = arith.constant 64 : index
      %swap3A_256 = tpu.vector_load %arg10[%swap3A_254, %swap3A_255] {strides = array<i32>} : memref<160x128xi32, #tpu.memory_space<vmem>>, vector<1x16xi32>,
      %swap3A_257 = vector.shape_cast %swap3A_256 : vector<1x16xi32> to vector<16xi32>
      %swap3A_258 = vector.shape_cast %add3A_251 : vector<16xi32> to vector<1x16xi32>
      tpu.vector_store %arg10[%swap3A_254, %swap3A_255], %swap3A_258 {strides = array<i32>} : memref<160x128xi32, #tpu.memory_space<vmem>>, vector<1x16xi32>,
      %get3A_259 = arith.index_cast %scan3A_155 : i32 to index
      %get3A_260 = arith.constant 80 : index
      %get3A_261 = tpu.vector_load %arg8[%get3A_259, %get3A_260] {strides = array<i32>} : memref<16x128xi32, #tpu.memory_space<vmem>>, vector<1x16xi32>,
      %get3A_262 = vector.shape_cast %get3A_261 : vector<1x16xi32> to vector<16xi32>
      %mul3A_263 = arith.constant 10000 : i32
      %mul3A_264 = vector.broadcast %mul3A_263 : i32 to vector<16xi32>
      %mul3A_265 = arith.muli %get3A_262, %mul3A_264 : vector<16xi32>
      %get3A_266 = arith.index_cast %scan3A_155 : i32 to index
      %get3A_267 = arith.constant 80 : index
      %get3A_268 = tpu.vector_load %arg7[%get3A_266, %get3A_267] {strides = array<i32>} : memref<16x128xi32, #tpu.memory_space<vmem>>, vector<1x16xi32>,
      %get3A_269 = vector.shape_cast %get3A_268 : vector<1x16xi32> to vector<16xi32>
      %add3A_270 = arith.addi %mul3A_265, %get3A_269 : vector<16xi32>
      %add3A_271 = vector.broadcast %mul3A_27 : i32 to vector<16xi32>
      %add3A_272 = arith.addi %add3A_270, %add3A_271 : vector<16xi32>
      %add3A_273 = arith.constant 144 : i32
      %add3A_274 = arith.addi %add3A_273, %scan3A_155 : i32
      %swap3A_275 = arith.index_cast %add3A_274 : i32 to index
      %swap3A_276 = arith.constant 80 : index
      %swap3A_277 = tpu.vector_load %arg10[%swap3A_275, %swap3A_276] {strides = array<i32>} : memref<160x128xi32, #tpu.memory_space<vmem>>, vector<1x16xi32>,
      %swap3A_278 = vector.shape_cast %swap3A_277 : vector<1x16xi32> to vector<16xi32>
      %swap3A_279 = vector.shape_cast %add3A_272 : vector<16xi32> to vector<1x16xi32>
      tpu.vector_store %arg10[%swap3A_275, %swap3A_276], %swap3A_279 {strides = array<i32>} : memref<160x128xi32, #tpu.memory_space<vmem>>, vector<1x16xi32>,
      %get3A_280 = arith.index_cast %scan3A_155 : i32 to index
      %get3A_281 = arith.constant 96 : index
      %get3A_282 = tpu.vector_load %arg8[%get3A_280, %get3A_281] {strides = array<i32>} : memref<16x128xi32, #tpu.memory_space<vmem>>, vector<1x16xi32>,
      %get3A_283 = vector.shape_cast %get3A_282 : vector<1x16xi32> to vector<16xi32>
      %mul3A_284 = arith.constant 10000 : i32
      %mul3A_285 = vector.broadcast %mul3A_284 : i32 to vector<16xi32>
      %mul3A_286 = arith.muli %get3A_283, %mul3A_285 : vector<16xi32>
      %get3A_287 = arith.index_cast %scan3A_155 : i32 to index
      %get3A_288 = arith.constant 96 : index
      %get3A_289 = tpu.vector_load %arg7[%get3A_287, %get3A_288] {strides = array<i32>} : memref<16x128xi32, #tpu.memory_space<vmem>>, vector<1x16xi32>,
      %get3A_290 = vector.shape_cast %get3A_289 : vector<1x16xi32> to vector<16xi32>
      %add3A_291 = arith.addi %mul3A_286, %get3A_290 : vector<16xi32>
      %add3A_292 = vector.broadcast %mul3A_27 : i32 to vector<16xi32>
      %add3A_293 = arith.addi %add3A_291, %add3A_292 : vector<16xi32>
      %add3A_294 = arith.constant 144 : i32
      %add3A_295 = arith.addi %add3A_294, %scan3A_155 : i32
      %swap3A_296 = arith.index_cast %add3A_295 : i32 to index
      %swap3A_297 = arith.constant 96 : index
      %swap3A_298 = tpu.vector_load %arg10[%swap3A_296, %swap3A_297] {strides = array<i32>} : memref<160x128xi32, #tpu.memory_space<vmem>>, vector<1x16xi32>,
      %swap3A_299 = vector.shape_cast %swap3A_298 : vector<1x16xi32> to vector<16xi32>
      %swap3A_300 = vector.shape_cast %add3A_293 : vector<16xi32> to vector<1x16xi32>
      tpu.vector_store %arg10[%swap3A_296, %swap3A_297], %swap3A_300 {strides = array<i32>} : memref<160x128xi32, #tpu.memory_space<vmem>>, vector<1x16xi32>,
      %get3A_301 = arith.index_cast %scan3A_155 : i32 to index
      %get3A_302 = arith.constant 112 : index
      %get3A_303 = tpu.vector_load %arg8[%get3A_301, %get3A_302] {strides = array<i32>} : memref<16x128xi32, #tpu.memory_space<vmem>>, vector<1x16xi32>,
      %get3A_304 = vector.shape_cast %get3A_303 : vector<1x16xi32> to vector<16xi32>
      %mul3A_305 = arith.constant 10000 : i32
      %mul3A_306 = vector.broadcast %mul3A_305 : i32 to vector<16xi32>
      %mul3A_307 = arith.muli %get3A_304, %mul3A_306 : vector<16xi32>
      %get3A_308 = arith.index_cast %scan3A_155 : i32 to index
      %get3A_309 = arith.constant 112 : index
      %get3A_310 = tpu.vector_load %arg7[%get3A_308, %get3A_309] {strides = array<i32>} : memref<16x128xi32, #tpu.memory_space<vmem>>, vector<1x16xi32>,
      %get3A_311 = vector.shape_cast %get3A_310 : vector<1x16xi32> to vector<16xi32>
      %add3A_312 = arith.addi %mul3A_307, %get3A_311 : vector<16xi32>
      %add3A_313 = vector.broadcast %mul3A_27 : i32 to vector<16xi32>
      %add3A_314 = arith.addi %add3A_312, %add3A_313 : vector<16xi32>
      %add3A_315 = arith.constant 144 : i32
      %add3A_316 = arith.addi %add3A_315, %scan3A_155 : i32
      %swap3A_317 = arith.index_cast %add3A_316 : i32 to index
      %swap3A_318 = arith.constant 112 : index
      %swap3A_319 = tpu.vector_load %arg10[%swap3A_317, %swap3A_318] {strides = array<i32>} : memref<160x128xi32, #tpu.memory_space<vmem>>, vector<1x16xi32>,
      %swap3A_320 = vector.shape_cast %swap3A_319 : vector<1x16xi32> to vector<16xi32>
      %swap3A_321 = vector.shape_cast %add3A_314 : vector<16xi32> to vector<1x16xi32>
      tpu.vector_store %arg10[%swap3A_317, %swap3A_318], %swap3A_321 {strides = array<i32>} : memref<160x128xi32, #tpu.memory_space<vmem>>, vector<1x16xi32>,
    }
    %scan3A_127 = arith.constant 16 : i32
    %barrier3A = arith.constant 0 : index
    tpu.barrier barrier_id(%barrier3A)
    %scan3A_128 = arith.constant 0 : i32
    %scan3A_129 = arith.constant 0 : i32
    %scan3A_130 = arith.constant 160 : i32
    %scan3A_131 = arith.addi %scan3A_129, %scan3A_130 : i32
    %scan3A_132 = arith.constant 1 : i32
    scf.for %scan3A_155 = %scan3A_129 to %scan3A_131 step %scan3A_132  : i32 {
      %dma_start3A = arith.constant 0 : i32
      %dma_start3A_156 = tpu.memref_slice %arg10[%scan3A_155, %dma_start3A] : memref<160x128xi32, #tpu.memory_space<vmem>> -> memref<1x128xi32, #tpu.memory_space<vmem>>
      %dma_start3A_157 = tpu.memref_squeeze %dma_start3A_156 : memref<1x128xi32, #tpu.memory_space<vmem>> -> memref<128xi32, #tpu.memory_space<vmem>>
      %dma_start3A_158 = arith.constant 0 : i32
      %dma_start3A_159 = arith.constant 0 : i32
      %dma_start3A_160 = tpu.memref_slice %arg2[%dma_start3A_158, %dma_start3A_159] : memref<160000x64xf32, #tpu.memory_space<hbm>> -> memref<160000x64xf32, #tpu.memory_space<hbm>>
      tpu.enqueue_indirect_dma source(%dma_start3A_160 : memref<160000x64xf32, #tpu.memory_space<hbm>>) target(%arg11 : memref<128x64xf32, #tpu.memory_space<vmem>>) offsets(%dma_start3A_157 : memref<128xi32, #tpu.memory_space<vmem>>) semaphore(%arg14 : memref<!tpu.dma_semaphore, #tpu.memory_space<semaphore_mem>>)
      %dma_wait3A = arith.constant 0 : i32
      %dma_wait3A_161 = tpu.memref_slice %arg10[%scan3A_155, %dma_wait3A] : memref<160x128xi32, #tpu.memory_space<vmem>> -> memref<1x128xi32, #tpu.memory_space<vmem>>
      %dma_wait3A_162 = tpu.memref_squeeze %dma_wait3A_161 : memref<1x128xi32, #tpu.memory_space<vmem>> -> memref<128xi32, #tpu.memory_space<vmem>>
      %dma_wait3A_163 = arith.constant 0 : i32
      %dma_wait3A_164 = arith.constant 0 : i32
      %dma_wait3A_165 = tpu.memref_slice %arg2[%dma_wait3A_163, %dma_wait3A_164] : memref<160000x64xf32, #tpu.memory_space<hbm>> -> memref<160000x64xf32, #tpu.memory_space<hbm>>
      tpu.wait_indirect_dma semaphore(%arg14 : memref<!tpu.dma_semaphore, #tpu.memory_space<semaphore_mem>>) src(%dma_wait3A_165 : memref<160000x64xf32, #tpu.memory_space<hbm>>) dst(%arg11 : memref<128x64xf32, #tpu.memory_space<vmem>>)
      "tpu.region"() ({
        %run_scoped3A = tpu.sem_alloc : memref<!tpu.dma_semaphore, #tpu.memory_space<semaphore_mem>>
        %dma_start3A_166 = arith.constant 0 : i32
        %dma_start3A_167 = tpu.memref_slice %arg9[%scan3A_155, %dma_start3A_166] : memref<160x128xi32, #tpu.memory_space<vmem>> -> memref<1x128xi32, #tpu.memory_space<vmem>>
        %dma_start3A_168 = tpu.memref_squeeze %dma_start3A_167 : memref<1x128xi32, #tpu.memory_space<vmem>> -> memref<128xi32, #tpu.memory_space<vmem>>
        %dma_start3A_169 = arith.constant 0 : i32
        %dma_start3A_170 = arith.constant 0 : i32
        %dma_start3A_171 = tpu.memref_slice %arg13[%dma_start3A_169, %dma_start3A_170] : memref<10240x64xf32, #tpu.memory_space<vmem_shared>> -> memref<10240x64xf32, #tpu.memory_space<vmem_shared>>
        tpu.enqueue_indirect_dma source(%arg11 : memref<128x64xf32, #tpu.memory_space<vmem>>) target(%dma_start3A_171 : memref<10240x64xf32, #tpu.memory_space<vmem_shared>>) offsets(%dma_start3A_168 : memref<128xi32, #tpu.memory_space<vmem>>) semaphore(%run_scoped3A : memref<!tpu.dma_semaphore, #tpu.memory_space<semaphore_mem>>) {add = true}
        %dma_wait3A_172 = arith.constant 0 : i32
        %dma_wait3A_173 = tpu.memref_slice %arg9[%scan3A_155, %dma_wait3A_172] : memref<160x128xi32, #tpu.memory_space<vmem>> -> memref<1x128xi32, #tpu.memory_space<vmem>>
        %dma_wait3A_174 = tpu.memref_squeeze %dma_wait3A_173 : memref<1x128xi32, #tpu.memory_space<vmem>> -> memref<128xi32, #tpu.memory_space<vmem>>
        %dma_wait3A_175 = arith.constant 0 : i32
        %dma_wait3A_176 = arith.constant 0 : i32
        %dma_wait3A_177 = tpu.memref_slice %arg13[%dma_wait3A_175, %dma_wait3A_176] : memref<10240x64xf32, #tpu.memory_space<vmem_shared>> -> memref<10240x64xf32, #tpu.memory_space<vmem_shared>>
        tpu.wait_indirect_dma semaphore(%run_scoped3A : memref<!tpu.dma_semaphore, #tpu.memory_space<semaphore_mem>>) src(%arg11 : memref<128x64xf32, #tpu.memory_space<vmem>>) dst(%dma_wait3A_177 : memref<10240x64xf32, #tpu.memory_space<vmem_shared>>)
        tpu.yield
      }) : () -> ()
    }
    %scan3A_133 = arith.constant 160 : i32
    %barrier3A_134 = arith.constant 0 : index
    tpu.barrier barrier_id(%barrier3A_134)
    %mul3A_135 = arith.constant 640 : i32
    %mul3A_136 = arith.muli %arg1, %mul3A_135 : i32
    %add3A_137 = arith.constant 0 : i32
    %add3A_138 = arith.addi %mul3A_136, %add3A_137 : i32
    "tpu.region"() ({
      %run_scoped3A = tpu.sem_alloc : memref<!tpu.dma_semaphore, #tpu.memory_space<semaphore_mem>>
      %dma_start3A = arith.constant 0 : i32
      %dma_start3A_155 = tpu.memref_slice %arg13[%add3A_138, %dma_start3A] : memref<10240x64xf32, #tpu.memory_space<vmem_shared>> -> memref<128x64xf32, #tpu.memory_space<vmem_shared>>
      %dma_start3A_156 = arith.constant 0 : i32
      %dma_start3A_157 = tpu.memref_slice %arg13[%add3A_138, %dma_start3A_156] : memref<10240x64xf32, #tpu.memory_space<vmem_shared>> -> memref<128x64xf32, #tpu.memory_space<vmem_shared>>
      tpu.enqueue_dma source(%dma_start3A_157 : memref<128x64xf32, #tpu.memory_space<vmem_shared>>) target(%arg12 : memref<128x64xf32, #tpu.memory_space<vmem>>) target_semaphore(%run_scoped3A : memref<!tpu.dma_semaphore, #tpu.memory_space<semaphore_mem>>)
      %dma_wait3A = arith.constant 0 : i32
      %dma_wait3A_158 = tpu.memref_slice %arg13[%add3A_138, %dma_wait3A] : memref<10240x64xf32, #tpu.memory_space<vmem_shared>> -> memref<128x64xf32, #tpu.memory_space<vmem_shared>>
      %dma_wait3A_159 = arith.constant 0 : i32
      %dma_wait3A_160 = tpu.memref_slice %arg13[%add3A_138, %dma_wait3A_159] : memref<10240x64xf32, #tpu.memory_space<vmem_shared>> -> memref<128x64xf32, #tpu.memory_space<vmem_shared>>
      tpu.wait_dma2 semaphore(%run_scoped3A : memref<!tpu.dma_semaphore, #tpu.memory_space<semaphore_mem>>) src(%dma_wait3A_160 : memref<128x64xf32, #tpu.memory_space<vmem_shared>>) dst(%arg12 : memref<128x64xf32, #tpu.memory_space<vmem>>)
      tpu.yield
    }) : () -> ()
    "tpu.region"() ({
      %run_scoped3A = tpu.sem_alloc : memref<!tpu.dma_semaphore, #tpu.memory_space<semaphore_mem>>
      %dma_start3A = arith.constant 0 : i32
      %dma_start3A_155 = tpu.memref_slice %arg6[%arg0, %add3A_138, %dma_start3A] : memref<2x10240x64xf32, #tpu.memory_space<hbm>> -> memref<1x128x64xf32, #tpu.memory_space<hbm>>
      %dma_start3A_156 = tpu.memref_squeeze %dma_start3A_155 : memref<1x128x64xf32, #tpu.memory_space<hbm>> -> memref<128x64xf32, #tpu.memory_space<hbm>>
      %dma_start3A_157 = arith.constant 0 : i32
      %dma_start3A_158 = tpu.memref_slice %arg6[%arg0, %add3A_138, %dma_start3A_157] : memref<2x10240x64xf32, #tpu.memory_space<hbm>> -> memref<1x128x64xf32, #tpu.memory_space<hbm>>
      %dma_start3A_159 = tpu.memref_squeeze %dma_start3A_158 : memref<1x128x64xf32, #tpu.memory_space<hbm>> -> memref<128x64xf32, #tpu.memory_space<hbm>>
      tpu.enqueue_dma source(%arg12 : memref<128x64xf32, #tpu.memory_space<vmem>>) target(%dma_start3A_159 : memref<128x64xf32, #tpu.memory_space<hbm>>) target_semaphore(%run_scoped3A : memref<!tpu.dma_semaphore, #tpu.memory_space<semaphore_mem>>)
      %dma_wait3A = arith.constant 0 : i32
      %dma_wait3A_160 = tpu.memref_slice %arg6[%arg0, %add3A_138, %dma_wait3A] : memref<2x10240x64xf32, #tpu.memory_space<hbm>> -> memref<1x128x64xf32, #tpu.memory_space<hbm>>
      %dma_wait3A_161 = tpu.memref_squeeze %dma_wait3A_160 : memref<1x128x64xf32, #tpu.memory_space<hbm>> -> memref<128x64xf32, #tpu.memory_space<hbm>>
      %dma_wait3A_162 = arith.constant 0 : i32
      %dma_wait3A_163 = tpu.memref_slice %arg6[%arg0, %add3A_138, %dma_wait3A_162] : memref<2x10240x64xf32, #tpu.memory_space<hbm>> -> memref<1x128x64xf32, #tpu.memory_space<hbm>>
      %dma_wait3A_164 = tpu.memref_squeeze %dma_wait3A_163 : memref<1x128x64xf32, #tpu.memory_space<hbm>> -> memref<128x64xf32, #tpu.memory_space<hbm>>
      tpu.wait_dma2 semaphore(%run_scoped3A : memref<!tpu.dma_semaphore, #tpu.memory_space<semaphore_mem>>) src(%arg12 : memref<128x64xf32, #tpu.memory_space<vmem>>) dst(%dma_wait3A_164 : memref<128x64xf32, #tpu.memory_space<hbm>>)
      tpu.yield
    }) : () -> ()
    %mul3A_139 = arith.constant 640 : i32
    %mul3A_140 = arith.muli %arg1, %mul3A_139 : i32
    %add3A_141 = arith.constant 128 : i32
    %add3A_142 = arith.addi %mul3A_140, %add3A_141 : i32
    "tpu.region"() ({
      %run_scoped3A = tpu.sem_alloc : memref<!tpu.dma_semaphore, #tpu.memory_space<semaphore_mem>>
      %dma_start3A = arith.constant 0 : i32
      %dma_start3A_155 = tpu.memref_slice %arg13[%add3A_142, %dma_start3A] : memref<10240x64xf32, #tpu.memory_space<vmem_shared>> -> memref<128x64xf32, #tpu.memory_space<vmem_shared>>
      %dma_start3A_156 = arith.constant 0 : i32
      %dma_start3A_157 = tpu.memref_slice %arg13[%add3A_142, %dma_start3A_156] : memref<10240x64xf32, #tpu.memory_space<vmem_shared>> -> memref<128x64xf32, #tpu.memory_space<vmem_shared>>
      tpu.enqueue_dma source(%dma_start3A_157 : memref<128x64xf32, #tpu.memory_space<vmem_shared>>) target(%arg12 : memref<128x64xf32, #tpu.memory_space<vmem>>) target_semaphore(%run_scoped3A : memref<!tpu.dma_semaphore, #tpu.memory_space<semaphore_mem>>)
      %dma_wait3A = arith.constant 0 : i32
      %dma_wait3A_158 = tpu.memref_slice %arg13[%add3A_142, %dma_wait3A] : memref<10240x64xf32, #tpu.memory_space<vmem_shared>> -> memref<128x64xf32, #tpu.memory_space<vmem_shared>>
      %dma_wait3A_159 = arith.constant 0 : i32
      %dma_wait3A_160 = tpu.memref_slice %arg13[%add3A_142, %dma_wait3A_159] : memref<10240x64xf32, #tpu.memory_space<vmem_shared>> -> memref<128x64xf32, #tpu.memory_space<vmem_shared>>
      tpu.wait_dma2 semaphore(%run_scoped3A : memref<!tpu.dma_semaphore, #tpu.memory_space<semaphore_mem>>) src(%dma_wait3A_160 : memref<128x64xf32, #tpu.memory_space<vmem_shared>>) dst(%arg12 : memref<128x64xf32, #tpu.memory_space<vmem>>)
      tpu.yield
    }) : () -> ()
    "tpu.region"() ({
      %run_scoped3A = tpu.sem_alloc : memref<!tpu.dma_semaphore, #tpu.memory_space<semaphore_mem>>
      %dma_start3A = arith.constant 0 : i32
      %dma_start3A_155 = tpu.memref_slice %arg6[%arg0, %add3A_142, %dma_start3A] : memref<2x10240x64xf32, #tpu.memory_space<hbm>> -> memref<1x128x64xf32, #tpu.memory_space<hbm>>
      %dma_start3A_156 = tpu.memref_squeeze %dma_start3A_155 : memref<1x128x64xf32, #tpu.memory_space<hbm>> -> memref<128x64xf32, #tpu.memory_space<hbm>>
      %dma_start3A_157 = arith.constant 0 : i32
      %dma_start3A_158 = tpu.memref_slice %arg6[%arg0, %add3A_142, %dma_start3A_157] : memref<2x10240x64xf32, #tpu.memory_space<hbm>> -> memref<1x128x64xf32, #tpu.memory_space<hbm>>
      %dma_start3A_159 = tpu.memref_squeeze %dma_start3A_158 : memref<1x128x64xf32, #tpu.memory_space<hbm>> -> memref<128x64xf32, #tpu.memory_space<hbm>>
      tpu.enqueue_dma source(%arg12 : memref<128x64xf32, #tpu.memory_space<vmem>>) target(%dma_start3A_159 : memref<128x64xf32, #tpu.memory_space<hbm>>) target_semaphore(%run_scoped3A : memref<!tpu.dma_semaphore, #tpu.memory_space<semaphore_mem>>)
      %dma_wait3A = arith.constant 0 : i32
      %dma_wait3A_160 = tpu.memref_slice %arg6[%arg0, %add3A_142, %dma_wait3A] : memref<2x10240x64xf32, #tpu.memory_space<hbm>> -> memref<1x128x64xf32, #tpu.memory_space<hbm>>
      %dma_wait3A_161 = tpu.memref_squeeze %dma_wait3A_160 : memref<1x128x64xf32, #tpu.memory_space<hbm>> -> memref<128x64xf32, #tpu.memory_space<hbm>>
      %dma_wait3A_162 = arith.constant 0 : i32
      %dma_wait3A_163 = tpu.memref_slice %arg6[%arg0, %add3A_142, %dma_wait3A_162] : memref<2x10240x64xf32, #tpu.memory_space<hbm>> -> memref<1x128x64xf32, #tpu.memory_space<hbm>>
      %dma_wait3A_164 = tpu.memref_squeeze %dma_wait3A_163 : memref<1x128x64xf32, #tpu.memory_space<hbm>> -> memref<128x64xf32, #tpu.memory_space<hbm>>
      tpu.wait_dma2 semaphore(%run_scoped3A : memref<!tpu.dma_semaphore, #tpu.memory_space<semaphore_mem>>) src(%arg12 : memref<128x64xf32, #tpu.memory_space<vmem>>) dst(%dma_wait3A_164 : memref<128x64xf32, #tpu.memory_space<hbm>>)
      tpu.yield
    }) : () -> ()
    %mul3A_143 = arith.constant 640 : i32
    %mul3A_144 = arith.muli %arg1, %mul3A_143 : i32
    %add3A_145 = arith.constant 256 : i32
    %add3A_146 = arith.addi %mul3A_144, %add3A_145 : i32
    "tpu.region"() ({
      %run_scoped3A = tpu.sem_alloc : memref<!tpu.dma_semaphore, #tpu.memory_space<semaphore_mem>>
      %dma_start3A = arith.constant 0 : i32
      %dma_start3A_155 = tpu.memref_slice %arg13[%add3A_146, %dma_start3A] : memref<10240x64xf32, #tpu.memory_space<vmem_shared>> -> memref<128x64xf32, #tpu.memory_space<vmem_shared>>
      %dma_start3A_156 = arith.constant 0 : i32
      %dma_start3A_157 = tpu.memref_slice %arg13[%add3A_146, %dma_start3A_156] : memref<10240x64xf32, #tpu.memory_space<vmem_shared>> -> memref<128x64xf32, #tpu.memory_space<vmem_shared>>
      tpu.enqueue_dma source(%dma_start3A_157 : memref<128x64xf32, #tpu.memory_space<vmem_shared>>) target(%arg12 : memref<128x64xf32, #tpu.memory_space<vmem>>) target_semaphore(%run_scoped3A : memref<!tpu.dma_semaphore, #tpu.memory_space<semaphore_mem>>)
      %dma_wait3A = arith.constant 0 : i32
      %dma_wait3A_158 = tpu.memref_slice %arg13[%add3A_146, %dma_wait3A] : memref<10240x64xf32, #tpu.memory_space<vmem_shared>> -> memref<128x64xf32, #tpu.memory_space<vmem_shared>>
      %dma_wait3A_159 = arith.constant 0 : i32
      %dma_wait3A_160 = tpu.memref_slice %arg13[%add3A_146, %dma_wait3A_159] : memref<10240x64xf32, #tpu.memory_space<vmem_shared>> -> memref<128x64xf32, #tpu.memory_space<vmem_shared>>
      tpu.wait_dma2 semaphore(%run_scoped3A : memref<!tpu.dma_semaphore, #tpu.memory_space<semaphore_mem>>) src(%dma_wait3A_160 : memref<128x64xf32, #tpu.memory_space<vmem_shared>>) dst(%arg12 : memref<128x64xf32, #tpu.memory_space<vmem>>)
      tpu.yield
    }) : () -> ()
    "tpu.region"() ({
      %run_scoped3A = tpu.sem_alloc : memref<!tpu.dma_semaphore, #tpu.memory_space<semaphore_mem>>
      %dma_start3A = arith.constant 0 : i32
      %dma_start3A_155 = tpu.memref_slice %arg6[%arg0, %add3A_146, %dma_start3A] : memref<2x10240x64xf32, #tpu.memory_space<hbm>> -> memref<1x128x64xf32, #tpu.memory_space<hbm>>
      %dma_start3A_156 = tpu.memref_squeeze %dma_start3A_155 : memref<1x128x64xf32, #tpu.memory_space<hbm>> -> memref<128x64xf32, #tpu.memory_space<hbm>>
      %dma_start3A_157 = arith.constant 0 : i32
      %dma_start3A_158 = tpu.memref_slice %arg6[%arg0, %add3A_146, %dma_start3A_157] : memref<2x10240x64xf32, #tpu.memory_space<hbm>> -> memref<1x128x64xf32, #tpu.memory_space<hbm>>
      %dma_start3A_159 = tpu.memref_squeeze %dma_start3A_158 : memref<1x128x64xf32, #tpu.memory_space<hbm>> -> memref<128x64xf32, #tpu.memory_space<hbm>>
      tpu.enqueue_dma source(%arg12 : memref<128x64xf32, #tpu.memory_space<vmem>>) target(%dma_start3A_159 : memref<128x64xf32, #tpu.memory_space<hbm>>) target_semaphore(%run_scoped3A : memref<!tpu.dma_semaphore, #tpu.memory_space<semaphore_mem>>)
      %dma_wait3A = arith.constant 0 : i32
      %dma_wait3A_160 = tpu.memref_slice %arg6[%arg0, %add3A_146, %dma_wait3A] : memref<2x10240x64xf32, #tpu.memory_space<hbm>> -> memref<1x128x64xf32, #tpu.memory_space<hbm>>
      %dma_wait3A_161 = tpu.memref_squeeze %dma_wait3A_160 : memref<1x128x64xf32, #tpu.memory_space<hbm>> -> memref<128x64xf32, #tpu.memory_space<hbm>>
      %dma_wait3A_162 = arith.constant 0 : i32
      %dma_wait3A_163 = tpu.memref_slice %arg6[%arg0, %add3A_146, %dma_wait3A_162] : memref<2x10240x64xf32, #tpu.memory_space<hbm>> -> memref<1x128x64xf32, #tpu.memory_space<hbm>>
      %dma_wait3A_164 = tpu.memref_squeeze %dma_wait3A_163 : memref<1x128x64xf32, #tpu.memory_space<hbm>> -> memref<128x64xf32, #tpu.memory_space<hbm>>
      tpu.wait_dma2 semaphore(%run_scoped3A : memref<!tpu.dma_semaphore, #tpu.memory_space<semaphore_mem>>) src(%arg12 : memref<128x64xf32, #tpu.memory_space<vmem>>) dst(%dma_wait3A_164 : memref<128x64xf32, #tpu.memory_space<hbm>>)
      tpu.yield
    }) : () -> ()
    %mul3A_147 = arith.constant 640 : i32
    %mul3A_148 = arith.muli %arg1, %mul3A_147 : i32
    %add3A_149 = arith.constant 384 : i32
    %add3A_150 = arith.addi %mul3A_148, %add3A_149 : i32
    "tpu.region"() ({
      %run_scoped3A = tpu.sem_alloc : memref<!tpu.dma_semaphore, #tpu.memory_space<semaphore_mem>>
      %dma_start3A = arith.constant 0 : i32
      %dma_start3A_155 = tpu.memref_slice %arg13[%add3A_150, %dma_start3A] : memref<10240x64xf32, #tpu.memory_space<vmem_shared>> -> memref<128x64xf32, #tpu.memory_space<vmem_shared>>
      %dma_start3A_156 = arith.constant 0 : i32
      %dma_start3A_157 = tpu.memref_slice %arg13[%add3A_150, %dma_start3A_156] : memref<10240x64xf32, #tpu.memory_space<vmem_shared>> -> memref<128x64xf32, #tpu.memory_space<vmem_shared>>
      tpu.enqueue_dma source(%dma_start3A_157 : memref<128x64xf32, #tpu.memory_space<vmem_shared>>) target(%arg12 : memref<128x64xf32, #tpu.memory_space<vmem>>) target_semaphore(%run_scoped3A : memref<!tpu.dma_semaphore, #tpu.memory_space<semaphore_mem>>)
      %dma_wait3A = arith.constant 0 : i32
      %dma_wait3A_158 = tpu.memref_slice %arg13[%add3A_150, %dma_wait3A] : memref<10240x64xf32, #tpu.memory_space<vmem_shared>> -> memref<128x64xf32, #tpu.memory_space<vmem_shared>>
      %dma_wait3A_159 = arith.constant 0 : i32
      %dma_wait3A_160 = tpu.memref_slice %arg13[%add3A_150, %dma_wait3A_159] : memref<10240x64xf32, #tpu.memory_space<vmem_shared>> -> memref<128x64xf32, #tpu.memory_space<vmem_shared>>
      tpu.wait_dma2 semaphore(%run_scoped3A : memref<!tpu.dma_semaphore, #tpu.memory_space<semaphore_mem>>) src(%dma_wait3A_160 : memref<128x64xf32, #tpu.memory_space<vmem_shared>>) dst(%arg12 : memref<128x64xf32, #tpu.memory_space<vmem>>)
      tpu.yield
    }) : () -> ()
    "tpu.region"() ({
      %run_scoped3A = tpu.sem_alloc : memref<!tpu.dma_semaphore, #tpu.memory_space<semaphore_mem>>
      %dma_start3A = arith.constant 0 : i32
      %dma_start3A_155 = tpu.memref_slice %arg6[%arg0, %add3A_150, %dma_start3A] : memref<2x10240x64xf32, #tpu.memory_space<hbm>> -> memref<1x128x64xf32, #tpu.memory_space<hbm>>
      %dma_start3A_156 = tpu.memref_squeeze %dma_start3A_155 : memref<1x128x64xf32, #tpu.memory_space<hbm>> -> memref<128x64xf32, #tpu.memory_space<hbm>>
      %dma_start3A_157 = arith.constant 0 : i32
      %dma_start3A_158 = tpu.memref_slice %arg6[%arg0, %add3A_150, %dma_start3A_157] : memref<2x10240x64xf32, #tpu.memory_space<hbm>> -> memref<1x128x64xf32, #tpu.memory_space<hbm>>
      %dma_start3A_159 = tpu.memref_squeeze %dma_start3A_158 : memref<1x128x64xf32, #tpu.memory_space<hbm>> -> memref<128x64xf32, #tpu.memory_space<hbm>>
      tpu.enqueue_dma source(%arg12 : memref<128x64xf32, #tpu.memory_space<vmem>>) target(%dma_start3A_159 : memref<128x64xf32, #tpu.memory_space<hbm>>) target_semaphore(%run_scoped3A : memref<!tpu.dma_semaphore, #tpu.memory_space<semaphore_mem>>)
      %dma_wait3A = arith.constant 0 : i32
      %dma_wait3A_160 = tpu.memref_slice %arg6[%arg0, %add3A_150, %dma_wait3A] : memref<2x10240x64xf32, #tpu.memory_space<hbm>> -> memref<1x128x64xf32, #tpu.memory_space<hbm>>
      %dma_wait3A_161 = tpu.memref_squeeze %dma_wait3A_160 : memref<1x128x64xf32, #tpu.memory_space<hbm>> -> memref<128x64xf32, #tpu.memory_space<hbm>>
      %dma_wait3A_162 = arith.constant 0 : i32
      %dma_wait3A_163 = tpu.memref_slice %arg6[%arg0, %add3A_150, %dma_wait3A_162] : memref<2x10240x64xf32, #tpu.memory_space<hbm>> -> memref<1x128x64xf32, #tpu.memory_space<hbm>>
      %dma_wait3A_164 = tpu.memref_squeeze %dma_wait3A_163 : memref<1x128x64xf32, #tpu.memory_space<hbm>> -> memref<128x64xf32, #tpu.memory_space<hbm>>
      tpu.wait_dma2 semaphore(%run_scoped3A : memref<!tpu.dma_semaphore, #tpu.memory_space<semaphore_mem>>) src(%arg12 : memref<128x64xf32, #tpu.memory_space<vmem>>) dst(%dma_wait3A_164 : memref<128x64xf32, #tpu.memory_space<hbm>>)
      tpu.yield
    }) : () -> ()
    %mul3A_151 = arith.constant 640 : i32
    %mul3A_152 = arith.muli %arg1, %mul3A_151 : i32
    %add3A_153 = arith.constant 512 : i32
    %add3A_154 = arith.addi %mul3A_152, %add3A_153 : i32
    "tpu.region"() ({
      %run_scoped3A = tpu.sem_alloc : memref<!tpu.dma_semaphore, #tpu.memory_space<semaphore_mem>>
      %dma_start3A = arith.constant 0 : i32
      %dma_start3A_155 = tpu.memref_slice %arg13[%add3A_154, %dma_start3A] : memref<10240x64xf32, #tpu.memory_space<vmem_shared>> -> memref<128x64xf32, #tpu.memory_space<vmem_shared>>
      %dma_start3A_156 = arith.constant 0 : i32
      %dma_start3A_157 = tpu.memref_slice %arg13[%add3A_154, %dma_start3A_156] : memref<10240x64xf32, #tpu.memory_space<vmem_shared>> -> memref<128x64xf32, #tpu.memory_space<vmem_shared>>
      tpu.enqueue_dma source(%dma_start3A_157 : memref<128x64xf32, #tpu.memory_space<vmem_shared>>) target(%arg12 : memref<128x64xf32, #tpu.memory_space<vmem>>) target_semaphore(%run_scoped3A : memref<!tpu.dma_semaphore, #tpu.memory_space<semaphore_mem>>)
      %dma_wait3A = arith.constant 0 : i32
      %dma_wait3A_158 = tpu.memref_slice %arg13[%add3A_154, %dma_wait3A] : memref<10240x64xf32, #tpu.memory_space<vmem_shared>> -> memref<128x64xf32, #tpu.memory_space<vmem_shared>>
      %dma_wait3A_159 = arith.constant 0 : i32
      %dma_wait3A_160 = tpu.memref_slice %arg13[%add3A_154, %dma_wait3A_159] : memref<10240x64xf32, #tpu.memory_space<vmem_shared>> -> memref<128x64xf32, #tpu.memory_space<vmem_shared>>
      tpu.wait_dma2 semaphore(%run_scoped3A : memref<!tpu.dma_semaphore, #tpu.memory_space<semaphore_mem>>) src(%dma_wait3A_160 : memref<128x64xf32, #tpu.memory_space<vmem_shared>>) dst(%arg12 : memref<128x64xf32, #tpu.memory_space<vmem>>)
      tpu.yield
    }) : () -> ()
    "tpu.region"() ({
      %run_scoped3A = tpu.sem_alloc : memref<!tpu.dma_semaphore, #tpu.memory_space<semaphore_mem>>
      %dma_start3A = arith.constant 0 : i32
      %dma_start3A_155 = tpu.memref_slice %arg6[%arg0, %add3A_154, %dma_start3A] : memref<2x10240x64xf32, #tpu.memory_space<hbm>> -> memref<1x128x64xf32, #tpu.memory_space<hbm>>
      %dma_start3A_156 = tpu.memref_squeeze %dma_start3A_155 : memref<1x128x64xf32, #tpu.memory_space<hbm>> -> memref<128x64xf32, #tpu.memory_space<hbm>>
      %dma_start3A_157 = arith.constant 0 : i32
      %dma_start3A_158 = tpu.memref_slice %arg6[%arg0, %add3A_154, %dma_start3A_157] : memref<2x10240x64xf32, #tpu.memory_space<hbm>> -> memref<1x128x64xf32, #tpu.memory_space<hbm>>
      %dma_start3A_159 = tpu.memref_squeeze %dma_start3A_158 : memref<1x128x64xf32, #tpu.memory_space<hbm>> -> memref<128x64xf32, #tpu.memory_space<hbm>>
      tpu.enqueue_dma source(%arg12 : memref<128x64xf32, #tpu.memory_space<vmem>>) target(%dma_start3A_159 : memref<128x64xf32, #tpu.memory_space<hbm>>) target_semaphore(%run_scoped3A : memref<!tpu.dma_semaphore, #tpu.memory_space<semaphore_mem>>)
      %dma_wait3A = arith.constant 0 : i32
      %dma_wait3A_160 = tpu.memref_slice %arg6[%arg0, %add3A_154, %dma_wait3A] : memref<2x10240x64xf32, #tpu.memory_space<hbm>> -> memref<1x128x64xf32, #tpu.memory_space<hbm>>
      %dma_wait3A_161 = tpu.memref_squeeze %dma_wait3A_160 : memref<1x128x64xf32, #tpu.memory_space<hbm>> -> memref<128x64xf32, #tpu.memory_space<hbm>>
      %dma_wait3A_162 = arith.constant 0 : i32
      %dma_wait3A_163 = tpu.memref_slice %arg6[%arg0, %add3A_154, %dma_wait3A_162] : memref<2x10240x64xf32, #tpu.memory_space<hbm>> -> memref<1x128x64xf32, #tpu.memory_space<hbm>>
      %dma_wait3A_164 = tpu.memref_squeeze %dma_wait3A_163 : memref<1x128x64xf32, #tpu.memory_space<hbm>> -> memref<128x64xf32, #tpu.memory_space<hbm>>
      tpu.wait_dma2 semaphore(%run_scoped3A : memref<!tpu.dma_semaphore, #tpu.memory_space<semaphore_mem>>) src(%arg12 : memref<128x64xf32, #tpu.memory_space<vmem>>) dst(%dma_wait3A_164 : memref<128x64xf32, #tpu.memory_space<hbm>>)
      tpu.yield
    }) : () -> ()
    return
  }
}

module attributes {stable_mosaic.version = 14 : i64} {
  func.func @_h_body(%arg0: i32, %arg1: i32, %arg2: memref<10000x128xf32, #tpu.memory_space<vmem>>, %arg3: memref<1x64x128xf32, #tpu.memory_space<vmem>>, %arg4: memref<1x1x10000x64xf32, #tpu.memory_space<vmem>>) attributes {dimension_semantics = [#tpu.dimension_semantics<arbitrary>, #tpu.dimension_semantics<arbitrary>], iteration_bounds = array<i64: 2, 8>, scalar_prefetch = 0 : i64, scratch_operands = 0 : i64, tpu.core_type = #tpu.core_type<tc>, window_params = [{pipeline_mode = #tpu.pipeline_mode<synchronous>, transform_indices = @transform_0, window_bounds = array<i64: 10000, 128>}, {transform_indices = @transform_1, window_bounds = array<i64: 1, 64, 128>}, {transform_indices = @transform_2, window_bounds = array<i64: 1, 1, 10000, 64>}]} {
    %get3A = arith.constant 0 : index
    %get3A_0 = arith.constant 0 : index
    %get3A_1 = vector.load %arg2[%get3A, %get3A_0] : memref<10000x128xf32, #tpu.memory_space<vmem>>, vector<10000x128xf32>
    %get3A_2 = arith.constant 0 : index
    %get3A_3 = arith.constant 0 : index
    %get3A_4 = arith.constant 0 : index
    %get3A_5 = vector.load %arg3[%get3A_2, %get3A_3, %get3A_4] : memref<1x64x128xf32, #tpu.memory_space<vmem>>, vector<1x64x128xf32>
    %get3A_6 = vector.shape_cast %get3A_5 : vector<1x64x128xf32> to vector<64x128xf32>
    %dot_general3A = arith.constant dense<0.000000e+00> : vector<10000x64xf32>
    %dot_general3A_7 = tpu.matmul %get3A_1, %get3A_6, %dot_general3A {dimension_numbers = #tpu.dot_dimension_numbers<[1], [1], [0], [0], [0, 0, 1, 0], [], []>, transpose_lhs_hint = false} : vector<10000x128xf32>, vector<64x128xf32>, vector<10000x64xf32> -> vector<10000x64xf32>
    %swap3A = arith.constant 0 : index
    %swap3A_8 = arith.constant 0 : index
    %swap3A_9 = arith.constant 0 : index
    %swap3A_10 = arith.constant 0 : index
    %swap3A_11 = vector.load %arg4[%swap3A, %swap3A_8, %swap3A_9, %swap3A_10] : memref<1x1x10000x64xf32, #tpu.memory_space<vmem>>, vector<1x1x10000x64xf32>
    %swap3A_12 = vector.shape_cast %swap3A_11 : vector<1x1x10000x64xf32> to vector<10000x64xf32>
    %swap3A_13 = vector.shape_cast %dot_general3A_7 : vector<10000x64xf32> to vector<1x1x10000x64xf32>
    tpu.vector_store %arg4[%swap3A, %swap3A_8, %swap3A_9, %swap3A_10], %swap3A_13 {strides = array<i32>} : memref<1x1x10000x64xf32, #tpu.memory_space<vmem>>, vector<1x1x10000x64xf32>,
    return
  }
  func.func @transform_0(%arg0: i32, %arg1: i32) -> (i32, i32) {
    %c0_i32 = arith.constant 0 : i32
    %c0_i32_0 = arith.constant 0 : i32
    %c0_i32_1 = arith.constant 0 : i32
    return %c0_i32, %c0_i32_0 : i32, i32
  }
  func.func @transform_1(%arg0: i32, %arg1: i32) -> (i32, i32, i32) {
    %c0_i32 = arith.constant 0 : i32
    %c0_i32_0 = arith.constant 0 : i32
    return %arg1, %arg0, %c0_i32 : i32, i32, i32
  }
  func.func @transform_2(%arg0: i32, %arg1: i32) -> (i32, i32, i32, i32) {
    %c0_i32 = arith.constant 0 : i32
    %c0_i32_0 = arith.constant 0 : i32
    %c0_i32_1 = arith.constant 0 : i32
    return %arg0, %arg1, %c0_i32, %c0_i32_0 : i32, i32, i32, i32
  }
}

module attributes {stable_mosaic.version = 14 : i64} {
  func.func @_cat_body(%arg0: i32, %arg1: memref<2x1000x64xf32, #tpu.memory_space<vmem>>, %arg2: memref<1000x128xf32, #tpu.memory_space<vmem>>) attributes {dimension_semantics = [#tpu.dimension_semantics<arbitrary>], iteration_bounds = array<i64: 10>, scalar_prefetch = 0 : i64, scratch_operands = 0 : i64, tpu.core_type = #tpu.core_type<tc>, window_params = [{transform_indices = @transform_0, window_bounds = array<i64: 2, 1000, 64>}, {transform_indices = @transform_1, window_bounds = array<i64: 1000, 128>}]} {
    %get3A = arith.constant 0 : index
    %get3A_0 = arith.constant 0 : index
    %get3A_1 = arith.constant 0 : index
    %get3A_2 = vector.load %arg1[%get3A, %get3A_0, %get3A_1] : memref<2x1000x64xf32, #tpu.memory_space<vmem>>, vector<1x1000x64xf32>
    %get3A_3 = vector.shape_cast %get3A_2 : vector<1x1000x64xf32> to vector<1000x64xf32>
    %swap3A = arith.constant 0 : index
    %swap3A_4 = arith.constant 0 : index
    %swap3A_5 = vector.load %arg2[%swap3A, %swap3A_4] : memref<1000x128xf32, #tpu.memory_space<vmem>>, vector<1000x64xf32>
    tpu.vector_store %arg2[%swap3A, %swap3A_4], %get3A_3 {strides = array<i32>} : memref<1000x128xf32, #tpu.memory_space<vmem>>, vector<1000x64xf32>,
    %get3A_6 = arith.constant 1 : index
    %get3A_7 = arith.constant 0 : index
    %get3A_8 = arith.constant 0 : index
    %get3A_9 = vector.load %arg1[%get3A_6, %get3A_7, %get3A_8] : memref<2x1000x64xf32, #tpu.memory_space<vmem>>, vector<1x1000x64xf32>
    %get3A_10 = vector.shape_cast %get3A_9 : vector<1x1000x64xf32> to vector<1000x64xf32>
    %swap3A_11 = arith.constant 0 : index
    %swap3A_12 = arith.constant 64 : index
    %swap3A_13 = vector.load %arg2[%swap3A_11, %swap3A_12] : memref<1000x128xf32, #tpu.memory_space<vmem>>, vector<1000x64xf32>
    tpu.vector_store %arg2[%swap3A_11, %swap3A_12], %get3A_10 {strides = array<i32>} : memref<1000x128xf32, #tpu.memory_space<vmem>>, vector<1000x64xf32>,
    return
  }
  func.func @transform_0(%arg0: i32) -> (i32, i32, i32) {
    %c0_i32 = arith.constant 0 : i32
    %c0_i32_0 = arith.constant 0 : i32
    %c0_i32_1 = arith.constant 0 : i32
    return %c0_i32, %arg0, %c0_i32_0 : i32, i32, i32
  }
  func.func @transform_1(%arg0: i32) -> (i32, i32) {
    %c0_i32 = arith.constant 0 : i32
    %c0_i32_0 = arith.constant 0 : i32
    return %arg0, %c0_i32 : i32, i32
  }
}

</mosaic_0001>

<sc_bundles>
// kernel: kernel.5.cloned.1.call-start
scs
__scs_entry_jumppad:
0x0: {  	(pc) =	sbr.rel $0x88, $3  }
0x1: {  	(tag) =	ssettag $0x0;
	lr =	simm.s32 $0x1  }
0x2: {  	[smem:$0x3F9D] =	sst lr;
	_ =	strace $0xD0000000  }
0x3: {  	_ = 	snop  }
0x4: {  	_ = 	snop  }
0x5: {  	_ = 	snop  }
0x6: {  	_ = 	snop  }
0x7: {  	_ = 	snop  }
__scs_overlays_trampoline_lowered:
0x8: {  	[smem:$0x3FAC] =	sst s0  }
0x9: {  	[smem:$0x3FAD] =	sst s1  }
0xa: {  	[smem:$0x3FAE] =	sst s2  }
0xb: {  	[smem:$0x3FAF] =	sst s3  }
0xc: {  	[smem:$0x3FB0] =	sst s4  }
0xd: {  	[smem:$0x3FB1] =	sst s5  }
0xe: {  	[smem:$0x3FB2] =	sst s6  }
0xf: {  	[smem:$0x3FB3] =	sst s7  }
0x10: {  	[smem:$0x3FB4] =	sst s8  }
0x11: {  	[smem:$0x3FB5] =	sst s9;
	s0 =	simm.s32 @!p0 $0x0  }
0x12: {  	s1 =	sld [smem:$0x3F9B];
	s0 =	simm.s32 @p0 $0x1  }
0x13: {  	[smem:$0x3FB6] =	sst s0;
	s0 =	simm.s32 @!p1 $0x0  }
0x14: {  	s2 =	sld [smem:$0x3F9A];
	s0 =	simm.s32 @p1 $0x1  }
0x15: {  	[smem:$0x3FB7] =	sst s0;
	s0 =	simm.s32 @!p2 $0x0  }
0x16: {  	s3 =	sld [smem:$0x3FDB];
	s0 =	simm.s32 @p2 $0x1  }
0x17: {  	s4 =	simm.s32 $0x1BF5;
	[smem:$0x3FB9] =	sst s0  }
0x18: {  	s0 =	sld [smem:$0x3F9C];
	_ =	swait.ge [sflag:s4], $0x0  }
0x19: {  	s7 =	sld [smem:$0x3F9D]  }
0x1a: {  	s8 =	sadd.s32 $0xFFFFE003, lr  }
0x1b: {  	s9 =	sadd.s32 $0xFFFFFEF7, lr;
	s5 =	simm.s32 $0xFFFFFFFF;
	p2 =	slt.u32 s8, $0xFFFFF086  }
0x1c: {  	p1 =	slt.u32 s9, $0xF7A;
	s5 =	simm.s32 @!p2 $0x0  }
0x1d: {  	s5 =	simm.s32 @p1 $0x1;
	p0 =	seq.s32 s7, s2  }
0x1e: {  	s7 =	smul.u32 @!p0 $0xF7A, s2;
	p2 =	seq.s32 @!p0 s5, $0x0  }
0x1f: {  	s9 =	smul.u32 $0xF7A, s1;
	s8 =	simm.s32 @!p0 $0x1BF5;
	p2 =	por !p2, p0  }
0x20: {  	[sflag:s8] =	ssyncset.s32 @!p0 $0xFFFFF086;
	s6 =	sadd.s32 @!p0 s3, s7;
	s7 =	simm.s32 @!p0 $0x108  }
0x21: {  	s3 =	sadd.s32 s3, s9;
	s6 =	sadd.s32 @!p0 $0x88, s6;
	s7 =	simm.s32 @p2 $0x1082  }
0x22: {  	[simem:s7], [sflag:s8] =	dma.local @!p0 [hbm:s6], $0xF7A  }
0x23: {  	s9 =	sor.u32 $0xD0000000, s2;
	s6 =	simm.s32 $0x108;
	_ =	swait.ge @!p0 [sflag:s8], $0x0  }
0x24: {  	s3 =	sadd.s32 $0x88, s3;
	s6 =	simm.s32 @!p1 $0x1082;
	[sflag:s4] =	ssyncset.s32 $0xFFFFF086  }
0x25: {  	[simem:s6], [sflag:s4] =	dma.local [hbm:s3], $0xF7A  }
0x26: {  	[smem:$0x3F9D] =	sst s1;
	(tag) =	ssettag s2;
	_ =	strace s9  }
0x27: {  	s1 =	sld [smem:$0x3FAD]  }
0x28: {  	s2 =	sld [smem:$0x3FAE]  }
0x29: {  	s4 =	sld [smem:$0x3FB0]  }
0x2a: {  	p0 =	seq.s32 s5, $0x0;
	s5 =	sld [smem:$0x3FB1]  }
0x2b: {  	s6 =	sld [smem:$0x3FB2]  }
0x2c: {  	s7 =	sld [smem:$0x3FB3]  }
0x2d: {  	s3 =	simm.s32 $0x108;
	s8 =	sld [smem:$0x3FB4]  }
0x2e: {  	s3 =	simm.s32 @!p0 $0x1082;
	s9 =	sld [smem:$0x3FB5]  }
0x2f: {  	lr =	sadd.s32 s0, s3;
	s0 =	sld [smem:$0x3FAC]  }
0x30: {  	s3 =	sld [smem:$0x3FAF]  }
0x31: {  	[smem:$0x3FB8] =	sst s10  }
0x32: {  	s10 =	sld [smem:$0x3FB6];
	_ =	sdelay $0x3  }
0x33: {  	p0 =	seq.s32 s10, $0x1;
	s10 =	sld [smem:$0x3FB8];
	_ =	sdelay $0x3  }
0x34: {  	[smem:$0x3FB8] =	sst s10  }
0x35: {  	s10 =	sld [smem:$0x3FB7];
	_ =	sdelay $0x3  }
0x36: {  	p1 =	seq.s32 s10, $0x1;
	s10 =	sld [smem:$0x3FB8];
	_ =	sdelay $0x3  }
0x37: {  	[smem:$0x3FB8] =	sst s10  }
0x38: {  	s10 =	sld [smem:$0x3FB9]  }
0x39: {  	_ = 	snop;
	(pc) =	sbr.ind lr, $3  }
0x3a: {  	_ = 	snop  }
0x3b: {  	_ = 	snop  }
0x3c: {  	p2 =	seq.s32 s10, $0x1;
	s10 =	sld [smem:$0x3FB8]  }
0x3d: {  	_ =	shalt  }
0x3e: {  	_ =	shalt  }
0x3f: {  	_ =	shalt  }
0x40: {  	_ =	shalt  }
0x41: {  	_ =	shalt  }
0x42: {  	_ =	shalt  }
0x43: {  	_ =	shalt  }
0x44: {  	_ =	shalt  }
0x45: {  	_ =	shalt  }
0x46: {  	_ =	shalt  }
0x47: {  	_ =	shalt  }
0x48: {  	_ =	shalt  }
0x49: {  	_ =	shalt  }
0x4a: {  	_ =	shalt  }
0x4b: {  	_ =	shalt  }
0x4c: {  	_ =	shalt  }
0x4d: {  	_ =	shalt  }
0x4e: {  	_ =	shalt  }
0x4f: {  	_ =	shalt  }
0x50: {  	_ =	shalt  }
0x51: {  	_ =	shalt  }
0x52: {  	_ =	shalt  }
0x53: {  	_ =	shalt  }
0x54: {  	_ =	shalt  }
0x55: {  	_ =	shalt  }
0x56: {  	_ =	shalt  }
0x57: {  	_ =	shalt  }
0x58: {  	_ =	shalt  }
0x59: {  	_ =	shalt  }
0x5a: {  	_ =	shalt  }
0x5b: {  	_ =	shalt  }
0x5c: {  	_ =	shalt  }
0x5d: {  	_ =	shalt  }
0x5e: {  	_ =	shalt  }
0x5f: {  	_ =	shalt  }
0x60: {  	_ =	shalt  }
0x61: {  	_ =	shalt  }
0x62: {  	_ =	shalt  }
0x63: {  	_ =	shalt  }
0x64: {  	_ =	shalt  }
0x65: {  	_ =	shalt  }
0x66: {  	_ =	shalt  }
0x67: {  	_ =	shalt  }
0x68: {  	_ =	shalt  }
0x69: {  	_ =	shalt  }
0x6a: {  	_ =	shalt  }
0x6b: {  	_ =	shalt  }
0x6c: {  	_ =	shalt  }
0x6d: {  	_ =	shalt  }
0x6e: {  	_ =	shalt  }
0x6f: {  	_ =	shalt  }
0x70: {  	_ =	shalt  }
0x71: {  	_ =	shalt  }
0x72: {  	_ =	shalt  }
0x73: {  	_ =	shalt  }
0x74: {  	_ =	shalt  }
0x75: {  	_ =	shalt  }
0x76: {  	_ =	shalt  }
0x77: {  	_ =	shalt  }
0x78: {  	_ =	shalt  }
0x79: {  	_ =	shalt  }
0x7a: {  	_ =	shalt  }
0x7b: {  	_ =	shalt  }
0x7c: {  	_ =	shalt  }
0x7d: {  	_ =	shalt  }
0x7e: {  	_ =	shalt  }
0x7f: {  	_ =	shalt  }
0x80: {  	_ =	shalt  }
0x81: {  	_ =	shalt  }
0x82: {  	_ =	shalt  }
0x83: {  	_ =	shalt  }
0x84: {  	_ =	shalt  }
0x85: {  	_ =	shalt  }
0x86: {  	_ =	shalt  }
0x87: {  	_ =	shalt  }
.Lfunc_end0:
.L_simem_size_0:
called_computation_lowered:
.L_overlay_start_0:
0x88: {  	s2 =	sld [smem:$0x3FD9]  }
0x89: {  	s3 =	sld [smem:$0x3FFE];
	_ =	sdelay $0x1  }
0x8a: {  	s1 =	srdreg.scid  }
0x8b: {  	s0 =	sand.u32 $0x1, s1  }
0x8c: {  	s17 =	sshll.u32 s0, $0xA;
	s2 =	sadd.s32 s3, s2  }
0x8d: {  	s2 =	sadd.s32 s2, s17  }
0x8e: {  	[smem:$0x3FC4] =	sst s2  }
0x8f: {  	_ = 	snop  }
0x90: {  	s2 =	sld [smem:$0x3FD0];
	(tm) =	ssettm $0x1  }
0x91: {  	s18 =	sld [smem:$0x3FFB];
	_ =	sdelay $0x3  }
0x92: {  	_ =	strace s18  }
0x93: {  	s3 =	sld [smem:$0x3FFC];
	_ =	sdelay $0x3  }
0x94: {  	_ =	strace s3  }
0x95: {  	s3 =	sld [smem:$0x3FFD];
	_ =	sdelay $0x3  }
0x96: {  	_ =	strace s3  }
0x97: {  	_ =	strace $0x8FFFFFFF  }
0x98: {  	s19 =	sld [smem:$0x3FDB];
	_ =	sdelay $0x1  }
0x99: {  	s4 =	simm.s32 $_scs_section_size  }
0x9a: {  	s5 =	simm.s32 $_size__tile_overlayer_lowered;
	s6 =	simm.s32 $_tile_overlayer_lowered  }
0x9b: {  	s22 =	simm.s32 $0x1BFF;
	s21 =	sshll.u32 s6, $0x1;
	s3 =	sadd.s32 s4, s19  }
0x9c: {  	s7 =	simm.s32 $0x0;
	s20 =	sshll.u32 s5, $0x1;
	s5 =	sadd.s32 s21, s3  }
0x9d: {  	[timem:s7], [sflag:s22] =	dma.local [hbm:s5], s20  }
0x9e: {  	_ =	swait.ge [sflag:s22], s20  }
0x9f: {  	s4 =	ssub.s32 $0x0, s20;
	[sflag:s22] =	ssyncset.done $0x0  }
0xa0: {  	[sflag:s22] =	ssyncadd.s32 s4;
	_ =	sdelay $0x1  }
0xa1: {  	s23 =	simm.s32 $0x1B8B  }
0xa2: {  	_ =	swait.ge [sflag:s23], $0x1  }
0xa3: {  	[sflag:s23] =	ssyncset.done $0x0  }
0xa4: {  	s25 =	simm.s32 $0x1B8E;
	s24 =	sld [smem:$0x3FFE];
	[sflag:s23] =	ssyncadd.s32 $0xFFFFFFFF  }
0xa5: {  	s26 =	simm.s32 $execute0_lowered;
	[smem:$0x3FD2] =	sst s25  }
0xa6: {  	s5 =	sshll.u32 s26, $0x1;
	_ =	strace $0x80000046;
	[dreg:$0x1] =	wrdreg $0xFFFFFFFF  }
0xa7: {  	s28 =	simm.s32 $_size_execute0_lowered;
	s3 =	sadd.s32 s3, s5;
	[dreg:$0x0] =	wrdreg $0x0  }
0xa8: {  	s5 =	sshll.u32 s28, $0x1;
	[dreg:$0x2] =	wrdreg s3  }
0xa9: {  	[dreg:$0x3] =	wrdreg s5  }
0xaa: {  	[dreg:$0x4] =	wrdreg $0xC0  }
0xab: {  	_ =	task [dreg:s7], $0x5FFFF  }
0xac: {  	[dreg:$0x1] =	wrdreg $0xFFFFFFFF  }
0xad: {  	[dreg:$0x0] =	wrdreg $0x60  }
0xae: {  	[dreg:$0x2] =	wrdreg s24  }
0xaf: {  	[dreg:$0x3] =	wrdreg s2  }
0xb0: {  	[dreg:$0x4] =	wrdreg $0xF0000  }
0xb1: {  	[dreg:$0x5] =	wrdreg $0x9  }
0xb2: {  	_ =	task.clear_ibuf [dreg:s7], $0x6FFFF;
	_ =	strace $0x90000046  }
0xb3: {  	s29 =	simm.s32 $0x9;
	_ =	strace $0x80000048  }
0xb4: {  	_ =	swait.ge [sflag:s29], $0x1  }
0xb5: {  	[sflag:s29] =	ssyncadd.s32 $0xFFFFFFFF  }
0xb6: {  	_ =	strace $0x90000048  }
0xb7: {  	_ =	sfence  }
0xb8: {  	s30 =	sld [smem:$0x0];
	_ =	sdelay $0x2  }
0xb9: {  	s31 =	sshll.u32 s1, $0xD;
	s1 =	sshrl.u32 s1, $0x2  }
0xba: {  	s3 =	sand.u32 $0x4000, s31;
	s1 =	sadd.s32 s1, s30  }
0xbb: {  	s0 =	sor.u32 s3, s0;
	s1 =	sshll.u32 s1, $0x11  }
0xbc: {  	s0 =	sor.u32 s1, s0  }
0xbd: {  	s0 =	sadd.s32 $0x8F2B, s0  }
0xbe: {  	[sflag:s0] =	ssyncadd.remote.s32 $0x1  }
0xbf: {  	_ =	sfence.sel $0xFFFF  }
0xc0: {  	[dreg:$0x0] =	wrdreg $0xFFFFFFFF;
	(pc) =	sbr.abs _section_cstart, $3  }
0xc1: {  	[dreg:$0x1] =	wrdreg $0xFFFFFFFF  }
0xc2: {  	_ =	task.clear_ibuf [dreg:s7], $0x2FFFF;
	_ =	strace $0x9FFFFFFF  }
0xc3: {  	(tm) =	ssettm $0x7FFFFFFF  }
tec
execute0_lowered:
.L_overlay_start_1:
0x0: {  	(tag) =	ssettag $0x1  }
0x1: {  	s0 =	rddreg [dreg:$0x0]  }
0x2: {  	s1 =	rddreg [dreg:$0x1]  }
0x3: {  	s2 =	rddreg [dreg:$0x2];
	s11 =	stileid.u32  }
0x4: {  	s3 =	simm.s32 $0x0;
	s5 =	srdreg.scid;
	s4 =	smul.u32 $0xA00, s11  }
0x5: {  	[smem:$0x7FF] =	sst s3;
	s7 =	sand.u32 $0x1, s5;
	s25 =	smul.u32 $0x5000, s11  }
0x6: {  	s6 =	sadd.s32 $0x400, s0;
	s30 =	sadd.s32 $0x271400, s0;
	s8 =	ssub.s32 $0x2, s7  }
0x7: {  	_ =	strace $0x80000047;
	s9 =	sshrl.u32 s8, $0x1;
	s10 =	sor.u32 $0x100, s4  }
0x8: {  	s5 =	sshrl.u32 s25, $0x3;
	s8 =	ssub.s32 s8, s9;
	s26 =	sadd.s32 s1, s10  }
0x9: {  	s12 =	sadd.s32 $0x200, s5;
	s10 =	sadd.s32 s6, s10;
	[dreg:$0x4] =	wrdreg s26  }
0xa: {  	s14 =	sadd.s32 $0x300, s5;
	[dreg:$0x5] =	wrdreg s10;
	s13 =	sadd.s32 s1, s12  }
0xb: {  	s16 =	sadd.s32 $0x400, s5;
	s9 =	sadd.s32 s6, s12;
	[dreg:$0x6] =	wrdreg s13  }
0xc: {  	s18 =	sadd.s32 $0x500, s5;
	s15 =	sadd.s32 s1, s14;
	[dreg:$0x7] =	wrdreg s9  }
0xd: {  	s20 =	sadd.s32 $0x600, s5;
	s10 =	sadd.s32 s6, s14;
	[dreg:$0x8] =	wrdreg s15  }
0xe: {  	s22 =	sadd.s32 $0x700, s5;
	s17 =	sadd.s32 s1, s16;
	[dreg:$0x9] =	wrdreg s10  }
0xf: {  	s24 =	sadd.s32 $0x800, s5;
	s19 =	sadd.s32 s1, s18;
	[dreg:$0xa] =	wrdreg s17  }
0x10: {  	s5 =	sadd.s32 $0x900, s5;
	s21 =	sadd.s32 s1, s20;
	[dreg:$0xc] =	wrdreg s19  }
0x11: {  	s23 =	sadd.s32 s1, s22;
	s25 =	sadd.s32 s1, s24;
	[dreg:$0xe] =	wrdreg s21  }
0x12: {  	s26 =	smul.u32 $0xA0000, s7;
	s9 =	sadd.s32 s6, s16;
	[dreg:$0x10] =	wrdreg s23  }
0x13: {  	s10 =	sadd.s32 s6, s18;
	[dreg:$0x12] =	wrdreg s25;
	s21 =	sadd.s32 s1, s5  }
0x14: {  	s23 =	sadd.s32 s6, s4;
	s19 =	sadd.s32 $0x14400, s0;
	[dreg:$0xb] =	wrdreg s9  }
0x15: {  	[dreg:$0xd] =	wrdreg s10;
	s9 =	sadd.s32 s6, s20;
	s10 =	sadd.s32 s6, s22  }
0x16: {  	s20 =	sadd.s32 s1, s4;
	s22 =	sadd.s32 s6, s5;
	[dreg:$0xf] =	wrdreg s9  }
0x17: {  	s4 =	sadd.s32 s4, s0;
	[dreg:$0x11] =	wrdreg s10;
	s10 =	smul.u32 $0xA000, s11  }
0x18: {  	s9 =	sadd.s32 s6, s24;
	s31 =	sadd.s32 $0xA400, s4;
	s11 =	simm.s32 $0x80  }
0x19: {  	[dreg:$0x13] =	wrdreg s9;
	s1 =	sadd.s32 $0x2000, s10;
	s18 =	sadd.s32 s10, s26  }
0x1a: {  	s17 =	sadd.s32 $0x4000, s10;
	s12 =	sadd.s32 $0x8000, s10;
	s0 =	sadd.s32 s10, s2  }
0x1b: {  	s5 =	sshrl.u32 s18, $0x3;
	s15 =	sadd.s32 s26, s1;
	s18 =	sadd.s32 $0x6000, s10  }
0x1c: {  	s13 =	sadd.s32 s26, s17;
	s9 =	sadd.s32 s26, s12;
	s1 =	sadd.s32 s1, s2  }
0x1d: {  	s4 =	sadd.s32 s17, s2;
	s6 =	sadd.s32 s12, s2;
	s10 =	simm.s32 $0x800  }
0x1e: {  	s12 =	simm.s32 $0xB000;
	s24 =	sadd.s32 s19, s5;
	s16 =	sshrl.u32 s15, $0x3  }
0x1f: {  	s14 =	sadd.s32 s26, s18;
	s13 =	sshrl.u32 s13, $0x3;
	s9 =	sshrl.u32 s9, $0x3  }
0x20: {  	s25 =	sadd.s32 s19, s16;
	s14 =	sshrl.u32 s14, $0x3;
	s26 =	sadd.s32 s19, s13  }
0x21: {  	s29 =	sadd.s32 s19, s9;
	s28 =	sadd.s32 s19, s14;
	s19 =	smul.u32 $0x13880, s7  }
0x22: {  	s5 =	sadd.s32 s18, s2;
	s9 =	simm.s32 $0xD000;
	s13 =	simm.s32 $0x1  }
0x23: {  	v1 =	vimm.f32 $0.0e+00;
	s7 =	smax.u32 s8, $0x1;
	s8 =	simm.s32 $0x2;
	s14 =	simm.s32 $0x0;
	v0 =	vmov s19  }
.LBB2_1:
0x24: {  	s15 =	simm.s32 $0x1000  }
0x25: {  	[tilespmem:s15], [sflag:$0x2] =	stream.linear.gather [hbm4b:s31+s3], $0x5000, $0x38;
	[tilespmem:$0x19000] =	vst v63  }
0x26: {  	_ =	swait.ge [sflag:s8], $0x5000  }
0x27: {  	[sflag:s8] =	ssyncset.done $0x0  }
0x28: {  	s16 =	simm.s32 $0x100;
	s15 =	simm.s32 $0x0;
	[sflag:s8] =	ssyncadd.s32 $0xFFFFB000  }
.LBB2_2:
0x29: {  	p0 =	sne.s32 s16, $0x7F00;
	[tilespmem:s15+$0xD030] =	vst v1;
	s17 =	smov.u32 s16;
	s16 =	sadd.s32 $0x100, s16  }
.Ltmp0:
0x2a: {  	[tilespmem:s15+$0xD020] =	vst v1;
	(pc) =	sbr.rel @p0 .LBB2_2-.Ltmp0, $3  }
0x2b: {  	[tilespmem:s15+$0xD000] =	vst v1  }
0x2c: {  	[tilespmem:s15+$0xD010] =	vst v1;
	_ =	sdelay $0x1  }
0x2d: {  	s15 =	sshra.s32 s17, $0x2  }
0x2e: {  	[tilespmem:s15+$0xD030] =	vst v1  }
0x2f: {  	[tilespmem:s15+$0xD020] =	vst v1  }
0x30: {  	[tilespmem:s15+$0xD000] =	vst v1  }
0x31: {  	[tilespmem:s15+$0xD010] =	vst v1  }
0x32: {  	[spmem:s0] =	stream.linear.scatter [tilespmem:s9], [sflag:$0x2], $0x2000, $0x38;
	[tilespmem:$0x19000] =	vst v63  }
0x33: {  	_ =	swait.ge [sflag:s8], $0x2000  }
0x34: {  	[sflag:s8] =	ssyncset.done $0x0  }
0x35: {  	[sflag:s8] =	ssyncadd.s32 $0xFFFFE000  }
0x36: {  	[spmem:s1] =	stream.linear.scatter [tilespmem:s9], [sflag:$0x2], $0x2000, $0x38;
	[tilespmem:$0x19000] =	vst v63  }
0x37: {  	_ =	swait.ge [sflag:s8], $0x2000  }
0x38: {  	[sflag:s8] =	ssyncset.done $0x0  }
0x39: {  	[sflag:s8] =	ssyncadd.s32 $0xFFFFE000  }
0x3a: {  	[spmem:s4] =	stream.linear.scatter [tilespmem:s9], [sflag:$0x2], $0x2000, $0x38;
	[tilespmem:$0x19000] =	vst v63  }
0x3b: {  	_ =	swait.ge [sflag:s8], $0x2000  }
0x3c: {  	[sflag:s8] =	ssyncset.done $0x0  }
0x3d: {  	[sflag:s8] =	ssyncadd.s32 $0xFFFFE000  }
0x3e: {  	[spmem:s5] =	stream.linear.scatter [tilespmem:s9], [sflag:$0x2], $0x2000, $0x38;
	[tilespmem:$0x19000] =	vst v63  }
0x3f: {  	_ =	swait.ge [sflag:s8], $0x2000  }
0x40: {  	[sflag:s8] =	ssyncset.done $0x0  }
0x41: {  	[sflag:s8] =	ssyncadd.s32 $0xFFFFE000  }
0x42: {  	[spmem:s6] =	stream.linear.scatter [tilespmem:s9], [sflag:$0x2], $0x2000, $0x38;
	[tilespmem:$0x19000] =	vst v63  }
0x43: {  	_ =	swait.ge [sflag:s8], $0x2000  }
0x44: {  	[sflag:s8] =	ssyncset.done $0x0  }
0x45: {  	s19 =	simm.s32 $0x0;
	[sflag:s8] =	ssyncadd.s32 $0xFFFFE000  }
0x46: {  	[tilespmem:s19], [sflag:$0x2] =	stream.linear.gather [hbm4b:s20+s19], $0x800, $0x38;
	[tilespmem:$0x19000] =	vst v63  }
0x47: {  	_ =	swait.ge [sflag:s8], $0x800  }
0x48: {  	[sflag:s8] =	ssyncset.done $0x0  }
0x49: {  	[sflag:s8] =	ssyncadd.s32 $0xFFFFF800  }
0x4a: {  	[tilespmem:s10], [sflag:$0x2] =	stream.linear.gather [hbm4b:s23+s19], $0x800, $0x38;
	[tilespmem:$0x19000] =	vst v63  }
0x4b: {  	_ =	swait.ge [sflag:s8], $0x800  }
0x4c: {  	[sflag:s8] =	ssyncset.done $0x0  }
0x4d: {  	s15 =	simm.s32 $0x0;
	[sflag:s8] =	ssyncadd.s32 $0xFFFFF800  }
0x4e: {  	v2 =	vld [tilespmem:s15+$0x870]  }
0x4f: {  	v3 =	vld [tilespmem:s15+$0x70]  }
0x50: {  	v4 =	vld [tilespmem:s15+$0x800]  }
0x51: {  	v5 =	vld [tilespmem:s15+$0x810]  }
0x52: {  	v6 =	vld [tilespmem:s15+$0x820]  }
0x53: {  	v7 =	vld [tilespmem:s15+$0x830]  }
0x54: {  	v11 =	vld [tilespmem:s15+$0x840];
	v2 =	vmul.u32 $0x2710, v2  }
0x55: {  	v13 =	vld [tilespmem:s15+$0x850];
	v3 =	vadd.s32 v0, v3  }
0x56: {  	v14 =	vld [tilespmem:s15+$0x860];
	v2 =	vadd.s32 v2, v3  }
0x57: {  	[tilespmem:s15+$0x6070] =	vst v2;
	v2 =	vld [tilespmem:s15+$0x0]  }
0x58: {  	v15 =	vld [tilespmem:s15+$0x10]  }
0x59: {  	v12 =	vld [tilespmem:s15+$0x20]  }
0x5a: {  	v10 =	vld [tilespmem:s15+$0x30];
	v16 =	vmul.u32 $0x2710, v4  }
0x5b: {  	v8 =	vld [tilespmem:s15+$0x40];
	v9 =	vmul.u32 $0x2710, v5;
	v6 =	vmul.u32 $0x2710, v6;
	v5 =	vmul.u32 $0x2710, v7  }
0x5c: {  	v4 =	vmul.u32 $0x2710, v11;
	v7 =	vld [tilespmem:s15+$0x50];
	v3 =	vmul.u32 $0x2710, v13;
	v11 =	vadd.s32 v0, v2  }
0x5d: {  	s16 =	simm.s32 $0x80;
	s17 =	simm.s32 $0x400;
	v2 =	vmul.u32 $0x2710, v14;
	v14 =	vadd.s32 v0, v15;
	v13 =	vadd.s32 v16, v11;
	v11 =	vld [tilespmem:s15+$0x60]  }
.LBB2_4:
0x5e: {  	p0 =	sne.s32 s17, $0x1E00;
	v15 =	vld [tilespmem:s16+$0x870];
	[tilespmem:s15+$0x6000] =	vst v13;
	v9 =	vadd.s32 v9, v14;
	v12 =	vadd.s32 v0, v12  }
0x5f: {  	v13 =	vld [tilespmem:s16+$0x70];
	[tilespmem:s15+$0x6010] =	vst v9;
	v6 =	vadd.s32 v6, v12;
	v9 =	vadd.s32 v0, v10  }
0x60: {  	v10 =	vld [tilespmem:s16+$0x800];
	[tilespmem:s15+$0x6020] =	vst v6;
	v5 =	vadd.s32 v5, v9;
	v6 =	vadd.s32 v0, v8  }
0x61: {  	v8 =	vld [tilespmem:s16+$0x810];
	[tilespmem:s15+$0x6030] =	vst v5;
	v4 =	vadd.s32 v4, v6;
	v5 =	vadd.s32 v0, v7  }
0x62: {  	v6 =	vld [tilespmem:s16+$0x820];
	[tilespmem:s15+$0x6040] =	vst v4;
	v3 =	vadd.s32 v3, v5;
	v4 =	vadd.s32 v0, v11  }
0x63: {  	v5 =	vld [tilespmem:s16+$0x830];
	v7 =	vmul.u32 $0x2710, v15;
	[tilespmem:s15+$0x6050] =	vst v3;
	v2 =	vadd.s32 v2, v4  }
0x64: {  	v3 =	vld [tilespmem:s16+$0x840];
	v4 =	vadd.s32 v0, v13;
	[tilespmem:s15+$0x6060] =	vst v2;
	s15 =	smov.u32 s16  }
0x65: {  	v11 =	vmul.u32 $0x2710, v10;
	v2 =	vld [tilespmem:s15+$0x850];
	v4 =	vadd.s32 v7, v4  }
0x66: {  	v9 =	vmul.u32 $0x2710, v8;
	v7 =	vld [tilespmem:s15+$0x860];
	[tilespmem:s15+$0x6070] =	vst v4  }
0x67: {  	v13 =	vld [tilespmem:s15+$0x0];
	v6 =	vmul.u32 $0x2710, v6  }
0x68: {  	v14 =	vld [tilespmem:s15+$0x10];
	v5 =	vmul.u32 $0x2710, v5  }
.Ltmp1:
0x69: {  	v12 =	vld [tilespmem:s15+$0x20];
	v4 =	vmul.u32 $0x2710, v3;
	(pc) =	sbr.rel @p0 .LBB2_4-.Ltmp1, $4  }
0x6a: {  	v10 =	vld [tilespmem:s15+$0x30];
	v3 =	vmul.u32 $0x2710, v2  }
0x6b: {  	v8 =	vld [tilespmem:s15+$0x40];
	v2 =	vmul.u32 $0x2710, v7  }
0x6c: {  	v13 =	vadd.s32 v0, v13;
	v7 =	vld [tilespmem:s15+$0x50]  }
0x6d: {  	s16 =	sshra.s32 s17, $0x2;
	s17 =	sadd.s32 $0x200, s17;
	v13 =	vadd.s32 v11, v13;
	v14 =	vadd.s32 v0, v14;
	v11 =	vld [tilespmem:s15+$0x60]  }
0x6e: {  	v15 =	vld [tilespmem:s16+$0x870];
	[tilespmem:s15+$0x6000] =	vst v13;
	v9 =	vadd.s32 v9, v14;
	v12 =	vadd.s32 v0, v12  }
0x6f: {  	v13 =	vld [tilespmem:s16+$0x70];
	[tilespmem:s15+$0x6010] =	vst v9;
	v6 =	vadd.s32 v6, v12;
	v10 =	vadd.s32 v0, v10  }
0x70: {  	v9 =	vld [tilespmem:s16+$0x800];
	[tilespmem:s15+$0x6020] =	vst v6;
	v5 =	vadd.s32 v5, v10;
	v8 =	vadd.s32 v0, v8  }
0x71: {  	v6 =	vld [tilespmem:s16+$0x810];
	[tilespmem:s15+$0x6030] =	vst v5;
	v4 =	vadd.s32 v4, v8;
	v7 =	vadd.s32 v0, v7  }
0x72: {  	v5 =	vld [tilespmem:s16+$0x820];
	[tilespmem:s15+$0x6040] =	vst v4;
	v3 =	vadd.s32 v3, v7;
	v7 =	vadd.s32 v0, v11  }
0x73: {  	v4 =	vld [tilespmem:s16+$0x830];
	[tilespmem:s15+$0x6050] =	vst v3;
	v2 =	vadd.s32 v2, v7  }
0x74: {  	v7 =	vmul.u32 $0x2710, v15;
	v3 =	vld [tilespmem:s16+$0x840];
	[tilespmem:s15+$0x6060] =	vst v2  }
0x75: {  	v2 =	vadd.s32 v0, v13;
	v8 =	vld [tilespmem:s16+$0x850]  }
0x76: {  	v2 =	vadd.s32 v7, v2;
	v7 =	vld [tilespmem:s16+$0x860]  }
0x77: {  	[tilespmem:s16+$0x6070] =	vst v2;
	v2 =	vld [tilespmem:s16+$0x0]  }
0x78: {  	v10 =	vld [tilespmem:s16+$0x10]  }
0x79: {  	v11 =	vld [tilespmem:s16+$0x20]  }
0x7a: {  	v12 =	vld [tilespmem:s16+$0x30]  }
0x7b: {  	v9 =	vmul.u32 $0x2710, v9;
	v13 =	vld [tilespmem:s16+$0x40]  }
0x7c: {  	v14 =	vld [tilespmem:s16+$0x50];
	v6 =	vmul.u32 $0x2710, v6;
	v2 =	vadd.s32 v0, v2  }
0x7d: {  	v5 =	vmul.u32 $0x2710, v5;
	v2 =	vadd.s32 v9, v2;
	v9 =	vadd.s32 v0, v10;
	v10 =	vld [tilespmem:s16+$0x60]  }
0x7e: {  	v4 =	vmul.u32 $0x2710, v4;
	[tilespmem:s16+$0x6000] =	vst v2;
	v2 =	vadd.s32 v6, v9;
	v6 =	vadd.s32 v0, v11  }
0x7f: {  	v3 =	vmul.u32 $0x2710, v3;
	[tilespmem:s16+$0x6010] =	vst v2;
	v2 =	vadd.s32 v5, v6;
	v5 =	vadd.s32 v0, v12  }
0x80: {  	v6 =	vmul.u32 $0x2710, v8;
	[tilespmem:s16+$0x6020] =	vst v2;
	v2 =	vadd.s32 v4, v5;
	v4 =	vadd.s32 v0, v13  }
0x81: {  	v5 =	vmul.u32 $0x2710, v7;
	[tilespmem:s16+$0x6030] =	vst v2;
	v2 =	vadd.s32 v3, v4;
	v3 =	vadd.s32 v0, v14  }
0x82: {  	[tilespmem:s16+$0x6040] =	vst v2;
	v2 =	vadd.s32 v6, v3;
	v3 =	vadd.s32 v0, v10  }
0x83: {  	[tilespmem:s16+$0x6050] =	vst v2;
	v2 =	vadd.s32 v5, v3  }
0x84: {  	s17 =	simm.s32 $0x0;
	s18 =	rddreg [dreg:$0x4];
	[tilespmem:s16+$0x6060] =	vst v2  }
0x85: {  	[tilespmem:s17], [sflag:$0x2] =	stream.linear.gather [hbm4b:s18+s17], $0x800, $0x38;
	[tilespmem:$0x19000] =	vst v63  }
0x86: {  	_ =	swait.ge [sflag:s8], $0x800  }
0x87: {  	[sflag:s8] =	ssyncset.done $0x0  }
0x88: {  	s19 =	rddreg [dreg:$0x5];
	[sflag:s8] =	ssyncadd.s32 $0xFFFFF800  }
0x89: {  	[tilespmem:s10], [sflag:$0x2] =	stream.linear.gather [hbm4b:s19+s17], $0x800, $0x38;
	[tilespmem:$0x19000] =	vst v63  }
0x8a: {  	_ =	swait.ge [sflag:s8], $0x800  }
0x8b: {  	[sflag:s8] =	ssyncset.done $0x0  }
0x8c: {  	s15 =	simm.s32 $0x0;
	[sflag:s8] =	ssyncadd.s32 $0xFFFFF800  }
0x8d: {  	v2 =	vld [tilespmem:s15+$0x870]  }
0x8e: {  	v3 =	vld [tilespmem:s15+$0x70]  }
0x8f: {  	v4 =	vld [tilespmem:s15+$0x800]  }
0x90: {  	v5 =	vld [tilespmem:s15+$0x810]  }
0x91: {  	v6 =	vld [tilespmem:s15+$0x820]  }
0x92: {  	v7 =	vld [tilespmem:s15+$0x830]  }
0x93: {  	v11 =	vld [tilespmem:s15+$0x840];
	v2 =	vmul.u32 $0x2710, v2  }
0x94: {  	v13 =	vld [tilespmem:s15+$0x850];
	v3 =	vadd.s32 v0, v3  }
0x95: {  	v14 =	vld [tilespmem:s15+$0x860];
	v2 =	vadd.s32 v2, v3  }
0x96: {  	[tilespmem:s15+$0x6870] =	vst v2;
	v2 =	vld [tilespmem:s15+$0x0]  }
0x97: {  	v15 =	vld [tilespmem:s15+$0x10]  }
0x98: {  	v12 =	vld [tilespmem:s15+$0x20]  }
0x99: {  	v10 =	vld [tilespmem:s15+$0x30];
	v16 =	vmul.u32 $0x2710, v4  }
0x9a: {  	v8 =	vld [tilespmem:s15+$0x40];
	v9 =	vmul.u32 $0x2710, v5;
	v6 =	vmul.u32 $0x2710, v6;
	v5 =	vmul.u32 $0x2710, v7  }
0x9b: {  	v4 =	vmul.u32 $0x2710, v11;
	v7 =	vld [tilespmem:s15+$0x50];
	v3 =	vmul.u32 $0x2710, v13;
	v11 =	vadd.s32 v0, v2  }
0x9c: {  	s16 =	simm.s32 $0x80;
	s17 =	simm.s32 $0x400;
	v2 =	vmul.u32 $0x2710, v14;
	v14 =	vadd.s32 v0, v15;
	v13 =	vadd.s32 v16, v11;
	v11 =	vld [tilespmem:s15+$0x60]  }
.LBB2_6:
0x9d: {  	p0 =	sne.s32 s17, $0x1E00;
	v15 =	vld [tilespmem:s16+$0x870];
	[tilespmem:s15+$0x6800] =	vst v13;
	v9 =	vadd.s32 v9, v14;
	v12 =	vadd.s32 v0, v12  }
0x9e: {  	v13 =	vld [tilespmem:s16+$0x70];
	[tilespmem:s15+$0x6810] =	vst v9;
	v6 =	vadd.s32 v6, v12;
	v9 =	vadd.s32 v0, v10  }
0x9f: {  	v10 =	vld [tilespmem:s16+$0x800];
	[tilespmem:s15+$0x6820] =	vst v6;
	v5 =	vadd.s32 v5, v9;
	v6 =	vadd.s32 v0, v8  }
0xa0: {  	v8 =	vld [tilespmem:s16+$0x810];
	[tilespmem:s15+$0x6830] =	vst v5;
	v4 =	vadd.s32 v4, v6;
	v5 =	vadd.s32 v0, v7  }
0xa1: {  	v6 =	vld [tilespmem:s16+$0x820];
	[tilespmem:s15+$0x6840] =	vst v4;
	v3 =	vadd.s32 v3, v5;
	v4 =	vadd.s32 v0, v11  }
0xa2: {  	v5 =	vld [tilespmem:s16+$0x830];
	v7 =	vmul.u32 $0x2710, v15;
	[tilespmem:s15+$0x6850] =	vst v3;
	v2 =	vadd.s32 v2, v4  }
0xa3: {  	v3 =	vld [tilespmem:s16+$0x840];
	v4 =	vadd.s32 v0, v13;
	[tilespmem:s15+$0x6860] =	vst v2;
	s15 =	smov.u32 s16  }
0xa4: {  	v11 =	vmul.u32 $0x2710, v10;
	v2 =	vld [tilespmem:s15+$0x850];
	v4 =	vadd.s32 v7, v4  }
0xa5: {  	v9 =	vmul.u32 $0x2710, v8;
	v7 =	vld [tilespmem:s15+$0x860];
	[tilespmem:s15+$0x6870] =	vst v4  }
0xa6: {  	v13 =	vld [tilespmem:s15+$0x0];
	v6 =	vmul.u32 $0x2710, v6  }
0xa7: {  	v14 =	vld [tilespmem:s15+$0x10];
	v5 =	vmul.u32 $0x2710, v5  }
.Ltmp2:
0xa8: {  	v12 =	vld [tilespmem:s15+$0x20];
	v4 =	vmul.u32 $0x2710, v3;
	(pc) =	sbr.rel @p0 .LBB2_6-.Ltmp2, $4  }
0xa9: {  	v10 =	vld [tilespmem:s15+$0x30];
	v3 =	vmul.u32 $0x2710, v2  }
0xaa: {  	v8 =	vld [tilespmem:s15+$0x40];
	v2 =	vmul.u32 $0x2710, v7  }
0xab: {  	v13 =	vadd.s32 v0, v13;
	v7 =	vld [tilespmem:s15+$0x50]  }
0xac: {  	s16 =	sshra.s32 s17, $0x2;
	s17 =	sadd.s32 $0x200, s17;
	v13 =	vadd.s32 v11, v13;
	v14 =	vadd.s32 v0, v14;
	v11 =	vld [tilespmem:s15+$0x60]  }
0xad: {  	v15 =	vld [tilespmem:s16+$0x870];
	[tilespmem:s15+$0x6800] =	vst v13;
	v9 =	vadd.s32 v9, v14;
	v12 =	vadd.s32 v0, v12  }
0xae: {  	v13 =	vld [tilespmem:s16+$0x70];
	[tilespmem:s15+$0x6810] =	vst v9;
	v6 =	vadd.s32 v6, v12;
	v10 =	vadd.s32 v0, v10  }
0xaf: {  	v9 =	vld [tilespmem:s16+$0x800];
	[tilespmem:s15+$0x6820] =	vst v6;
	v5 =	vadd.s32 v5, v10;
	v8 =	vadd.s32 v0, v8  }
0xb0: {  	v6 =	vld [tilespmem:s16+$0x810];
	[tilespmem:s15+$0x6830] =	vst v5;
	v4 =	vadd.s32 v4, v8;
	v7 =	vadd.s32 v0, v7  }
0xb1: {  	v5 =	vld [tilespmem:s16+$0x820];
	[tilespmem:s15+$0x6840] =	vst v4;
	v3 =	vadd.s32 v3, v7;
	v7 =	vadd.s32 v0, v11  }
0xb2: {  	v4 =	vld [tilespmem:s16+$0x830];
	[tilespmem:s15+$0x6850] =	vst v3;
	v2 =	vadd.s32 v2, v7  }
0xb3: {  	v7 =	vmul.u32 $0x2710, v15;
	v3 =	vld [tilespmem:s16+$0x840];
	[tilespmem:s15+$0x6860] =	vst v2  }
0xb4: {  	v2 =	vadd.s32 v0, v13;
	v8 =	vld [tilespmem:s16+$0x850]  }
0xb5: {  	v2 =	vadd.s32 v7, v2;
	v7 =	vld [tilespmem:s16+$0x860]  }
0xb6: {  	[tilespmem:s16+$0x6870] =	vst v2;
	v2 =	vld [tilespmem:s16+$0x0]  }
0xb7: {  	v10 =	vld [tilespmem:s16+$0x10]  }
0xb8: {  	v11 =	vld [tilespmem:s16+$0x20]  }
0xb9: {  	v12 =	vld [tilespmem:s16+$0x30]  }
0xba: {  	v9 =	vmul.u32 $0x2710, v9;
	v13 =	vld [tilespmem:s16+$0x40]  }
0xbb: {  	v14 =	vld [tilespmem:s16+$0x50];
	v6 =	vmul.u32 $0x2710, v6;
	v2 =	vadd.s32 v0, v2  }
0xbc: {  	v5 =	vmul.u32 $0x2710, v5;
	v2 =	vadd.s32 v9, v2;
	v9 =	vadd.s32 v0, v10;
	v10 =	vld [tilespmem:s16+$0x60]  }
0xbd: {  	v4 =	vmul.u32 $0x2710, v4;
	[tilespmem:s16+$0x6800] =	vst v2;
	v2 =	vadd.s32 v6, v9;
	v6 =	vadd.s32 v0, v11  }
0xbe: {  	v3 =	vmul.u32 $0x2710, v3;
	[tilespmem:s16+$0x6810] =	vst v2;
	v2 =	vadd.s32 v5, v6;
	v5 =	vadd.s32 v0, v12  }
0xbf: {  	v6 =	vmul.u32 $0x2710, v8;
	[tilespmem:s16+$0x6820] =	vst v2;
	v2 =	vadd.s32 v4, v5;
	v4 =	vadd.s32 v0, v13  }
0xc0: {  	v5 =	vmul.u32 $0x2710, v7;
	[tilespmem:s16+$0x6830] =	vst v2;
	v2 =	vadd.s32 v3, v4;
	v3 =	vadd.s32 v0, v14  }
0xc1: {  	[tilespmem:s16+$0x6840] =	vst v2;
	v2 =	vadd.s32 v6, v3;
	v3 =	vadd.s32 v0, v10  }
0xc2: {  	[tilespmem:s16+$0x6850] =	vst v2;
	v2 =	vadd.s32 v5, v3  }
0xc3: {  	s17 =	simm.s32 $0x0;
	s18 =	rddreg [dreg:$0x6];
	[tilespmem:s16+$0x6860] =	vst v2  }
0xc4: {  	[tilespmem:s17], [sflag:$0x2] =	stream.linear.gather [hbm4b:s18+s17], $0x800, $0x38;
	[tilespmem:$0x19000] =	vst v63  }
0xc5: {  	_ =	swait.ge [sflag:s8], $0x800  }
0xc6: {  	[sflag:s8] =	ssyncset.done $0x0  }
0xc7: {  	s19 =	rddreg [dreg:$0x7];
	[sflag:s8] =	ssyncadd.s32 $0xFFFFF800  }
0xc8: {  	[tilespmem:s10], [sflag:$0x2] =	stream.linear.gather [hbm4b:s19+s17], $0x800, $0x38;
	[tilespmem:$0x19000] =	vst v63  }
0xc9: {  	_ =	swait.ge [sflag:s8], $0x800  }
0xca: {  	[sflag:s8] =	ssyncset.done $0x0  }
0xcb: {  	s15 =	simm.s32 $0x0;
	[sflag:s8] =	ssyncadd.s32 $0xFFFFF800  }
0xcc: {  	v2 =	vld [tilespmem:s15+$0x870]  }
0xcd: {  	v3 =	vld [tilespmem:s15+$0x70]  }
0xce: {  	v4 =	vld [tilespmem:s15+$0x800]  }
0xcf: {  	v5 =	vld [tilespmem:s15+$0x810]  }
0xd0: {  	v6 =	vld [tilespmem:s15+$0x820]  }
0xd1: {  	v7 =	vld [tilespmem:s15+$0x830]  }
0xd2: {  	v11 =	vld [tilespmem:s15+$0x840];
	v2 =	vmul.u32 $0x2710, v2  }
0xd3: {  	v13 =	vld [tilespmem:s15+$0x850];
	v3 =	vadd.s32 v0, v3  }
0xd4: {  	v14 =	vld [tilespmem:s15+$0x860];
	v2 =	vadd.s32 v2, v3  }
0xd5: {  	[tilespmem:s15+$0x7070] =	vst v2;
	v2 =	vld [tilespmem:s15+$0x0]  }
0xd6: {  	v15 =	vld [tilespmem:s15+$0x10]  }
0xd7: {  	v12 =	vld [tilespmem:s15+$0x20]  }
0xd8: {  	v10 =	vld [tilespmem:s15+$0x30];
	v16 =	vmul.u32 $0x2710, v4  }
0xd9: {  	v8 =	vld [tilespmem:s15+$0x40];
	v9 =	vmul.u32 $0x2710, v5;
	v6 =	vmul.u32 $0x2710, v6;
	v5 =	vmul.u32 $0x2710, v7  }
0xda: {  	v4 =	vmul.u32 $0x2710, v11;
	v7 =	vld [tilespmem:s15+$0x50];
	v3 =	vmul.u32 $0x2710, v13;
	v11 =	vadd.s32 v0, v2  }
0xdb: {  	s16 =	simm.s32 $0x80;
	s17 =	simm.s32 $0x400;
	v2 =	vmul.u32 $0x2710, v14;
	v14 =	vadd.s32 v0, v15;
	v13 =	vadd.s32 v16, v11;
	v11 =	vld [tilespmem:s15+$0x60]  }
.LBB2_8:
0xdc: {  	p0 =	sne.s32 s17, $0x1E00;
	v15 =	vld [tilespmem:s16+$0x870];
	[tilespmem:s15+$0x7000] =	vst v13;
	v9 =	vadd.s32 v9, v14;
	v12 =	vadd.s32 v0, v12  }
0xdd: {  	v13 =	vld [tilespmem:s16+$0x70];
	[tilespmem:s15+$0x7010] =	vst v9;
	v6 =	vadd.s32 v6, v12;
	v9 =	vadd.s32 v0, v10  }
0xde: {  	v10 =	vld [tilespmem:s16+$0x800];
	[tilespmem:s15+$0x7020] =	vst v6;
	v5 =	vadd.s32 v5, v9;
	v6 =	vadd.s32 v0, v8  }
0xdf: {  	v8 =	vld [tilespmem:s16+$0x810];
	[tilespmem:s15+$0x7030] =	vst v5;
	v4 =	vadd.s32 v4, v6;
	v5 =	vadd.s32 v0, v7  }
0xe0: {  	v6 =	vld [tilespmem:s16+$0x820];
	[tilespmem:s15+$0x7040] =	vst v4;
	v3 =	vadd.s32 v3, v5;
	v4 =	vadd.s32 v0, v11  }
0xe1: {  	v5 =	vld [tilespmem:s16+$0x830];
	v7 =	vmul.u32 $0x2710, v15;
	[tilespmem:s15+$0x7050] =	vst v3;
	v2 =	vadd.s32 v2, v4  }
0xe2: {  	v3 =	vld [tilespmem:s16+$0x840];
	v4 =	vadd.s32 v0, v13;
	[tilespmem:s15+$0x7060] =	vst v2;
	s15 =	smov.u32 s16  }
0xe3: {  	v11 =	vmul.u32 $0x2710, v10;
	v2 =	vld [tilespmem:s15+$0x850];
	v4 =	vadd.s32 v7, v4  }
0xe4: {  	v9 =	vmul.u32 $0x2710, v8;
	v7 =	vld [tilespmem:s15+$0x860];
	[tilespmem:s15+$0x7070] =	vst v4  }
0xe5: {  	v13 =	vld [tilespmem:s15+$0x0];
	v6 =	vmul.u32 $0x2710, v6  }
0xe6: {  	v14 =	vld [tilespmem:s15+$0x10];
	v5 =	vmul.u32 $0x2710, v5  }
.Ltmp3:
0xe7: {  	v12 =	vld [tilespmem:s15+$0x20];
	v4 =	vmul.u32 $0x2710, v3;
	(pc) =	sbr.rel @p0 .LBB2_8-.Ltmp3, $4  }
0xe8: {  	v10 =	vld [tilespmem:s15+$0x30];
	v3 =	vmul.u32 $0x2710, v2  }
0xe9: {  	v8 =	vld [tilespmem:s15+$0x40];
	v2 =	vmul.u32 $0x2710, v7  }
0xea: {  	v13 =	vadd.s32 v0, v13;
	v7 =	vld [tilespmem:s15+$0x50]  }
0xeb: {  	s16 =	sshra.s32 s17, $0x2;
	s17 =	sadd.s32 $0x200, s17;
	v13 =	vadd.s32 v11, v13;
	v14 =	vadd.s32 v0, v14;
	v11 =	vld [tilespmem:s15+$0x60]  }
0xec: {  	v15 =	vld [tilespmem:s16+$0x870];
	[tilespmem:s15+$0x7000] =	vst v13;
	v9 =	vadd.s32 v9, v14;
	v12 =	vadd.s32 v0, v12  }
0xed: {  	v13 =	vld [tilespmem:s16+$0x70];
	[tilespmem:s15+$0x7010] =	vst v9;
	v6 =	vadd.s32 v6, v12;
	v10 =	vadd.s32 v0, v10  }
0xee: {  	v9 =	vld [tilespmem:s16+$0x800];
	[tilespmem:s15+$0x7020] =	vst v6;
	v5 =	vadd.s32 v5, v10;
	v8 =	vadd.s32 v0, v8  }
0xef: {  	v6 =	vld [tilespmem:s16+$0x810];
	[tilespmem:s15+$0x7030] =	vst v5;
	v4 =	vadd.s32 v4, v8;
	v7 =	vadd.s32 v0, v7  }
0xf0: {  	v5 =	vld [tilespmem:s16+$0x820];
	[tilespmem:s15+$0x7040] =	vst v4;
	v3 =	vadd.s32 v3, v7;
	v7 =	vadd.s32 v0, v11  }
0xf1: {  	v4 =	vld [tilespmem:s16+$0x830];
	[tilespmem:s15+$0x7050] =	vst v3;
	v2 =	vadd.s32 v2, v7  }
0xf2: {  	v7 =	vmul.u32 $0x2710, v15;
	v3 =	vld [tilespmem:s16+$0x840];
	[tilespmem:s15+$0x7060] =	vst v2  }
0xf3: {  	v2 =	vadd.s32 v0, v13;
	v8 =	vld [tilespmem:s16+$0x850]  }
0xf4: {  	v2 =	vadd.s32 v7, v2;
	v7 =	vld [tilespmem:s16+$0x860]  }
0xf5: {  	[tilespmem:s16+$0x7070] =	vst v2;
	v2 =	vld [tilespmem:s16+$0x0]  }
0xf6: {  	v10 =	vld [tilespmem:s16+$0x10]  }
0xf7: {  	v11 =	vld [tilespmem:s16+$0x20]  }
0xf8: {  	v12 =	vld [tilespmem:s16+$0x30]  }
0xf9: {  	v9 =	vmul.u32 $0x2710, v9;
	v13 =	vld [tilespmem:s16+$0x40]  }
0xfa: {  	v14 =	vld [tilespmem:s16+$0x50];
	v6 =	vmul.u32 $0x2710, v6;
	v2 =	vadd.s32 v0, v2  }
0xfb: {  	v5 =	vmul.u32 $0x2710, v5;
	v2 =	vadd.s32 v9, v2;
	v9 =	vadd.s32 v0, v10;
	v10 =	vld [tilespmem:s16+$0x60]  }
0xfc: {  	v4 =	vmul.u32 $0x2710, v4;
	[tilespmem:s16+$0x7000] =	vst v2;
	v2 =	vadd.s32 v6, v9;
	v6 =	vadd.s32 v0, v11  }
0xfd: {  	v3 =	vmul.u32 $0x2710, v3;
	[tilespmem:s16+$0x7010] =	vst v2;
	v2 =	vadd.s32 v5, v6;
	v5 =	vadd.s32 v0, v12  }
0xfe: {  	v6 =	vmul.u32 $0x2710, v8;
	[tilespmem:s16+$0x7020] =	vst v2;
	v2 =	vadd.s32 v4, v5;
	v4 =	vadd.s32 v0, v13  }
0xff: {  	v5 =	vmul.u32 $0x2710, v7;
	[tilespmem:s16+$0x7030] =	vst v2;
	v2 =	vadd.s32 v3, v4;
	v3 =	vadd.s32 v0, v14  }
0x100: {  	[tilespmem:s16+$0x7040] =	vst v2;
	v2 =	vadd.s32 v6, v3;
	v3 =	vadd.s32 v0, v10  }
0x101: {  	[tilespmem:s16+$0x7050] =	vst v2;
	v2 =	vadd.s32 v5, v3  }
0x102: {  	s17 =	simm.s32 $0x0;
	s18 =	rddreg [dreg:$0x8];
	[tilespmem:s16+$0x7060] =	vst v2  }
0x103: {  	[tilespmem:s17], [sflag:$0x2] =	stream.linear.gather [hbm4b:s18+s17], $0x800, $0x38;
	[tilespmem:$0x19000] =	vst v63  }
0x104: {  	_ =	swait.ge [sflag:s8], $0x800  }
0x105: {  	[sflag:s8] =	ssyncset.done $0x0  }
0x106: {  	s19 =	rddreg [dreg:$0x9];
	[sflag:s8] =	ssyncadd.s32 $0xFFFFF800  }
0x107: {  	[tilespmem:s10], [sflag:$0x2] =	stream.linear.gather [hbm4b:s19+s17], $0x800, $0x38;
	[tilespmem:$0x19000] =	vst v63  }
0x108: {  	_ =	swait.ge [sflag:s8], $0x800  }
0x109: {  	[sflag:s8] =	ssyncset.done $0x0  }
0x10a: {  	s15 =	simm.s32 $0x0;
	[sflag:s8] =	ssyncadd.s32 $0xFFFFF800  }
0x10b: {  	v2 =	vld [tilespmem:s15+$0x870]  }
0x10c: {  	v3 =	vld [tilespmem:s15+$0x70]  }
0x10d: {  	v4 =	vld [tilespmem:s15+$0x800]  }
0x10e: {  	v5 =	vld [tilespmem:s15+$0x810]  }
0x10f: {  	v6 =	vld [tilespmem:s15+$0x820]  }
0x110: {  	v7 =	vld [tilespmem:s15+$0x830]  }
0x111: {  	v11 =	vld [tilespmem:s15+$0x840];
	v2 =	vmul.u32 $0x2710, v2  }
0x112: {  	v13 =	vld [tilespmem:s15+$0x850];
	v3 =	vadd.s32 v0, v3  }
0x113: {  	v14 =	vld [tilespmem:s15+$0x860];
	v2 =	vadd.s32 v2, v3  }
0x114: {  	[tilespmem:s15+$0x7870] =	vst v2;
	v2 =	vld [tilespmem:s15+$0x0]  }
0x115: {  	v15 =	vld [tilespmem:s15+$0x10]  }
0x116: {  	v12 =	vld [tilespmem:s15+$0x20]  }
0x117: {  	v10 =	vld [tilespmem:s15+$0x30];
	v16 =	vmul.u32 $0x2710, v4  }
0x118: {  	v8 =	vld [tilespmem:s15+$0x40];
	v9 =	vmul.u32 $0x2710, v5;
	v6 =	vmul.u32 $0x2710, v6;
	v5 =	vmul.u32 $0x2710, v7  }
0x119: {  	v4 =	vmul.u32 $0x2710, v11;
	v7 =	vld [tilespmem:s15+$0x50];
	v3 =	vmul.u32 $0x2710, v13;
	v11 =	vadd.s32 v0, v2  }
0x11a: {  	s16 =	simm.s32 $0x80;
	s17 =	simm.s32 $0x400;
	v2 =	vmul.u32 $0x2710, v14;
	v14 =	vadd.s32 v0, v15;
	v13 =	vadd.s32 v16, v11;
	v11 =	vld [tilespmem:s15+$0x60]  }
.LBB2_10:
0x11b: {  	p0 =	sne.s32 s17, $0x1E00;
	v15 =	vld [tilespmem:s16+$0x870];
	[tilespmem:s15+$0x7800] =	vst v13;
	v9 =	vadd.s32 v9, v14;
	v12 =	vadd.s32 v0, v12  }
0x11c: {  	v13 =	vld [tilespmem:s16+$0x70];
	[tilespmem:s15+$0x7810] =	vst v9;
	v6 =	vadd.s32 v6, v12;
	v9 =	vadd.s32 v0, v10  }
0x11d: {  	v10 =	vld [tilespmem:s16+$0x800];
	[tilespmem:s15+$0x7820] =	vst v6;
	v5 =	vadd.s32 v5, v9;
	v6 =	vadd.s32 v0, v8  }
0x11e: {  	v8 =	vld [tilespmem:s16+$0x810];
	[tilespmem:s15+$0x7830] =	vst v5;
	v4 =	vadd.s32 v4, v6;
	v5 =	vadd.s32 v0, v7  }
0x11f: {  	v6 =	vld [tilespmem:s16+$0x820];
	[tilespmem:s15+$0x7840] =	vst v4;
	v3 =	vadd.s32 v3, v5;
	v4 =	vadd.s32 v0, v11  }
0x120: {  	v5 =	vld [tilespmem:s16+$0x830];
	v7 =	vmul.u32 $0x2710, v15;
	[tilespmem:s15+$0x7850] =	vst v3;
	v2 =	vadd.s32 v2, v4  }
0x121: {  	v3 =	vld [tilespmem:s16+$0x840];
	v4 =	vadd.s32 v0, v13;
	[tilespmem:s15+$0x7860] =	vst v2;
	s15 =	smov.u32 s16  }
0x122: {  	v11 =	vmul.u32 $0x2710, v10;
	v2 =	vld [tilespmem:s15+$0x850];
	v4 =	vadd.s32 v7, v4  }
0x123: {  	v9 =	vmul.u32 $0x2710, v8;
	v7 =	vld [tilespmem:s15+$0x860];
	[tilespmem:s15+$0x7870] =	vst v4  }
0x124: {  	v13 =	vld [tilespmem:s15+$0x0];
	v6 =	vmul.u32 $0x2710, v6  }
0x125: {  	v14 =	vld [tilespmem:s15+$0x10];
	v5 =	vmul.u32 $0x2710, v5  }
.Ltmp4:
0x126: {  	v12 =	vld [tilespmem:s15+$0x20];
	v4 =	vmul.u32 $0x2710, v3;
	(pc) =	sbr.rel @p0 .LBB2_10-.Ltmp4, $4  }
0x127: {  	v10 =	vld [tilespmem:s15+$0x30];
	v3 =	vmul.u32 $0x2710, v2  }
0x128: {  	v8 =	vld [tilespmem:s15+$0x40];
	v2 =	vmul.u32 $0x2710, v7  }
0x129: {  	v13 =	vadd.s32 v0, v13;
	v7 =	vld [tilespmem:s15+$0x50]  }
0x12a: {  	s16 =	sshra.s32 s17, $0x2;
	s17 =	sadd.s32 $0x200, s17;
	v13 =	vadd.s32 v11, v13;
	v14 =	vadd.s32 v0, v14;
	v11 =	vld [tilespmem:s15+$0x60]  }
0x12b: {  	v15 =	vld [tilespmem:s16+$0x870];
	[tilespmem:s15+$0x7800] =	vst v13;
	v9 =	vadd.s32 v9, v14;
	v12 =	vadd.s32 v0, v12  }
0x12c: {  	v13 =	vld [tilespmem:s16+$0x70];
	[tilespmem:s15+$0x7810] =	vst v9;
	v6 =	vadd.s32 v6, v12;
	v10 =	vadd.s32 v0, v10  }
0x12d: {  	v9 =	vld [tilespmem:s16+$0x800];
	[tilespmem:s15+$0x7820] =	vst v6;
	v5 =	vadd.s32 v5, v10;
	v8 =	vadd.s32 v0, v8  }
0x12e: {  	v6 =	vld [tilespmem:s16+$0x810];
	[tilespmem:s15+$0x7830] =	vst v5;
	v4 =	vadd.s32 v4, v8;
	v7 =	vadd.s32 v0, v7  }
0x12f: {  	v5 =	vld [tilespmem:s16+$0x820];
	[tilespmem:s15+$0x7840] =	vst v4;
	v3 =	vadd.s32 v3, v7;
	v7 =	vadd.s32 v0, v11  }
0x130: {  	v4 =	vld [tilespmem:s16+$0x830];
	[tilespmem:s15+$0x7850] =	vst v3;
	v2 =	vadd.s32 v2, v7  }
0x131: {  	v7 =	vmul.u32 $0x2710, v15;
	v3 =	vld [tilespmem:s16+$0x840];
	[tilespmem:s15+$0x7860] =	vst v2  }
0x132: {  	v2 =	vadd.s32 v0, v13;
	v8 =	vld [tilespmem:s16+$0x850]  }
0x133: {  	v2 =	vadd.s32 v7, v2;
	v7 =	vld [tilespmem:s16+$0x860]  }
0x134: {  	[tilespmem:s16+$0x7870] =	vst v2;
	v2 =	vld [tilespmem:s16+$0x0]  }
0x135: {  	v10 =	vld [tilespmem:s16+$0x10]  }
0x136: {  	v11 =	vld [tilespmem:s16+$0x20]  }
0x137: {  	v12 =	vld [tilespmem:s16+$0x30]  }
0x138: {  	v9 =	vmul.u32 $0x2710, v9;
	v13 =	vld [tilespmem:s16+$0x40]  }
0x139: {  	v14 =	vld [tilespmem:s16+$0x50];
	v6 =	vmul.u32 $0x2710, v6;
	v2 =	vadd.s32 v0, v2  }
0x13a: {  	v5 =	vmul.u32 $0x2710, v5;
	v2 =	vadd.s32 v9, v2;
	v9 =	vadd.s32 v0, v10;
	v10 =	vld [tilespmem:s16+$0x60]  }
0x13b: {  	v4 =	vmul.u32 $0x2710, v4;
	[tilespmem:s16+$0x7800] =	vst v2;
	v2 =	vadd.s32 v6, v9;
	v6 =	vadd.s32 v0, v11  }
0x13c: {  	v3 =	vmul.u32 $0x2710, v3;
	[tilespmem:s16+$0x7810] =	vst v2;
	v2 =	vadd.s32 v5, v6;
	v5 =	vadd.s32 v0, v12  }
0x13d: {  	v6 =	vmul.u32 $0x2710, v8;
	[tilespmem:s16+$0x7820] =	vst v2;
	v2 =	vadd.s32 v4, v5;
	v4 =	vadd.s32 v0, v13  }
0x13e: {  	v5 =	vmul.u32 $0x2710, v7;
	[tilespmem:s16+$0x7830] =	vst v2;
	v2 =	vadd.s32 v3, v4;
	v3 =	vadd.s32 v0, v14  }
0x13f: {  	[tilespmem:s16+$0x7840] =	vst v2;
	v2 =	vadd.s32 v6, v3;
	v3 =	vadd.s32 v0, v10  }
0x140: {  	[tilespmem:s16+$0x7850] =	vst v2;
	v2 =	vadd.s32 v5, v3  }
0x141: {  	s17 =	simm.s32 $0x0;
	s18 =	rddreg [dreg:$0xa];
	[tilespmem:s16+$0x7860] =	vst v2  }
0x142: {  	[tilespmem:s17], [sflag:$0x2] =	stream.linear.gather [hbm4b:s18+s17], $0x800, $0x38;
	[tilespmem:$0x19000] =	vst v63  }
0x143: {  	_ =	swait.ge [sflag:s8], $0x800  }
0x144: {  	[sflag:s8] =	ssyncset.done $0x0  }
0x145: {  	s19 =	rddreg [dreg:$0xb];
	[sflag:s8] =	ssyncadd.s32 $0xFFFFF800  }
0x146: {  	[tilespmem:s10], [sflag:$0x2] =	stream.linear.gather [hbm4b:s19+s17], $0x800, $0x38;
	[tilespmem:$0x19000] =	vst v63  }
0x147: {  	_ =	swait.ge [sflag:s8], $0x800  }
0x148: {  	[sflag:s8] =	ssyncset.done $0x0  }
0x149: {  	s15 =	simm.s32 $0x0;
	[sflag:s8] =	ssyncadd.s32 $0xFFFFF800  }
0x14a: {  	v2 =	vld [tilespmem:s15+$0x870]  }
0x14b: {  	v3 =	vld [tilespmem:s15+$0x70]  }
0x14c: {  	v4 =	vld [tilespmem:s15+$0x800]  }
0x14d: {  	v5 =	vld [tilespmem:s15+$0x810]  }
0x14e: {  	v6 =	vld [tilespmem:s15+$0x820]  }
0x14f: {  	v7 =	vld [tilespmem:s15+$0x830]  }
0x150: {  	v11 =	vld [tilespmem:s15+$0x840];
	v2 =	vmul.u32 $0x2710, v2  }
0x151: {  	v13 =	vld [tilespmem:s15+$0x850];
	v3 =	vadd.s32 v0, v3  }
0x152: {  	v14 =	vld [tilespmem:s15+$0x860];
	v2 =	vadd.s32 v2, v3  }
0x153: {  	[tilespmem:s15+$0x8070] =	vst v2;
	v2 =	vld [tilespmem:s15+$0x0]  }
0x154: {  	v15 =	vld [tilespmem:s15+$0x10]  }
0x155: {  	v12 =	vld [tilespmem:s15+$0x20]  }
0x156: {  	v10 =	vld [tilespmem:s15+$0x30];
	v16 =	vmul.u32 $0x2710, v4  }
0x157: {  	v8 =	vld [tilespmem:s15+$0x40];
	v9 =	vmul.u32 $0x2710, v5;
	v6 =	vmul.u32 $0x2710, v6;
	v5 =	vmul.u32 $0x2710, v7  }
0x158: {  	v4 =	vmul.u32 $0x2710, v11;
	v7 =	vld [tilespmem:s15+$0x50];
	v3 =	vmul.u32 $0x2710, v13;
	v11 =	vadd.s32 v0, v2  }
0x159: {  	s16 =	simm.s32 $0x80;
	s17 =	simm.s32 $0x400;
	v2 =	vmul.u32 $0x2710, v14;
	v14 =	vadd.s32 v0, v15;
	v13 =	vadd.s32 v16, v11;
	v11 =	vld [tilespmem:s15+$0x60]  }
.LBB2_12:
0x15a: {  	p0 =	sne.s32 s17, $0x1E00;
	v15 =	vld [tilespmem:s16+$0x870];
	[tilespmem:s15+$0x8000] =	vst v13;
	v9 =	vadd.s32 v9, v14;
	v12 =	vadd.s32 v0, v12  }
0x15b: {  	v13 =	vld [tilespmem:s16+$0x70];
	[tilespmem:s15+$0x8010] =	vst v9;
	v6 =	vadd.s32 v6, v12;
	v9 =	vadd.s32 v0, v10  }
0x15c: {  	v10 =	vld [tilespmem:s16+$0x800];
	[tilespmem:s15+$0x8020] =	vst v6;
	v5 =	vadd.s32 v5, v9;
	v6 =	vadd.s32 v0, v8  }
0x15d: {  	v8 =	vld [tilespmem:s16+$0x810];
	[tilespmem:s15+$0x8030] =	vst v5;
	v4 =	vadd.s32 v4, v6;
	v5 =	vadd.s32 v0, v7  }
0x15e: {  	v6 =	vld [tilespmem:s16+$0x820];
	[tilespmem:s15+$0x8040] =	vst v4;
	v3 =	vadd.s32 v3, v5;
	v4 =	vadd.s32 v0, v11  }
0x15f: {  	v5 =	vld [tilespmem:s16+$0x830];
	v7 =	vmul.u32 $0x2710, v15;
	[tilespmem:s15+$0x8050] =	vst v3;
	v2 =	vadd.s32 v2, v4  }
0x160: {  	v3 =	vld [tilespmem:s16+$0x840];
	v4 =	vadd.s32 v0, v13;
	[tilespmem:s15+$0x8060] =	vst v2;
	s15 =	smov.u32 s16  }
0x161: {  	v11 =	vmul.u32 $0x2710, v10;
	v2 =	vld [tilespmem:s15+$0x850];
	v4 =	vadd.s32 v7, v4  }
0x162: {  	v9 =	vmul.u32 $0x2710, v8;
	v7 =	vld [tilespmem:s15+$0x860];
	[tilespmem:s15+$0x8070] =	vst v4  }
0x163: {  	v13 =	vld [tilespmem:s15+$0x0];
	v6 =	vmul.u32 $0x2710, v6  }
0x164: {  	v14 =	vld [tilespmem:s15+$0x10];
	v5 =	vmul.u32 $0x2710, v5  }
.Ltmp5:
0x165: {  	v12 =	vld [tilespmem:s15+$0x20];
	v4 =	vmul.u32 $0x2710, v3;
	(pc) =	sbr.rel @p0 .LBB2_12-.Ltmp5, $4  }
0x166: {  	v10 =	vld [tilespmem:s15+$0x30];
	v3 =	vmul.u32 $0x2710, v2  }
0x167: {  	v8 =	vld [tilespmem:s15+$0x40];
	v2 =	vmul.u32 $0x2710, v7  }
0x168: {  	v13 =	vadd.s32 v0, v13;
	v7 =	vld [tilespmem:s15+$0x50]  }
0x169: {  	s16 =	sshra.s32 s17, $0x2;
	s17 =	sadd.s32 $0x200, s17;
	v13 =	vadd.s32 v11, v13;
	v14 =	vadd.s32 v0, v14;
	v11 =	vld [tilespmem:s15+$0x60]  }
0x16a: {  	v15 =	vld [tilespmem:s16+$0x870];
	[tilespmem:s15+$0x8000] =	vst v13;
	v9 =	vadd.s32 v9, v14;
	v12 =	vadd.s32 v0, v12  }
0x16b: {  	v13 =	vld [tilespmem:s16+$0x70];
	[tilespmem:s15+$0x8010] =	vst v9;
	v6 =	vadd.s32 v6, v12;
	v10 =	vadd.s32 v0, v10  }
0x16c: {  	v9 =	vld [tilespmem:s16+$0x800];
	[tilespmem:s15+$0x8020] =	vst v6;
	v5 =	vadd.s32 v5, v10;
	v8 =	vadd.s32 v0, v8  }
0x16d: {  	v6 =	vld [tilespmem:s16+$0x810];
	[tilespmem:s15+$0x8030] =	vst v5;
	v4 =	vadd.s32 v4, v8;
	v7 =	vadd.s32 v0, v7  }
0x16e: {  	v5 =	vld [tilespmem:s16+$0x820];
	[tilespmem:s15+$0x8040] =	vst v4;
	v3 =	vadd.s32 v3, v7;
	v7 =	vadd.s32 v0, v11  }
0x16f: {  	v4 =	vld [tilespmem:s16+$0x830];
	[tilespmem:s15+$0x8050] =	vst v3;
	v2 =	vadd.s32 v2, v7  }
0x170: {  	v7 =	vmul.u32 $0x2710, v15;
	v3 =	vld [tilespmem:s16+$0x840];
	[tilespmem:s15+$0x8060] =	vst v2  }
0x171: {  	v2 =	vadd.s32 v0, v13;
	v8 =	vld [tilespmem:s16+$0x850]  }
0x172: {  	v2 =	vadd.s32 v7, v2;
	v7 =	vld [tilespmem:s16+$0x860]  }
0x173: {  	[tilespmem:s16+$0x8070] =	vst v2;
	v2 =	vld [tilespmem:s16+$0x0]  }
0x174: {  	v10 =	vld [tilespmem:s16+$0x10]  }
0x175: {  	v11 =	vld [tilespmem:s16+$0x20]  }
0x176: {  	v12 =	vld [tilespmem:s16+$0x30]  }
0x177: {  	v9 =	vmul.u32 $0x2710, v9;
	v13 =	vld [tilespmem:s16+$0x40]  }
0x178: {  	v14 =	vld [tilespmem:s16+$0x50];
	v6 =	vmul.u32 $0x2710, v6;
	v2 =	vadd.s32 v0, v2  }
0x179: {  	v5 =	vmul.u32 $0x2710, v5;
	v2 =	vadd.s32 v9, v2;
	v9 =	vadd.s32 v0, v10;
	v10 =	vld [tilespmem:s16+$0x60]  }
0x17a: {  	v4 =	vmul.u32 $0x2710, v4;
	[tilespmem:s16+$0x8000] =	vst v2;
	v2 =	vadd.s32 v6, v9;
	v6 =	vadd.s32 v0, v11  }
0x17b: {  	v3 =	vmul.u32 $0x2710, v3;
	[tilespmem:s16+$0x8010] =	vst v2;
	v2 =	vadd.s32 v5, v6;
	v5 =	vadd.s32 v0, v12  }
0x17c: {  	v6 =	vmul.u32 $0x2710, v8;
	[tilespmem:s16+$0x8020] =	vst v2;
	v2 =	vadd.s32 v4, v5;
	v4 =	vadd.s32 v0, v13  }
0x17d: {  	v5 =	vmul.u32 $0x2710, v7;
	[tilespmem:s16+$0x8030] =	vst v2;
	v2 =	vadd.s32 v3, v4;
	v3 =	vadd.s32 v0, v14  }
0x17e: {  	[tilespmem:s16+$0x8040] =	vst v2;
	v2 =	vadd.s32 v6, v3;
	v3 =	vadd.s32 v0, v10  }
0x17f: {  	[tilespmem:s16+$0x8050] =	vst v2;
	v2 =	vadd.s32 v5, v3  }
0x180: {  	s17 =	simm.s32 $0x0;
	s18 =	rddreg [dreg:$0xc];
	[tilespmem:s16+$0x8060] =	vst v2  }
0x181: {  	[tilespmem:s17], [sflag:$0x2] =	stream.linear.gather [hbm4b:s18+s17], $0x800, $0x38;
	[tilespmem:$0x19000] =	vst v63  }
0x182: {  	_ =	swait.ge [sflag:s8], $0x800  }
0x183: {  	[sflag:s8] =	ssyncset.done $0x0  }
0x184: {  	s19 =	rddreg [dreg:$0xd];
	[sflag:s8] =	ssyncadd.s32 $0xFFFFF800  }
0x185: {  	[tilespmem:s10], [sflag:$0x2] =	stream.linear.gather [hbm4b:s19+s17], $0x800, $0x38;
	[tilespmem:$0x19000] =	vst v63  }
0x186: {  	_ =	swait.ge [sflag:s8], $0x800  }
0x187: {  	[sflag:s8] =	ssyncset.done $0x0  }
0x188: {  	s15 =	simm.s32 $0x0;
	[sflag:s8] =	ssyncadd.s32 $0xFFFFF800  }
0x189: {  	v2 =	vld [tilespmem:s15+$0x870]  }
0x18a: {  	v3 =	vld [tilespmem:s15+$0x70]  }
0x18b: {  	v4 =	vld [tilespmem:s15+$0x800]  }
0x18c: {  	v5 =	vld [tilespmem:s15+$0x810]  }
0x18d: {  	v6 =	vld [tilespmem:s15+$0x820]  }
0x18e: {  	v7 =	vld [tilespmem:s15+$0x830]  }
0x18f: {  	v11 =	vld [tilespmem:s15+$0x840];
	v2 =	vmul.u32 $0x2710, v2  }
0x190: {  	v13 =	vld [tilespmem:s15+$0x850];
	v3 =	vadd.s32 v0, v3  }
0x191: {  	v14 =	vld [tilespmem:s15+$0x860];
	v2 =	vadd.s32 v2, v3  }
0x192: {  	[tilespmem:s15+$0x8870] =	vst v2;
	v2 =	vld [tilespmem:s15+$0x0]  }
0x193: {  	v15 =	vld [tilespmem:s15+$0x10]  }
0x194: {  	v12 =	vld [tilespmem:s15+$0x20]  }
0x195: {  	v10 =	vld [tilespmem:s15+$0x30];
	v16 =	vmul.u32 $0x2710, v4  }
0x196: {  	v8 =	vld [tilespmem:s15+$0x40];
	v9 =	vmul.u32 $0x2710, v5;
	v6 =	vmul.u32 $0x2710, v6;
	v5 =	vmul.u32 $0x2710, v7  }
0x197: {  	v4 =	vmul.u32 $0x2710, v11;
	v7 =	vld [tilespmem:s15+$0x50];
	v3 =	vmul.u32 $0x2710, v13;
	v11 =	vadd.s32 v0, v2  }
0x198: {  	s16 =	simm.s32 $0x80;
	s17 =	simm.s32 $0x400;
	v2 =	vmul.u32 $0x2710, v14;
	v14 =	vadd.s32 v0, v15;
	v13 =	vadd.s32 v16, v11;
	v11 =	vld [tilespmem:s15+$0x60]  }
.LBB2_14:
0x199: {  	p0 =	sne.s32 s17, $0x1E00;
	v15 =	vld [tilespmem:s16+$0x870];
	[tilespmem:s15+$0x8800] =	vst v13;
	v9 =	vadd.s32 v9, v14;
	v12 =	vadd.s32 v0, v12  }
0x19a: {  	v13 =	vld [tilespmem:s16+$0x70];
	[tilespmem:s15+$0x8810] =	vst v9;
	v6 =	vadd.s32 v6, v12;
	v9 =	vadd.s32 v0, v10  }
0x19b: {  	v10 =	vld [tilespmem:s16+$0x800];
	[tilespmem:s15+$0x8820] =	vst v6;
	v5 =	vadd.s32 v5, v9;
	v6 =	vadd.s32 v0, v8  }
0x19c: {  	v8 =	vld [tilespmem:s16+$0x810];
	[tilespmem:s15+$0x8830] =	vst v5;
	v4 =	vadd.s32 v4, v6;
	v5 =	vadd.s32 v0, v7  }
0x19d: {  	v6 =	vld [tilespmem:s16+$0x820];
	[tilespmem:s15+$0x8840] =	vst v4;
	v3 =	vadd.s32 v3, v5;
	v4 =	vadd.s32 v0, v11  }
0x19e: {  	v5 =	vld [tilespmem:s16+$0x830];
	v7 =	vmul.u32 $0x2710, v15;
	[tilespmem:s15+$0x8850] =	vst v3;
	v2 =	vadd.s32 v2, v4  }
0x19f: {  	v3 =	vld [tilespmem:s16+$0x840];
	v4 =	vadd.s32 v0, v13;
	[tilespmem:s15+$0x8860] =	vst v2;
	s15 =	smov.u32 s16  }
0x1a0: {  	v11 =	vmul.u32 $0x2710, v10;
	v2 =	vld [tilespmem:s15+$0x850];
	v4 =	vadd.s32 v7, v4  }
0x1a1: {  	v9 =	vmul.u32 $0x2710, v8;
	v7 =	vld [tilespmem:s15+$0x860];
	[tilespmem:s15+$0x8870] =	vst v4  }
0x1a2: {  	v13 =	vld [tilespmem:s15+$0x0];
	v6 =	vmul.u32 $0x2710, v6  }
0x1a3: {  	v14 =	vld [tilespmem:s15+$0x10];
	v5 =	vmul.u32 $0x2710, v5  }
.Ltmp6:
0x1a4: {  	v12 =	vld [tilespmem:s15+$0x20];
	v4 =	vmul.u32 $0x2710, v3;
	(pc) =	sbr.rel @p0 .LBB2_14-.Ltmp6, $4  }
0x1a5: {  	v10 =	vld [tilespmem:s15+$0x30];
	v3 =	vmul.u32 $0x2710, v2  }
0x1a6: {  	v8 =	vld [tilespmem:s15+$0x40];
	v2 =	vmul.u32 $0x2710, v7  }
0x1a7: {  	v13 =	vadd.s32 v0, v13;
	v7 =	vld [tilespmem:s15+$0x50]  }
0x1a8: {  	s16 =	sshra.s32 s17, $0x2;
	s17 =	sadd.s32 $0x200, s17;
	v13 =	vadd.s32 v11, v13;
	v14 =	vadd.s32 v0, v14;
	v11 =	vld [tilespmem:s15+$0x60]  }
0x1a9: {  	v15 =	vld [tilespmem:s16+$0x870];
	[tilespmem:s15+$0x8800] =	vst v13;
	v9 =	vadd.s32 v9, v14;
	v12 =	vadd.s32 v0, v12  }
0x1aa: {  	v13 =	vld [tilespmem:s16+$0x70];
	[tilespmem:s15+$0x8810] =	vst v9;
	v6 =	vadd.s32 v6, v12;
	v10 =	vadd.s32 v0, v10  }
0x1ab: {  	v9 =	vld [tilespmem:s16+$0x800];
	[tilespmem:s15+$0x8820] =	vst v6;
	v5 =	vadd.s32 v5, v10;
	v8 =	vadd.s32 v0, v8  }
0x1ac: {  	v6 =	vld [tilespmem:s16+$0x810];
	[tilespmem:s15+$0x8830] =	vst v5;
	v4 =	vadd.s32 v4, v8;
	v7 =	vadd.s32 v0, v7  }
0x1ad: {  	v5 =	vld [tilespmem:s16+$0x820];
	[tilespmem:s15+$0x8840] =	vst v4;
	v3 =	vadd.s32 v3, v7;
	v7 =	vadd.s32 v0, v11  }
0x1ae: {  	v4 =	vld [tilespmem:s16+$0x830];
	[tilespmem:s15+$0x8850] =	vst v3;
	v2 =	vadd.s32 v2, v7  }
0x1af: {  	v7 =	vmul.u32 $0x2710, v15;
	v3 =	vld [tilespmem:s16+$0x840];
	[tilespmem:s15+$0x8860] =	vst v2  }
0x1b0: {  	v2 =	vadd.s32 v0, v13;
	v8 =	vld [tilespmem:s16+$0x850]  }
0x1b1: {  	v2 =	vadd.s32 v7, v2;
	v7 =	vld [tilespmem:s16+$0x860]  }
0x1b2: {  	[tilespmem:s16+$0x8870] =	vst v2;
	v2 =	vld [tilespmem:s16+$0x0]  }
0x1b3: {  	v10 =	vld [tilespmem:s16+$0x10]  }
0x1b4: {  	v11 =	vld [tilespmem:s16+$0x20]  }
0x1b5: {  	v12 =	vld [tilespmem:s16+$0x30]  }
0x1b6: {  	v9 =	vmul.u32 $0x2710, v9;
	v13 =	vld [tilespmem:s16+$0x40]  }
0x1b7: {  	v14 =	vld [tilespmem:s16+$0x50];
	v6 =	vmul.u32 $0x2710, v6;
	v2 =	vadd.s32 v0, v2  }
0x1b8: {  	v5 =	vmul.u32 $0x2710, v5;
	v2 =	vadd.s32 v9, v2;
	v9 =	vadd.s32 v0, v10;
	v10 =	vld [tilespmem:s16+$0x60]  }
0x1b9: {  	v4 =	vmul.u32 $0x2710, v4;
	[tilespmem:s16+$0x8800] =	vst v2;
	v2 =	vadd.s32 v6, v9;
	v6 =	vadd.s32 v0, v11  }
0x1ba: {  	v3 =	vmul.u32 $0x2710, v3;
	[tilespmem:s16+$0x8810] =	vst v2;
	v2 =	vadd.s32 v5, v6;
	v5 =	vadd.s32 v0, v12  }
0x1bb: {  	v6 =	vmul.u32 $0x2710, v8;
	[tilespmem:s16+$0x8820] =	vst v2;
	v2 =	vadd.s32 v4, v5;
	v4 =	vadd.s32 v0, v13  }
0x1bc: {  	v5 =	vmul.u32 $0x2710, v7;
	[tilespmem:s16+$0x8830] =	vst v2;
	v2 =	vadd.s32 v3, v4;
	v3 =	vadd.s32 v0, v14  }
0x1bd: {  	[tilespmem:s16+$0x8840] =	vst v2;
	v2 =	vadd.s32 v6, v3;
	v3 =	vadd.s32 v0, v10  }
0x1be: {  	[tilespmem:s16+$0x8850] =	vst v2;
	v2 =	vadd.s32 v5, v3  }
0x1bf: {  	s17 =	simm.s32 $0x0;
	s18 =	rddreg [dreg:$0xe];
	[tilespmem:s16+$0x8860] =	vst v2  }
0x1c0: {  	[tilespmem:s17], [sflag:$0x2] =	stream.linear.gather [hbm4b:s18+s17], $0x800, $0x38;
	[tilespmem:$0x19000] =	vst v63  }
0x1c1: {  	_ =	swait.ge [sflag:s8], $0x800  }
0x1c2: {  	[sflag:s8] =	ssyncset.done $0x0  }
0x1c3: {  	s19 =	rddreg [dreg:$0xf];
	[sflag:s8] =	ssyncadd.s32 $0xFFFFF800  }
0x1c4: {  	[tilespmem:s10], [sflag:$0x2] =	stream.linear.gather [hbm4b:s19+s17], $0x800, $0x38;
	[tilespmem:$0x19000] =	vst v63  }
0x1c5: {  	_ =	swait.ge [sflag:s8], $0x800  }
0x1c6: {  	[sflag:s8] =	ssyncset.done $0x0  }
0x1c7: {  	s15 =	simm.s32 $0x0;
	[sflag:s8] =	ssyncadd.s32 $0xFFFFF800  }
0x1c8: {  	v2 =	vld [tilespmem:s15+$0x870]  }
0x1c9: {  	v3 =	vld [tilespmem:s15+$0x70]  }
0x1ca: {  	v4 =	vld [tilespmem:s15+$0x800]  }
0x1cb: {  	v5 =	vld [tilespmem:s15+$0x810]  }
0x1cc: {  	v6 =	vld [tilespmem:s15+$0x820]  }
0x1cd: {  	v7 =	vld [tilespmem:s15+$0x830]  }
0x1ce: {  	v11 =	vld [tilespmem:s15+$0x840];
	v2 =	vmul.u32 $0x2710, v2  }
0x1cf: {  	v13 =	vld [tilespmem:s15+$0x850];
	v3 =	vadd.s32 v0, v3  }
0x1d0: {  	v14 =	vld [tilespmem:s15+$0x860];
	v2 =	vadd.s32 v2, v3  }
0x1d1: {  	[tilespmem:s15+$0x9070] =	vst v2;
	v2 =	vld [tilespmem:s15+$0x0]  }
0x1d2: {  	v15 =	vld [tilespmem:s15+$0x10]  }
0x1d3: {  	v12 =	vld [tilespmem:s15+$0x20]  }
0x1d4: {  	v10 =	vld [tilespmem:s15+$0x30];
	v16 =	vmul.u32 $0x2710, v4  }
0x1d5: {  	v8 =	vld [tilespmem:s15+$0x40];
	v9 =	vmul.u32 $0x2710, v5;
	v6 =	vmul.u32 $0x2710, v6;
	v5 =	vmul.u32 $0x2710, v7  }
0x1d6: {  	v4 =	vmul.u32 $0x2710, v11;
	v7 =	vld [tilespmem:s15+$0x50];
	v3 =	vmul.u32 $0x2710, v13;
	v11 =	vadd.s32 v0, v2  }
0x1d7: {  	s16 =	simm.s32 $0x80;
	s17 =	simm.s32 $0x400;
	v2 =	vmul.u32 $0x2710, v14;
	v14 =	vadd.s32 v0, v15;
	v13 =	vadd.s32 v16, v11;
	v11 =	vld [tilespmem:s15+$0x60]  }
.LBB2_16:
0x1d8: {  	p0 =	sne.s32 s17, $0x1E00;
	v15 =	vld [tilespmem:s16+$0x870];
	[tilespmem:s15+$0x9000] =	vst v13;
	v9 =	vadd.s32 v9, v14;
	v12 =	vadd.s32 v0, v12  }
0x1d9: {  	v13 =	vld [tilespmem:s16+$0x70];
	[tilespmem:s15+$0x9010] =	vst v9;
	v6 =	vadd.s32 v6, v12;
	v9 =	vadd.s32 v0, v10  }
0x1da: {  	v10 =	vld [tilespmem:s16+$0x800];
	[tilespmem:s15+$0x9020] =	vst v6;
	v5 =	vadd.s32 v5, v9;
	v6 =	vadd.s32 v0, v8  }
0x1db: {  	v8 =	vld [tilespmem:s16+$0x810];
	[tilespmem:s15+$0x9030] =	vst v5;
	v4 =	vadd.s32 v4, v6;
	v5 =	vadd.s32 v0, v7  }
0x1dc: {  	v6 =	vld [tilespmem:s16+$0x820];
	[tilespmem:s15+$0x9040] =	vst v4;
	v3 =	vadd.s32 v3, v5;
	v4 =	vadd.s32 v0, v11  }
0x1dd: {  	v5 =	vld [tilespmem:s16+$0x830];
	v7 =	vmul.u32 $0x2710, v15;
	[tilespmem:s15+$0x9050] =	vst v3;
	v2 =	vadd.s32 v2, v4  }
0x1de: {  	v3 =	vld [tilespmem:s16+$0x840];
	v4 =	vadd.s32 v0, v13;
	[tilespmem:s15+$0x9060] =	vst v2;
	s15 =	smov.u32 s16  }
0x1df: {  	v11 =	vmul.u32 $0x2710, v10;
	v2 =	vld [tilespmem:s15+$0x850];
	v4 =	vadd.s32 v7, v4  }
0x1e0: {  	v9 =	vmul.u32 $0x2710, v8;
	v7 =	vld [tilespmem:s15+$0x860];
	[tilespmem:s15+$0x9070] =	vst v4  }
0x1e1: {  	v13 =	vld [tilespmem:s15+$0x0];
	v6 =	vmul.u32 $0x2710, v6  }
0x1e2: {  	v14 =	vld [tilespmem:s15+$0x10];
	v5 =	vmul.u32 $0x2710, v5  }
.Ltmp7:
0x1e3: {  	v12 =	vld [tilespmem:s15+$0x20];
	v4 =	vmul.u32 $0x2710, v3;
	(pc) =	sbr.rel @p0 .LBB2_16-.Ltmp7, $4  }
0x1e4: {  	v10 =	vld [tilespmem:s15+$0x30];
	v3 =	vmul.u32 $0x2710, v2  }
0x1e5: {  	v8 =	vld [tilespmem:s15+$0x40];
	v2 =	vmul.u32 $0x2710, v7  }
0x1e6: {  	v13 =	vadd.s32 v0, v13;
	v7 =	vld [tilespmem:s15+$0x50]  }
0x1e7: {  	s16 =	sshra.s32 s17, $0x2;
	s17 =	sadd.s32 $0x200, s17;
	v13 =	vadd.s32 v11, v13;
	v14 =	vadd.s32 v0, v14;
	v11 =	vld [tilespmem:s15+$0x60]  }
0x1e8: {  	v15 =	vld [tilespmem:s16+$0x870];
	[tilespmem:s15+$0x9000] =	vst v13;
	v9 =	vadd.s32 v9, v14;
	v12 =	vadd.s32 v0, v12  }
0x1e9: {  	v13 =	vld [tilespmem:s16+$0x70];
	[tilespmem:s15+$0x9010] =	vst v9;
	v6 =	vadd.s32 v6, v12;
	v10 =	vadd.s32 v0, v10  }
0x1ea: {  	v9 =	vld [tilespmem:s16+$0x800];
	[tilespmem:s15+$0x9020] =	vst v6;
	v5 =	vadd.s32 v5, v10;
	v8 =	vadd.s32 v0, v8  }
0x1eb: {  	v6 =	vld [tilespmem:s16+$0x810];
	[tilespmem:s15+$0x9030] =	vst v5;
	v4 =	vadd.s32 v4, v8;
	v7 =	vadd.s32 v0, v7  }
0x1ec: {  	v5 =	vld [tilespmem:s16+$0x820];
	[tilespmem:s15+$0x9040] =	vst v4;
	v3 =	vadd.s32 v3, v7;
	v7 =	vadd.s32 v0, v11  }
0x1ed: {  	v4 =	vld [tilespmem:s16+$0x830];
	[tilespmem:s15+$0x9050] =	vst v3;
	v2 =	vadd.s32 v2, v7  }
0x1ee: {  	v7 =	vmul.u32 $0x2710, v15;
	v3 =	vld [tilespmem:s16+$0x840];
	[tilespmem:s15+$0x9060] =	vst v2  }
0x1ef: {  	v2 =	vadd.s32 v0, v13;
	v8 =	vld [tilespmem:s16+$0x850]  }
0x1f0: {  	v2 =	vadd.s32 v7, v2;
	v7 =	vld [tilespmem:s16+$0x860]  }
0x1f1: {  	[tilespmem:s16+$0x9070] =	vst v2;
	v2 =	vld [tilespmem:s16+$0x0]  }
0x1f2: {  	v10 =	vld [tilespmem:s16+$0x10]  }
0x1f3: {  	v11 =	vld [tilespmem:s16+$0x20]  }
0x1f4: {  	v12 =	vld [tilespmem:s16+$0x30]  }
0x1f5: {  	v9 =	vmul.u32 $0x2710, v9;
	v13 =	vld [tilespmem:s16+$0x40]  }
0x1f6: {  	v14 =	vld [tilespmem:s16+$0x50];
	v6 =	vmul.u32 $0x2710, v6;
	v2 =	vadd.s32 v0, v2  }
0x1f7: {  	v5 =	vmul.u32 $0x2710, v5;
	v2 =	vadd.s32 v9, v2;
	v9 =	vadd.s32 v0, v10;
	v10 =	vld [tilespmem:s16+$0x60]  }
0x1f8: {  	v4 =	vmul.u32 $0x2710, v4;
	[tilespmem:s16+$0x9000] =	vst v2;
	v2 =	vadd.s32 v6, v9;
	v6 =	vadd.s32 v0, v11  }
0x1f9: {  	v3 =	vmul.u32 $0x2710, v3;
	[tilespmem:s16+$0x9010] =	vst v2;
	v2 =	vadd.s32 v5, v6;
	v5 =	vadd.s32 v0, v12  }
0x1fa: {  	v6 =	vmul.u32 $0x2710, v8;
	[tilespmem:s16+$0x9020] =	vst v2;
	v2 =	vadd.s32 v4, v5;
	v4 =	vadd.s32 v0, v13  }
0x1fb: {  	v5 =	vmul.u32 $0x2710, v7;
	[tilespmem:s16+$0x9030] =	vst v2;
	v2 =	vadd.s32 v3, v4;
	v3 =	vadd.s32 v0, v14  }
0x1fc: {  	[tilespmem:s16+$0x9040] =	vst v2;
	v2 =	vadd.s32 v6, v3;
	v3 =	vadd.s32 v0, v10  }
0x1fd: {  	[tilespmem:s16+$0x9050] =	vst v2;
	v2 =	vadd.s32 v5, v3  }
0x1fe: {  	s17 =	simm.s32 $0x0;
	s18 =	rddreg [dreg:$0x10];
	[tilespmem:s16+$0x9060] =	vst v2  }
0x1ff: {  	[tilespmem:s17], [sflag:$0x2] =	stream.linear.gather [hbm4b:s18+s17], $0x800, $0x38;
	[tilespmem:$0x19000] =	vst v63  }
0x200: {  	_ =	swait.ge [sflag:s8], $0x800  }
0x201: {  	[sflag:s8] =	ssyncset.done $0x0  }
0x202: {  	s19 =	rddreg [dreg:$0x11];
	[sflag:s8] =	ssyncadd.s32 $0xFFFFF800  }
0x203: {  	[tilespmem:s10], [sflag:$0x2] =	stream.linear.gather [hbm4b:s19+s17], $0x800, $0x38;
	[tilespmem:$0x19000] =	vst v63  }
0x204: {  	_ =	swait.ge [sflag:s8], $0x800  }
0x205: {  	[sflag:s8] =	ssyncset.done $0x0  }
0x206: {  	s15 =	simm.s32 $0x0;
	[sflag:s8] =	ssyncadd.s32 $0xFFFFF800  }
0x207: {  	v2 =	vld [tilespmem:s15+$0x870]  }
0x208: {  	v3 =	vld [tilespmem:s15+$0x70]  }
0x209: {  	v4 =	vld [tilespmem:s15+$0x800]  }
0x20a: {  	v5 =	vld [tilespmem:s15+$0x810]  }
0x20b: {  	v6 =	vld [tilespmem:s15+$0x820]  }
0x20c: {  	v7 =	vld [tilespmem:s15+$0x830]  }
0x20d: {  	v11 =	vld [tilespmem:s15+$0x840];
	v2 =	vmul.u32 $0x2710, v2  }
0x20e: {  	v13 =	vld [tilespmem:s15+$0x850];
	v3 =	vadd.s32 v0, v3  }
0x20f: {  	v14 =	vld [tilespmem:s15+$0x860];
	v2 =	vadd.s32 v2, v3  }
0x210: {  	[tilespmem:s15+$0x9870] =	vst v2;
	v2 =	vld [tilespmem:s15+$0x0]  }
0x211: {  	v15 =	vld [tilespmem:s15+$0x10]  }
0x212: {  	v12 =	vld [tilespmem:s15+$0x20]  }
0x213: {  	v10 =	vld [tilespmem:s15+$0x30];
	v16 =	vmul.u32 $0x2710, v4  }
0x214: {  	v8 =	vld [tilespmem:s15+$0x40];
	v9 =	vmul.u32 $0x2710, v5;
	v6 =	vmul.u32 $0x2710, v6;
	v5 =	vmul.u32 $0x2710, v7  }
0x215: {  	v4 =	vmul.u32 $0x2710, v11;
	v7 =	vld [tilespmem:s15+$0x50];
	v3 =	vmul.u32 $0x2710, v13;
	v11 =	vadd.s32 v0, v2  }
0x216: {  	s16 =	simm.s32 $0x80;
	s17 =	simm.s32 $0x400;
	v2 =	vmul.u32 $0x2710, v14;
	v14 =	vadd.s32 v0, v15;
	v13 =	vadd.s32 v16, v11;
	v11 =	vld [tilespmem:s15+$0x60]  }
.LBB2_18:
0x217: {  	p0 =	sne.s32 s17, $0x1E00;
	v15 =	vld [tilespmem:s16+$0x870];
	[tilespmem:s15+$0x9800] =	vst v13;
	v9 =	vadd.s32 v9, v14;
	v12 =	vadd.s32 v0, v12  }
0x218: {  	v13 =	vld [tilespmem:s16+$0x70];
	[tilespmem:s15+$0x9810] =	vst v9;
	v6 =	vadd.s32 v6, v12;
	v9 =	vadd.s32 v0, v10  }
0x219: {  	v10 =	vld [tilespmem:s16+$0x800];
	[tilespmem:s15+$0x9820] =	vst v6;
	v5 =	vadd.s32 v5, v9;
	v6 =	vadd.s32 v0, v8  }
0x21a: {  	v8 =	vld [tilespmem:s16+$0x810];
	[tilespmem:s15+$0x9830] =	vst v5;
	v4 =	vadd.s32 v4, v6;
	v5 =	vadd.s32 v0, v7  }
0x21b: {  	v6 =	vld [tilespmem:s16+$0x820];
	[tilespmem:s15+$0x9840] =	vst v4;
	v3 =	vadd.s32 v3, v5;
	v4 =	vadd.s32 v0, v11  }
0x21c: {  	v5 =	vld [tilespmem:s16+$0x830];
	v7 =	vmul.u32 $0x2710, v15;
	[tilespmem:s15+$0x9850] =	vst v3;
	v2 =	vadd.s32 v2, v4  }
0x21d: {  	v3 =	vld [tilespmem:s16+$0x840];
	v4 =	vadd.s32 v0, v13;
	[tilespmem:s15+$0x9860] =	vst v2;
	s15 =	smov.u32 s16  }
0x21e: {  	v11 =	vmul.u32 $0x2710, v10;
	v2 =	vld [tilespmem:s15+$0x850];
	v4 =	vadd.s32 v7, v4  }
0x21f: {  	v9 =	vmul.u32 $0x2710, v8;
	v7 =	vld [tilespmem:s15+$0x860];
	[tilespmem:s15+$0x9870] =	vst v4  }
0x220: {  	v13 =	vld [tilespmem:s15+$0x0];
	v6 =	vmul.u32 $0x2710, v6  }
0x221: {  	v14 =	vld [tilespmem:s15+$0x10];
	v5 =	vmul.u32 $0x2710, v5  }
.Ltmp8:
0x222: {  	v12 =	vld [tilespmem:s15+$0x20];
	v4 =	vmul.u32 $0x2710, v3;
	(pc) =	sbr.rel @p0 .LBB2_18-.Ltmp8, $4  }
0x223: {  	v10 =	vld [tilespmem:s15+$0x30];
	v3 =	vmul.u32 $0x2710, v2  }
0x224: {  	v8 =	vld [tilespmem:s15+$0x40];
	v2 =	vmul.u32 $0x2710, v7  }
0x225: {  	v13 =	vadd.s32 v0, v13;
	v7 =	vld [tilespmem:s15+$0x50]  }
0x226: {  	s16 =	sshra.s32 s17, $0x2;
	s17 =	sadd.s32 $0x200, s17;
	v13 =	vadd.s32 v11, v13;
	v14 =	vadd.s32 v0, v14;
	v11 =	vld [tilespmem:s15+$0x60]  }
0x227: {  	v15 =	vld [tilespmem:s16+$0x870];
	[tilespmem:s15+$0x9800] =	vst v13;
	v9 =	vadd.s32 v9, v14;
	v12 =	vadd.s32 v0, v12  }
0x228: {  	v13 =	vld [tilespmem:s16+$0x70];
	[tilespmem:s15+$0x9810] =	vst v9;
	v6 =	vadd.s32 v6, v12;
	v10 =	vadd.s32 v0, v10  }
0x229: {  	v9 =	vld [tilespmem:s16+$0x800];
	[tilespmem:s15+$0x9820] =	vst v6;
	v5 =	vadd.s32 v5, v10;
	v8 =	vadd.s32 v0, v8  }
0x22a: {  	v6 =	vld [tilespmem:s16+$0x810];
	[tilespmem:s15+$0x9830] =	vst v5;
	v4 =	vadd.s32 v4, v8;
	v7 =	vadd.s32 v0, v7  }
0x22b: {  	v5 =	vld [tilespmem:s16+$0x820];
	[tilespmem:s15+$0x9840] =	vst v4;
	v3 =	vadd.s32 v3, v7;
	v7 =	vadd.s32 v0, v11  }
0x22c: {  	v4 =	vld [tilespmem:s16+$0x830];
	[tilespmem:s15+$0x9850] =	vst v3;
	v2 =	vadd.s32 v2, v7  }
0x22d: {  	v7 =	vmul.u32 $0x2710, v15;
	v3 =	vld [tilespmem:s16+$0x840];
	[tilespmem:s15+$0x9860] =	vst v2  }
0x22e: {  	v2 =	vadd.s32 v0, v13;
	v8 =	vld [tilespmem:s16+$0x850]  }
0x22f: {  	v2 =	vadd.s32 v7, v2;
	v7 =	vld [tilespmem:s16+$0x860]  }
0x230: {  	[tilespmem:s16+$0x9870] =	vst v2;
	v2 =	vld [tilespmem:s16+$0x0]  }
0x231: {  	v10 =	vld [tilespmem:s16+$0x10]  }
0x232: {  	v11 =	vld [tilespmem:s16+$0x20]  }
0x233: {  	v12 =	vld [tilespmem:s16+$0x30]  }
0x234: {  	v9 =	vmul.u32 $0x2710, v9;
	v13 =	vld [tilespmem:s16+$0x40]  }
0x235: {  	v14 =	vld [tilespmem:s16+$0x50];
	v6 =	vmul.u32 $0x2710, v6;
	v2 =	vadd.s32 v0, v2  }
0x236: {  	v5 =	vmul.u32 $0x2710, v5;
	v2 =	vadd.s32 v9, v2;
	v9 =	vadd.s32 v0, v10;
	v10 =	vld [tilespmem:s16+$0x60]  }
0x237: {  	v4 =	vmul.u32 $0x2710, v4;
	[tilespmem:s16+$0x9800] =	vst v2;
	v2 =	vadd.s32 v6, v9;
	v6 =	vadd.s32 v0, v11  }
0x238: {  	v3 =	vmul.u32 $0x2710, v3;
	[tilespmem:s16+$0x9810] =	vst v2;
	v2 =	vadd.s32 v5, v6;
	v5 =	vadd.s32 v0, v12  }
0x239: {  	v6 =	vmul.u32 $0x2710, v8;
	[tilespmem:s16+$0x9820] =	vst v2;
	v2 =	vadd.s32 v4, v5;
	v4 =	vadd.s32 v0, v13  }
0x23a: {  	v5 =	vmul.u32 $0x2710, v7;
	[tilespmem:s16+$0x9830] =	vst v2;
	v2 =	vadd.s32 v3, v4;
	v3 =	vadd.s32 v0, v14  }
0x23b: {  	[tilespmem:s16+$0x9840] =	vst v2;
	v2 =	vadd.s32 v6, v3;
	v3 =	vadd.s32 v0, v10  }
0x23c: {  	[tilespmem:s16+$0x9850] =	vst v2;
	v2 =	vadd.s32 v5, v3  }
0x23d: {  	s17 =	simm.s32 $0x0;
	s18 =	rddreg [dreg:$0x12];
	[tilespmem:s16+$0x9860] =	vst v2  }
0x23e: {  	[tilespmem:s17], [sflag:$0x2] =	stream.linear.gather [hbm4b:s18+s17], $0x800, $0x38;
	[tilespmem:$0x19000] =	vst v63  }
0x23f: {  	_ =	swait.ge [sflag:s8], $0x800  }
0x240: {  	[sflag:s8] =	ssyncset.done $0x0  }
0x241: {  	s19 =	rddreg [dreg:$0x13];
	[sflag:s8] =	ssyncadd.s32 $0xFFFFF800  }
0x242: {  	[tilespmem:s10], [sflag:$0x2] =	stream.linear.gather [hbm4b:s19+s17], $0x800, $0x38;
	[tilespmem:$0x19000] =	vst v63  }
0x243: {  	_ =	swait.ge [sflag:s8], $0x800  }
0x244: {  	[sflag:s8] =	ssyncset.done $0x0  }
0x245: {  	s15 =	simm.s32 $0x0;
	[sflag:s8] =	ssyncadd.s32 $0xFFFFF800  }
0x246: {  	v2 =	vld [tilespmem:s15+$0x870]  }
0x247: {  	v3 =	vld [tilespmem:s15+$0x70]  }
0x248: {  	v4 =	vld [tilespmem:s15+$0x800]  }
0x249: {  	v5 =	vld [tilespmem:s15+$0x810]  }
0x24a: {  	v6 =	vld [tilespmem:s15+$0x820]  }
0x24b: {  	v7 =	vld [tilespmem:s15+$0x830]  }
0x24c: {  	v11 =	vld [tilespmem:s15+$0x840];
	v2 =	vmul.u32 $0x2710, v2  }
0x24d: {  	v13 =	vld [tilespmem:s15+$0x850];
	v3 =	vadd.s32 v0, v3  }
0x24e: {  	v14 =	vld [tilespmem:s15+$0x860];
	v2 =	vadd.s32 v2, v3  }
0x24f: {  	[tilespmem:s15+$0xA070] =	vst v2;
	v2 =	vld [tilespmem:s15+$0x0]  }
0x250: {  	v15 =	vld [tilespmem:s15+$0x10]  }
0x251: {  	v12 =	vld [tilespmem:s15+$0x20]  }
0x252: {  	v10 =	vld [tilespmem:s15+$0x30];
	v16 =	vmul.u32 $0x2710, v4  }
0x253: {  	v8 =	vld [tilespmem:s15+$0x40];
	v9 =	vmul.u32 $0x2710, v5;
	v6 =	vmul.u32 $0x2710, v6;
	v5 =	vmul.u32 $0x2710, v7  }
0x254: {  	v4 =	vmul.u32 $0x2710, v11;
	v7 =	vld [tilespmem:s15+$0x50];
	v3 =	vmul.u32 $0x2710, v13;
	v11 =	vadd.s32 v0, v2  }
0x255: {  	s16 =	simm.s32 $0x80;
	s17 =	simm.s32 $0x400;
	v2 =	vmul.u32 $0x2710, v14;
	v14 =	vadd.s32 v0, v15;
	v13 =	vadd.s32 v16, v11;
	v11 =	vld [tilespmem:s15+$0x60]  }
.LBB2_20:
0x256: {  	p0 =	sne.s32 s17, $0x1E00;
	v15 =	vld [tilespmem:s16+$0x870];
	[tilespmem:s15+$0xA000] =	vst v13;
	v9 =	vadd.s32 v9, v14;
	v12 =	vadd.s32 v0, v12  }
0x257: {  	v13 =	vld [tilespmem:s16+$0x70];
	[tilespmem:s15+$0xA010] =	vst v9;
	v6 =	vadd.s32 v6, v12;
	v9 =	vadd.s32 v0, v10  }
0x258: {  	v10 =	vld [tilespmem:s16+$0x800];
	[tilespmem:s15+$0xA020] =	vst v6;
	v5 =	vadd.s32 v5, v9;
	v6 =	vadd.s32 v0, v8  }
0x259: {  	v8 =	vld [tilespmem:s16+$0x810];
	[tilespmem:s15+$0xA030] =	vst v5;
	v4 =	vadd.s32 v4, v6;
	v5 =	vadd.s32 v0, v7  }
0x25a: {  	v6 =	vld [tilespmem:s16+$0x820];
	[tilespmem:s15+$0xA040] =	vst v4;
	v3 =	vadd.s32 v3, v5;
	v4 =	vadd.s32 v0, v11  }
0x25b: {  	v5 =	vld [tilespmem:s16+$0x830];
	v7 =	vmul.u32 $0x2710, v15;
	[tilespmem:s15+$0xA050] =	vst v3;
	v2 =	vadd.s32 v2, v4  }
0x25c: {  	v3 =	vld [tilespmem:s16+$0x840];
	v4 =	vadd.s32 v0, v13;
	[tilespmem:s15+$0xA060] =	vst v2;
	s15 =	smov.u32 s16  }
0x25d: {  	v11 =	vmul.u32 $0x2710, v10;
	v2 =	vld [tilespmem:s15+$0x850];
	v4 =	vadd.s32 v7, v4  }
0x25e: {  	v9 =	vmul.u32 $0x2710, v8;
	v7 =	vld [tilespmem:s15+$0x860];
	[tilespmem:s15+$0xA070] =	vst v4  }
0x25f: {  	v13 =	vld [tilespmem:s15+$0x0];
	v6 =	vmul.u32 $0x2710, v6  }
0x260: {  	v14 =	vld [tilespmem:s15+$0x10];
	v5 =	vmul.u32 $0x2710, v5  }
.Ltmp9:
0x261: {  	v12 =	vld [tilespmem:s15+$0x20];
	v4 =	vmul.u32 $0x2710, v3;
	(pc) =	sbr.rel @p0 .LBB2_20-.Ltmp9, $4  }
0x262: {  	v10 =	vld [tilespmem:s15+$0x30];
	v3 =	vmul.u32 $0x2710, v2  }
0x263: {  	v8 =	vld [tilespmem:s15+$0x40];
	v2 =	vmul.u32 $0x2710, v7  }
0x264: {  	v13 =	vadd.s32 v0, v13;
	v7 =	vld [tilespmem:s15+$0x50]  }
0x265: {  	s16 =	sshra.s32 s17, $0x2;
	s17 =	sadd.s32 $0x200, s17;
	v13 =	vadd.s32 v11, v13;
	v14 =	vadd.s32 v0, v14;
	v11 =	vld [tilespmem:s15+$0x60]  }
0x266: {  	v15 =	vld [tilespmem:s16+$0x870];
	[tilespmem:s15+$0xA000] =	vst v13;
	v9 =	vadd.s32 v9, v14;
	v12 =	vadd.s32 v0, v12  }
0x267: {  	v13 =	vld [tilespmem:s16+$0x70];
	[tilespmem:s15+$0xA010] =	vst v9;
	v6 =	vadd.s32 v6, v12;
	v10 =	vadd.s32 v0, v10  }
0x268: {  	v9 =	vld [tilespmem:s16+$0x800];
	[tilespmem:s15+$0xA020] =	vst v6;
	v5 =	vadd.s32 v5, v10;
	v8 =	vadd.s32 v0, v8  }
0x269: {  	v6 =	vld [tilespmem:s16+$0x810];
	[tilespmem:s15+$0xA030] =	vst v5;
	v4 =	vadd.s32 v4, v8;
	v7 =	vadd.s32 v0, v7  }
0x26a: {  	v5 =	vld [tilespmem:s16+$0x820];
	[tilespmem:s15+$0xA040] =	vst v4;
	v3 =	vadd.s32 v3, v7;
	v7 =	vadd.s32 v0, v11  }
0x26b: {  	v4 =	vld [tilespmem:s16+$0x830];
	[tilespmem:s15+$0xA050] =	vst v3;
	v2 =	vadd.s32 v2, v7  }
0x26c: {  	v7 =	vmul.u32 $0x2710, v15;
	v3 =	vld [tilespmem:s16+$0x840];
	[tilespmem:s15+$0xA060] =	vst v2  }
0x26d: {  	v2 =	vadd.s32 v0, v13;
	v8 =	vld [tilespmem:s16+$0x850]  }
0x26e: {  	v2 =	vadd.s32 v7, v2;
	v7 =	vld [tilespmem:s16+$0x860]  }
0x26f: {  	[tilespmem:s16+$0xA070] =	vst v2;
	v2 =	vld [tilespmem:s16+$0x0]  }
0x270: {  	v10 =	vld [tilespmem:s16+$0x10]  }
0x271: {  	v11 =	vld [tilespmem:s16+$0x20]  }
0x272: {  	v12 =	vld [tilespmem:s16+$0x30]  }
0x273: {  	v9 =	vmul.u32 $0x2710, v9;
	v13 =	vld [tilespmem:s16+$0x40]  }
0x274: {  	v14 =	vld [tilespmem:s16+$0x50];
	v6 =	vmul.u32 $0x2710, v6;
	v2 =	vadd.s32 v0, v2  }
0x275: {  	v5 =	vmul.u32 $0x2710, v5;
	v2 =	vadd.s32 v9, v2;
	v9 =	vadd.s32 v0, v10;
	v10 =	vld [tilespmem:s16+$0x60]  }
0x276: {  	v4 =	vmul.u32 $0x2710, v4;
	[tilespmem:s16+$0xA000] =	vst v2;
	v2 =	vadd.s32 v6, v9;
	v6 =	vadd.s32 v0, v11  }
0x277: {  	v3 =	vmul.u32 $0x2710, v3;
	[tilespmem:s16+$0xA010] =	vst v2;
	v2 =	vadd.s32 v5, v6;
	v5 =	vadd.s32 v0, v12  }
0x278: {  	v6 =	vmul.u32 $0x2710, v8;
	[tilespmem:s16+$0xA020] =	vst v2;
	v2 =	vadd.s32 v4, v5;
	v4 =	vadd.s32 v0, v13  }
0x279: {  	v5 =	vmul.u32 $0x2710, v7;
	[tilespmem:s16+$0xA030] =	vst v2;
	v2 =	vadd.s32 v3, v4;
	v3 =	vadd.s32 v0, v14  }
0x27a: {  	[tilespmem:s16+$0xA040] =	vst v2;
	v2 =	vadd.s32 v6, v3;
	v3 =	vadd.s32 v0, v10  }
0x27b: {  	[tilespmem:s16+$0xA050] =	vst v2;
	v2 =	vadd.s32 v5, v3  }
0x27c: {  	s19 =	simm.s32 $0x0;
	[tilespmem:s16+$0xA060] =	vst v2  }
0x27d: {  	[tilespmem:s19], [sflag:$0x2] =	stream.linear.gather [hbm4b:s21+s19], $0x800, $0x38;
	[tilespmem:$0x19000] =	vst v63  }
0x27e: {  	_ =	swait.ge [sflag:s8], $0x800  }
0x27f: {  	[sflag:s8] =	ssyncset.done $0x0  }
0x280: {  	[sflag:s8] =	ssyncadd.s32 $0xFFFFF800  }
0x281: {  	[tilespmem:s10], [sflag:$0x2] =	stream.linear.gather [hbm4b:s22+s19], $0x800, $0x38;
	[tilespmem:$0x19000] =	vst v63  }
0x282: {  	_ =	swait.ge [sflag:s8], $0x800  }
0x283: {  	[sflag:s8] =	ssyncset.done $0x0  }
0x284: {  	s15 =	simm.s32 $0x0;
	[sflag:s8] =	ssyncadd.s32 $0xFFFFF800  }
0x285: {  	v2 =	vld [tilespmem:s15+$0x870]  }
0x286: {  	v3 =	vld [tilespmem:s15+$0x70]  }
0x287: {  	v4 =	vld [tilespmem:s15+$0x800]  }
0x288: {  	v5 =	vld [tilespmem:s15+$0x810]  }
0x289: {  	v6 =	vld [tilespmem:s15+$0x820]  }
0x28a: {  	v7 =	vld [tilespmem:s15+$0x830]  }
0x28b: {  	v11 =	vld [tilespmem:s15+$0x840];
	v2 =	vmul.u32 $0x2710, v2  }
0x28c: {  	v13 =	vld [tilespmem:s15+$0x850];
	v3 =	vadd.s32 v0, v3  }
0x28d: {  	v14 =	vld [tilespmem:s15+$0x860];
	v2 =	vadd.s32 v2, v3  }
0x28e: {  	[tilespmem:s15+$0xA870] =	vst v2;
	v2 =	vld [tilespmem:s15+$0x0]  }
0x28f: {  	v15 =	vld [tilespmem:s15+$0x10]  }
0x290: {  	v12 =	vld [tilespmem:s15+$0x20]  }
0x291: {  	v10 =	vld [tilespmem:s15+$0x30];
	v16 =	vmul.u32 $0x2710, v4  }
0x292: {  	v8 =	vld [tilespmem:s15+$0x40];
	v9 =	vmul.u32 $0x2710, v5;
	v6 =	vmul.u32 $0x2710, v6;
	v5 =	vmul.u32 $0x2710, v7  }
0x293: {  	v4 =	vmul.u32 $0x2710, v11;
	v7 =	vld [tilespmem:s15+$0x50];
	v3 =	vmul.u32 $0x2710, v13;
	v11 =	vadd.s32 v0, v2  }
0x294: {  	s17 =	simm.s32 $0x400;
	s16 =	simm.s32 $0x80;
	v2 =	vmul.u32 $0x2710, v14;
	v14 =	vadd.s32 v0, v15;
	v13 =	vadd.s32 v16, v11;
	v11 =	vld [tilespmem:s15+$0x60]  }
.LBB2_22:
0x295: {  	p0 =	sne.s32 s17, $0x1E00;
	v15 =	vld [tilespmem:s16+$0x870];
	[tilespmem:s15+$0xA800] =	vst v13;
	v9 =	vadd.s32 v9, v14;
	v12 =	vadd.s32 v0, v12  }
0x296: {  	v13 =	vld [tilespmem:s16+$0x70];
	[tilespmem:s15+$0xA810] =	vst v9;
	v6 =	vadd.s32 v6, v12;
	v9 =	vadd.s32 v0, v10  }
0x297: {  	v10 =	vld [tilespmem:s16+$0x800];
	[tilespmem:s15+$0xA820] =	vst v6;
	v5 =	vadd.s32 v5, v9;
	v6 =	vadd.s32 v0, v8  }
0x298: {  	v8 =	vld [tilespmem:s16+$0x810];
	[tilespmem:s15+$0xA830] =	vst v5;
	v4 =	vadd.s32 v4, v6;
	v5 =	vadd.s32 v0, v7  }
0x299: {  	v6 =	vld [tilespmem:s16+$0x820];
	[tilespmem:s15+$0xA840] =	vst v4;
	v3 =	vadd.s32 v3, v5;
	v4 =	vadd.s32 v0, v11  }
0x29a: {  	v5 =	vld [tilespmem:s16+$0x830];
	v7 =	vmul.u32 $0x2710, v15;
	[tilespmem:s15+$0xA850] =	vst v3;
	v2 =	vadd.s32 v2, v4  }
0x29b: {  	v3 =	vld [tilespmem:s16+$0x840];
	v4 =	vadd.s32 v0, v13;
	[tilespmem:s15+$0xA860] =	vst v2;
	s15 =	smov.u32 s16  }
0x29c: {  	v11 =	vmul.u32 $0x2710, v10;
	v2 =	vld [tilespmem:s15+$0x850];
	v4 =	vadd.s32 v7, v4  }
0x29d: {  	v9 =	vmul.u32 $0x2710, v8;
	v7 =	vld [tilespmem:s15+$0x860];
	[tilespmem:s15+$0xA870] =	vst v4  }
0x29e: {  	v13 =	vld [tilespmem:s15+$0x0];
	v6 =	vmul.u32 $0x2710, v6  }
0x29f: {  	v14 =	vld [tilespmem:s15+$0x10];
	v5 =	vmul.u32 $0x2710, v5  }
.Ltmp10:
0x2a0: {  	v12 =	vld [tilespmem:s15+$0x20];
	v4 =	vmul.u32 $0x2710, v3;
	(pc) =	sbr.rel @p0 .LBB2_22-.Ltmp10, $4  }
0x2a1: {  	v10 =	vld [tilespmem:s15+$0x30];
	v3 =	vmul.u32 $0x2710, v2  }
0x2a2: {  	v8 =	vld [tilespmem:s15+$0x40];
	v2 =	vmul.u32 $0x2710, v7  }
0x2a3: {  	v13 =	vadd.s32 v0, v13;
	v7 =	vld [tilespmem:s15+$0x50]  }
0x2a4: {  	s16 =	sshra.s32 s17, $0x2;
	s17 =	sadd.s32 $0x200, s17;
	v13 =	vadd.s32 v11, v13;
	v14 =	vadd.s32 v0, v14;
	v11 =	vld [tilespmem:s15+$0x60]  }
0x2a5: {  	v15 =	vld [tilespmem:s16+$0x870];
	[tilespmem:s15+$0xA800] =	vst v13;
	v9 =	vadd.s32 v9, v14;
	v12 =	vadd.s32 v0, v12  }
0x2a6: {  	v13 =	vld [tilespmem:s16+$0x70];
	[tilespmem:s15+$0xA810] =	vst v9;
	v6 =	vadd.s32 v6, v12;
	v10 =	vadd.s32 v0, v10  }
0x2a7: {  	v9 =	vld [tilespmem:s16+$0x800];
	[tilespmem:s15+$0xA820] =	vst v6;
	v5 =	vadd.s32 v5, v10;
	v8 =	vadd.s32 v0, v8  }
0x2a8: {  	v6 =	vld [tilespmem:s16+$0x810];
	[tilespmem:s15+$0xA830] =	vst v5;
	v4 =	vadd.s32 v4, v8;
	v7 =	vadd.s32 v0, v7  }
0x2a9: {  	v5 =	vld [tilespmem:s16+$0x820];
	[tilespmem:s15+$0xA840] =	vst v4;
	v3 =	vadd.s32 v3, v7;
	v48 =	vadd.s32 v0, v11  }
0x2aa: {  	v4 =	vld [tilespmem:s16+$0x830];
	[tilespmem:s15+$0xA850] =	vst v3;
	v2 =	vadd.s32 v2, v48  }
0x2ab: {  	v49 =	vmul.u32 $0x2710, v15;
	v3 =	vld [tilespmem:s16+$0x840];
	[tilespmem:s15+$0xA860] =	vst v2  }
0x2ac: {  	v2 =	vadd.s32 v0, v13;
	v50 =	vld [tilespmem:s16+$0x850]  }
0x2ad: {  	v2 =	vadd.s32 v49, v2;
	v51 =	vld [tilespmem:s16+$0x860]  }
0x2ae: {  	[tilespmem:s16+$0xA870] =	vst v2;
	v2 =	vld [tilespmem:s16+$0x0]  }
0x2af: {  	v52 =	vld [tilespmem:s16+$0x10]  }
0x2b0: {  	v53 =	vld [tilespmem:s16+$0x20]  }
0x2b1: {  	v54 =	vld [tilespmem:s16+$0x30]  }
0x2b2: {  	v9 =	vmul.u32 $0x2710, v9;
	v55 =	vld [tilespmem:s16+$0x40]  }
0x2b3: {  	v56 =	vld [tilespmem:s16+$0x50];
	v6 =	vmul.u32 $0x2710, v6;
	v2 =	vadd.s32 v0, v2  }
0x2b4: {  	v58 =	vld [tilespmem:s16+$0x60];
	v5 =	vmul.u32 $0x2710, v5;
	v57 =	vadd.s32 v0, v52;
	v2 =	vadd.s32 v9, v2  }
0x2b5: {  	v4 =	vmul.u32 $0x2710, v4;
	v59 =	vadd.s32 v0, v53;
	[tilespmem:s16+$0xA800] =	vst v2;
	v2 =	vadd.s32 v6, v57  }
0x2b6: {  	v3 =	vmul.u32 $0x2710, v3;
	v60 =	vadd.s32 v0, v54;
	[tilespmem:s16+$0xA810] =	vst v2;
	v2 =	vadd.s32 v5, v59  }
0x2b7: {  	v61 =	vmul.u32 $0x2710, v50;
	v62 =	vadd.s32 v0, v55;
	[tilespmem:s16+$0xA820] =	vst v2;
	v2 =	vadd.s32 v4, v60  }
0x2b8: {  	v63 =	vmul.u32 $0x2710, v51;
	[tilespmem:s16+$0xA830] =	vst v2;
	v2 =	vadd.s32 v3, v62;
	v3 =	vadd.s32 v0, v56  }
0x2b9: {  	[tilespmem:s16+$0xA840] =	vst v2;
	v2 =	vadd.s32 v61, v3;
	v3 =	vadd.s32 v0, v58  }
0x2ba: {  	[tilespmem:s16+$0xA850] =	vst v2;
	v2 =	vadd.s32 v63, v3  }
0x2bb: {  	[tilespmem:s16+$0xA860] =	vst v2  }
0x2bc: {  	s18 =	simm.s32 $0x6000;
	[bflag:$0x0] =	sbarrier.arrive $0xFFFF  }
0x2bd: {  	[tilespmem:s12], [sflag:$0x1] =	stream.indirect.gather [hbm4b:s30+s11], $0x40, s18, s11, $0xb8;
	[tilespmem:$0x19000] =	vst v63  }
0x2be: {  	_ =	swait.ge [sflag:s13], $0x2000  }
0x2bf: {  	[sflag:s13] =	ssyncset.done $0x0  }
0x2c0: {  	s19 =	simm.s32 $0x1000;
	[sflag:s13] =	ssyncadd.s32 $0xFFFFE000  }
0x2c1: {  	[spmem:s2] =	stream.indirect.scatter.add.f32 [tilespmem:s12], [sflag:$0x2], $0x40, s19, s11, $0xb8;
	[tilespmem:$0x19000] =	vst v63  }
0x2c2: {  	_ =	swait.ge [sflag:s8], $0x2000  }
0x2c3: {  	s15 =	simm.s32 $0x80;
	s16 =	simm.s32 $0x400;
	[sflag:s8] =	ssyncset.done $0x0  }
.LBB2_24:
0x2c4: {  	s17 =	sadd.s32 $0x6000, s15  }
0x2c5: {  	[sflag:s8] =	ssyncadd.s32 $0xFFFFE000;
	s18 =	smov.u32 s16;
	s19 =	sadd.s32 $0x200, s16  }
0x2c6: {  	[tilespmem:s12], [sflag:$0x1] =	stream.indirect.gather [hbm4b:s30+s11], $0x40, s17, s11, $0xb8;
	[tilespmem:$0x19000] =	vst v63  }
0x2c7: {  	p0 =	sne.s32 s16, $0x13E00;
	_ =	swait.ge [sflag:s13], $0x2000  }
.Ltmp11:
0x2c8: {  	[sflag:s13] =	ssyncset.done $0x0;
	(pc) =	sbr.rel @p0 .LBB2_24-.Ltmp11, $4  }
0x2c9: {  	s15 =	sadd.s32 $0x1000, s15;
	[sflag:s13] =	ssyncadd.s32 $0xFFFFE000  }
0x2ca: {  	[spmem:s2] =	stream.indirect.scatter.add.f32 [tilespmem:s12], [sflag:$0x2], $0x40, s15, s11, $0xb8;
	[tilespmem:$0x19000] =	vst v63  }
0x2cb: {  	_ =	swait.ge [sflag:s8], $0x2000  }
0x2cc: {  	s16 =	smov.u32 s19;
	s15 =	sshra.s32 s18, $0x2;
	[sflag:s8] =	ssyncset.done $0x0  }
0x2cd: {  	s16 =	sadd.s32 $0x6000, s15;
	[sflag:s8] =	ssyncadd.s32 $0xFFFFE000  }
0x2ce: {  	[tilespmem:s12], [sflag:$0x1] =	stream.indirect.gather [hbm4b:s30+s11], $0x40, s16, s11, $0xb8;
	[tilespmem:$0x19000] =	vst v63  }
0x2cf: {  	_ =	swait.ge [sflag:s13], $0x2000  }
0x2d0: {  	[sflag:s13] =	ssyncset.done $0x0  }
0x2d1: {  	s19 =	sadd.s32 $0x1000, s15;
	[sflag:s13] =	ssyncadd.s32 $0xFFFFE000  }
0x2d2: {  	[spmem:s2] =	stream.indirect.scatter.add.f32 [tilespmem:s12], [sflag:$0x2], $0x40, s19, s11, $0xb8;
	[tilespmem:$0x19000] =	vst v63  }
0x2d3: {  	_ =	swait.ge [sflag:s8], $0x2000  }
0x2d4: {  	[sflag:s8] =	ssyncset.done $0x0  }
0x2d5: {  	[sflag:s8] =	ssyncadd.s32 $0xFFFFE000  }
0x2d6: {  	[bflag:$0x0] =	sbarrier.arrive $0xFFFF  }
0x2d7: {  	[tilespmem:s9], [sflag:$0x2] =	stream.linear.gather [spmem:s0], $0x2000, $0x38;
	[tilespmem:$0x19000] =	vst v63  }
0x2d8: {  	_ =	swait.ge [sflag:s8], $0x2000  }
0x2d9: {  	[sflag:s8] =	ssyncset.done $0x0  }
0x2da: {  	[sflag:s8] =	ssyncadd.s32 $0xFFFFE000  }
0x2db: {  	[hbm4b:s24+s3] =	stream.linear.scatter [tilespmem:s9], [sflag:$0x2], $0x2000, $0x38;
	[tilespmem:$0x19000] =	vst v63  }
0x2dc: {  	_ =	swait.ge [sflag:s8], $0x2000  }
0x2dd: {  	[sflag:s8] =	ssyncset.done $0x0  }
0x2de: {  	[sflag:s8] =	ssyncadd.s32 $0xFFFFE000  }
0x2df: {  	[tilespmem:s9], [sflag:$0x2] =	stream.linear.gather [spmem:s1], $0x2000, $0x38;
	[tilespmem:$0x19000] =	vst v63  }
0x2e0: {  	_ =	swait.ge [sflag:s8], $0x2000  }
0x2e1: {  	[sflag:s8] =	ssyncset.done $0x0  }
0x2e2: {  	[sflag:s8] =	ssyncadd.s32 $0xFFFFE000  }
0x2e3: {  	[hbm4b:s25+s3] =	stream.linear.scatter [tilespmem:s9], [sflag:$0x2], $0x2000, $0x38;
	[tilespmem:$0x19000] =	vst v63  }
0x2e4: {  	_ =	swait.ge [sflag:s8], $0x2000  }
0x2e5: {  	[sflag:s8] =	ssyncset.done $0x0  }
0x2e6: {  	[sflag:s8] =	ssyncadd.s32 $0xFFFFE000  }
0x2e7: {  	[tilespmem:s9], [sflag:$0x2] =	stream.linear.gather [spmem:s4], $0x2000, $0x38;
	[tilespmem:$0x19000] =	vst v63  }
0x2e8: {  	_ =	swait.ge [sflag:s8], $0x2000  }
0x2e9: {  	[sflag:s8] =	ssyncset.done $0x0  }
0x2ea: {  	[sflag:s8] =	ssyncadd.s32 $0xFFFFE000  }
0x2eb: {  	[hbm4b:s26+s3] =	stream.linear.scatter [tilespmem:s9], [sflag:$0x2], $0x2000, $0x38;
	[tilespmem:$0x19000] =	vst v63  }
0x2ec: {  	_ =	swait.ge [sflag:s8], $0x2000  }
0x2ed: {  	[sflag:s8] =	ssyncset.done $0x0  }
0x2ee: {  	[sflag:s8] =	ssyncadd.s32 $0xFFFFE000  }
0x2ef: {  	[tilespmem:s9], [sflag:$0x2] =	stream.linear.gather [spmem:s5], $0x2000, $0x38;
	[tilespmem:$0x19000] =	vst v63  }
0x2f0: {  	_ =	swait.ge [sflag:s8], $0x2000  }
0x2f1: {  	[sflag:s8] =	ssyncset.done $0x0  }
0x2f2: {  	[sflag:s8] =	ssyncadd.s32 $0xFFFFE000  }
0x2f3: {  	[hbm4b:s28+s3] =	stream.linear.scatter [tilespmem:s9], [sflag:$0x2], $0x2000, $0x38;
	[tilespmem:$0x19000] =	vst v63  }
0x2f4: {  	_ =	swait.ge [sflag:s8], $0x2000  }
0x2f5: {  	[sflag:s8] =	ssyncset.done $0x0  }
0x2f6: {  	[sflag:s8] =	ssyncadd.s32 $0xFFFFE000  }
0x2f7: {  	[tilespmem:s9], [sflag:$0x2] =	stream.linear.gather [spmem:s6], $0x2000, $0x38;
	[tilespmem:$0x19000] =	vst v63  }
0x2f8: {  	s14 =	sadd.s32 $0x1, s14;
	_ =	swait.ge [sflag:s8], $0x2000  }
0x2f9: {  	p0 =	sne.s32 s14, s7;
	[sflag:s8] =	ssyncset.done $0x0  }
.Ltmp12:
0x2fa: {  	[sflag:s8] =	ssyncadd.s32 $0xFFFFE000;
	(pc) =	sbr.rel @p0 .LBB2_1-.Ltmp12, $4  }
0x2fb: {  	[hbm4b:s29+s3] =	stream.linear.scatter [tilespmem:s9], [sflag:$0x2], $0x2000, $0x38;
	[tilespmem:$0x19000] =	vst v63  }
0x2fc: {  	_ =	swait.ge [sflag:s8], $0x2000  }
0x2fd: {  	[sflag:s8] =	ssyncset.done $0x0  }
0x2fe: {  	[sflag:s8] =	ssyncadd.s32 $0xFFFFE000  }
0x2ff: {  	_ =	sfence.sel $0x180000  }
0x300: {  	[bflag:$0x0] =	sbarrier.arrive $0xFFFF  }
0x301: {  	_ =	strace $0x90000047  }
0x302: {  	s0 =	stileid.u32;
	[bflag:$0x2] =	sbarrier.arrive $0xFFFF  }
0x303: {  	p0 =	sne.s32 s0, $0x0;
	s0 =	rddreg [dreg:$0x3]  }
0x304: {  	s0 =	sadd.s32 @!p0 $0x100000, s0  }
0x305: {  	[sflag:s0] =	ssyncadd.tile.s32 @!p0 $0x1;
	_ =	shalt  }
.Lfunc_end2:
_tile_overlayer_lowered:
.L_overlay_start_2:
0x306: {  	(tag) =	ssettag $0x2  }
0x307: {  	s0 =	rddreg [dreg:$0x0];
	s2 =	stileid.u32  }
0x308: {  	s1 =	rddreg [dreg:$0x1];
	p0 =	sne.s32 s2, $0x0  }
0x309: {  	s3 =	rddreg [dreg:$0x2];
	[bflag:$0x3] =	sbarrier.arrive $0xFFFF;
	s2 =	simm.s32 @!p0 $0x1C02  }
0x30a: {  	[timem:s3], [sflag:s2] =	dma.local @!p0 [hbm:s0], s1  }
0x30b: {  	s0 =	simm.s32 @!p0 $0x2  }
0x30c: {  	_ =	swait.ge @!p0 [sflag:s0], s1  }
0x30d: {  	s1 =	ssub.s32 @!p0 $0x0, s1;
	[sflag:s0] =	ssyncset.done @!p0 $0x0  }
0x30e: {  	[sflag:s0] =	ssyncadd.s32 @!p0 s1  }
0x30f: {  	[bflag:$0x3] =	sbarrier.arrive $0xFFFF  }
0x310: {  	_ =	shalt  }

</sc_bundles>
